<compile_context>
chip_gen: v7x
topology: tpu7x:2x2x1
jax: 0.10.2.dev20260603
libtpu: 0.0.44.dev20260713+nightly
codegen_flags: <defaults>
</compile_context>

<pallas_src>
import functools

import jax
import jax.numpy as jnp
from jax import lax
from jax.experimental import pallas as pl
from jax.experimental.pallas import tpu as pltpu
from jax.experimental.pallas import tpu_sc as plsc

VOCAB = 1000000
EMBED_DIM = 32
BATCH = 4096
HIST = 20
IN_FEAT = HIST * EMBED_DIM

NUM_WORKERS = 32
BPW = BATCH // NUM_WORKERS
NBUF = 6
NPRE = 3

_mesh = plsc.VectorSubcoreMesh(core_axis_name="c", subcore_axis_name="s")


@functools.partial(
    pl.kernel,
    mesh=_mesh,
    out_type=jax.ShapeDtypeStruct((HIST, BATCH, EMBED_DIM), jnp.int32),
    scratch_types=[
        pltpu.VMEM((HIST, BPW), jnp.int32),
        pltpu.VMEM((NBUF, BPW, EMBED_DIM), jnp.int32),
        pltpu.SemaphoreType.DMA,
        pltpu.SemaphoreType.DMA,
    ],
    compiler_params=pltpu.CompilerParams(use_tc_tiling_on_sc=False),
)
def _sc_gather(tq_hbm, xq_hbm, out_hbm, idx_v, bufs, gsem, wsem):
    wid = lax.axis_index("s") * 2 + lax.axis_index("c")
    pltpu.sync_copy(xq_hbm.at[wid], idx_v)
    gops = [None] * HIST
    wops = [None] * HIST
    for p in range(NPRE):
        gops[p] = pltpu.async_copy(
            tq_hbm.at[idx_v.at[p]], bufs.at[p % NBUF], gsem)
    for p in range(HIST):
        gops[p].wait()
        wops[p] = pltpu.async_copy(
            bufs.at[p % NBUF], out_hbm.at[p, pl.ds(wid * BPW, BPW)], wsem)
        nxt = p + NPRE
        if nxt < HIST:
            if nxt - NBUF >= 0:
                wops[nxt - NBUF].wait()
            gops[nxt] = pltpu.async_copy(
                tq_hbm.at[idx_v.at[nxt]], bufs.at[nxt % NBUF], gsem)
    for p in range(HIST - NBUF, HIST):
        wops[p].wait()


QSTRIDE = 1 << 17
_TR = 8192


def _tr_body(*refs):
    o_ref = refs[-1]
    tq4 = _TR // 4
    rows = []
    for q in range(4):
        lo = refs[2 * q][...].astype(jnp.bfloat16).astype(jnp.float32)
        hi = refs[2 * q + 1][...].astype(jnp.bfloat16).astype(jnp.float32)
        lo_i = lax.bitcast_convert_type(lo, jnp.int32)
        hi_i = lax.bitcast_convert_type(hi, jnp.int32)
        packed = (hi_i & jnp.int32(-65536)) | (
            (lo_i >> 16) & jnp.int32(0xFFFF))
        y = jnp.concatenate(
            [packed[:, c * tq4:(c + 1) * tq4] for c in range(4)], axis=0)
        rows.append(y.T)
    o_ref[...] = jnp.concatenate(rows, axis=0)


def _tc_transpose(tt):
    nb = QSTRIDE // _TR
    last = (VOCAB - 1) // _TR
    specs = [
        pl.BlockSpec(
            (32, _TR),
            (lambda g: (lambda i: (0, jnp.minimum(g * nb + i, last))))(g))
        for g in range(8)
    ]
    return pl.pallas_call(
        _tr_body,
        grid=(nb,),
        in_specs=specs,
        out_specs=pl.BlockSpec((_TR, 128), lambda i: (i, 0)),
        out_shape=jax.ShapeDtypeStruct((QSTRIDE, 128), jnp.int32),
    )(*([tt] * 8))


_BB = 512


def _mlp_body(cand_ref, sel_ref, w1_ref, b1_ref, w2_ref, b2_ref, w3_ref,
              b3_ref, o_ref):
    fb = _BB // 4
    grp = lax.broadcasted_iota(jnp.int32, (fb, 128), 1) >> 5
    acc = jnp.zeros((fb, 512), jnp.float32)
    for p in range(HIST):
        c = cand_ref[p]
        w = sel_ref[:, p:p + 1]
        pm = (w >> grp) & 1
        bits = jnp.where(pm == 1, c & jnp.int32(-65536), c << 16)
        v = lax.bitcast_convert_type(bits, jnp.float32).astype(jnp.bfloat16)
        acc = acc + jnp.dot(v, w1_ref[p], preferred_element_type=jnp.float32)
    a1 = jnp.maximum(acc + b1_ref[...], 0.0).astype(jnp.bfloat16)
    a2 = jnp.maximum(
        jnp.dot(a1, w2_ref[...], preferred_element_type=jnp.float32)
        + b2_ref[...], 0.0).astype(jnp.bfloat16)
    o_ref[...] = (
        jnp.dot(a2, w3_ref[...], preferred_element_type=jnp.float32)
        + b3_ref[...])


def _tc_mlp(cand, self_, W1bd, b1f, W2bd, b2f, W3bd, b3f):
    fb = _BB // 4
    return pl.pallas_call(
        _mlp_body,
        grid=(BATCH // _BB,),
        in_specs=[
            pl.BlockSpec((HIST, fb, 128), lambda i: (0, i, 0)),
            pl.BlockSpec((fb, HIST), lambda i: (i, 0)),
            pl.BlockSpec((HIST, 128, 512), lambda i: (0, 0, 0)),
            pl.BlockSpec((1, 512), lambda i: (0, 0)),
            pl.BlockSpec((512, 256), lambda i: (0, 0)),
            pl.BlockSpec((1, 256), lambda i: (0, 0)),
            pl.BlockSpec((256, 512), lambda i: (0, 0)),
            pl.BlockSpec((1, 512), lambda i: (0, 0)),
        ],
        out_specs=pl.BlockSpec((fb, 512), lambda i: (i, 0)),
        out_shape=jax.ShapeDtypeStruct((BATCH // 4, 512), jnp.float32),
    )(cand, self_, W1bd, b1f, W2bd, b2f, W3bd, b3f)


def kernel(x, table, W1, b1, W2, b2, W3, b3):
    xi = x.astype(jnp.int32)
    tq = _tc_transpose(table.T)
    tqv = tq.reshape(4 * QSTRIDE, EMBED_DIM)
    R = xi & (QSTRIDE - 1)
    qg = xi >> 18
    r128 = (R & jnp.int32(-4096)) | (qg << 10) | (R & jnp.int32(1023))
    cgrp = (R >> 10) & 3
    xq = (r128 << 2) | cgrp
    par = (xi >> 17) & 1
    xq_t = xq.reshape(NUM_WORKERS, BPW, HIST).transpose(0, 2, 1)
    g = _sc_gather(tqv, xq_t)
    gv = g.reshape(HIST, BATCH // 4, 128)
    par4 = par.reshape(BATCH // 4, 4, HIST)
    sel_f = jnp.sum(par4 << jnp.array([0, 1, 2, 3])[None, :, None], axis=1)
    W13 = W1.reshape(HIST, EMBED_DIM, 128)
    W3p = jnp.pad(W3, ((0, 0), (0, 124)))
    b3p = jnp.pad(b3, (0, 124))
    eye4 = jnp.eye(4, dtype=jnp.float32)
    W1bd = jnp.einsum("ab,pdf->padbf", eye4, W13).reshape(
        HIST, 128, 512).astype(jnp.bfloat16)
    W2bd = jnp.einsum("ab,df->adbf", eye4, W2).reshape(
        512, 256).astype(jnp.bfloat16)
    W3bd = jnp.einsum("ab,df->adbf", eye4, W3p).reshape(
        256, 512).astype(jnp.bfloat16)
    b1f = jnp.tile(b1, 4).reshape(1, 512)
    b2f = jnp.tile(b2, 4).reshape(1, 256)
    b3f = jnp.tile(b3p, 4).reshape(1, 512)
    outf = _tc_mlp(gv, sel_f, W1bd, b1f, W2bd, b2f, W3bd, b3f)
    return outf.reshape(BATCH, 128)[:, :4]

# --- scband reference (transcript-rebuilt; emitter-appended) ---
"""Pipeline reference for scband-fcnnembedding-71201967833947 (READ-ONLY COPY).

The authoritative reference and input builder live on the scoring server;
editing this copy changes nothing except your own understanding.
"""

import jax, jax.numpy as jnp
import numpy as np

VOCAB = 1000000
EMBED_DIM = 32
BATCH = 4096
HIST = 20
IN_FEAT = HIST * EMBED_DIM  # 640 (LazyLinear inferred)


def setup_inputs(seed: int = 0) -> dict:
    key = jax.random.key(seed)
    ks = jax.random.split(key, 8)
    x = jax.random.randint(ks[0], (BATCH, HIST), 0, VOCAB, dtype=jnp.int64 if jax.config.jax_enable_x64 else jnp.int32)
    table = jax.random.normal(ks[1], (VOCAB, EMBED_DIM), dtype=jnp.float32)
    W1 = jax.random.normal(ks[2], (IN_FEAT, 128), dtype=jnp.float32) * (1.0 / np.sqrt(IN_FEAT))
    b1 = jnp.zeros((128,), dtype=jnp.float32)
    W2 = jax.random.normal(ks[3], (128, 64), dtype=jnp.float32) * (1.0 / np.sqrt(128))
    b2 = jnp.zeros((64,), dtype=jnp.float32)
    W3 = jax.random.normal(ks[4], (64, 4), dtype=jnp.float32) * (1.0 / np.sqrt(64))
    b3 = jnp.zeros((4,), dtype=jnp.float32)
    return {"x": x, "table": table, "W1": W1, "b1": b1, "W2": W2, "b2": b2, "W3": W3, "b3": b3}


def reference(x, table, W1, b1, W2, b2, W3, b3):
    # nn.Embedding lookup -> gather
    e = jnp.take(table, x, axis=0)              # [B, L, D]
    h = e.reshape(e.shape[0], -1)               # Flatten -> [B, L*D]
    h = jax.nn.relu(h @ W1 + b1)
    h = jax.nn.relu(h @ W2 + b2)
    out = h @ W3 + b3                            # [B, 4]
    return out

if __name__ == "__main__":
    import jax
    _d = setup_inputs()
    print(jax.jit(kernel)(*tuple(_d.values())))

</pallas_src>

<mosaic_0001>
#map = affine_map<(d0, d1) -> (0, 0)>
#map1 = affine_map<(d0, d1) -> (0, 0, 0)>
module attributes {stable_mosaic.version = 14 : i64} {
  func.func @_sc_gather(%arg0: i32, %arg1: i32, %arg2: memref<524288x32xi32, #tpu.memory_space<hbm>>, %arg3: memref<32x20x128xi32, #tpu.memory_space<hbm>>, %arg4: memref<20x4096x32xi32, #tpu.memory_space<hbm>>, %arg5: memref<20x128xi32, #tpu.memory_space<vmem>>, %arg6: memref<6x128x32xi32, #tpu.memory_space<vmem>>, %arg7: memref<!tpu.dma_semaphore, #tpu.memory_space<semaphore_mem>>, %arg8: memref<!tpu.dma_semaphore, #tpu.memory_space<semaphore_mem>>) attributes {dimension_semantics = [#tpu.dimension_semantics<core_parallel>, #tpu.dimension_semantics<subcore_parallel>], iteration_bounds = array<i64: 2, 16>, scalar_prefetch = 0 : i64, scratch_operands = 4 : i64, tpu.core_type = #tpu.core_type<sc_vector_subcore>, window_params = [{transform_indices = #map}, {transform_indices = #map1}, {transform_indices = #map1}]} {
    %mul3A = arith.constant 2 : i32
    %mul3A_0 = arith.muli %arg1, %mul3A : i32
    %add3A = arith.addi %mul3A_0, %arg0 : i32
    "tpu.region"() ({
      %run_scoped3A = tpu.sem_alloc : memref<!tpu.dma_semaphore, #tpu.memory_space<semaphore_mem>>
      %dma_start3A_1159 = arith.constant 0 : i32
      %dma_start3A_1160 = arith.constant 0 : i32
      %dma_start3A_1161 = tpu.memref_slice %arg3[%add3A, %dma_start3A_1159, %dma_start3A_1160] : memref<32x20x128xi32, #tpu.memory_space<hbm>> -> memref<1x20x128xi32, #tpu.memory_space<hbm>>
      %dma_start3A_1162 = tpu.memref_squeeze %dma_start3A_1161 : memref<1x20x128xi32, #tpu.memory_space<hbm>> -> memref<20x128xi32, #tpu.memory_space<hbm>>
      %dma_start3A_1163 = arith.constant 0 : i32
      %dma_start3A_1164 = arith.constant 0 : i32
      %dma_start3A_1165 = tpu.memref_slice %arg3[%add3A, %dma_start3A_1163, %dma_start3A_1164] : memref<32x20x128xi32, #tpu.memory_space<hbm>> -> memref<1x20x128xi32, #tpu.memory_space<hbm>>
      %dma_start3A_1166 = tpu.memref_squeeze %dma_start3A_1165 : memref<1x20x128xi32, #tpu.memory_space<hbm>> -> memref<20x128xi32, #tpu.memory_space<hbm>>
      tpu.enqueue_dma source(%dma_start3A_1166 : memref<20x128xi32, #tpu.memory_space<hbm>>) target(%arg5 : memref<20x128xi32, #tpu.memory_space<vmem>>) target_semaphore(%run_scoped3A : memref<!tpu.dma_semaphore, #tpu.memory_space<semaphore_mem>>)
      %dma_wait3A_1167 = arith.constant 0 : i32
      %dma_wait3A_1168 = arith.constant 0 : i32
      %dma_wait3A_1169 = tpu.memref_slice %arg3[%add3A, %dma_wait3A_1167, %dma_wait3A_1168] : memref<32x20x128xi32, #tpu.memory_space<hbm>> -> memref<1x20x128xi32, #tpu.memory_space<hbm>>
      %dma_wait3A_1170 = tpu.memref_squeeze %dma_wait3A_1169 : memref<1x20x128xi32, #tpu.memory_space<hbm>> -> memref<20x128xi32, #tpu.memory_space<hbm>>
      %dma_wait3A_1171 = arith.constant 0 : i32
      %dma_wait3A_1172 = arith.constant 0 : i32
      %dma_wait3A_1173 = tpu.memref_slice %arg3[%add3A, %dma_wait3A_1171, %dma_wait3A_1172] : memref<32x20x128xi32, #tpu.memory_space<hbm>> -> memref<1x20x128xi32, #tpu.memory_space<hbm>>
      %dma_wait3A_1174 = tpu.memref_squeeze %dma_wait3A_1173 : memref<1x20x128xi32, #tpu.memory_space<hbm>> -> memref<20x128xi32, #tpu.memory_space<hbm>>
      tpu.wait_dma2 semaphore(%run_scoped3A : memref<!tpu.dma_semaphore, #tpu.memory_space<semaphore_mem>>) src(%dma_wait3A_1174 : memref<20x128xi32, #tpu.memory_space<hbm>>) dst(%arg5 : memref<20x128xi32, #tpu.memory_space<vmem>>)
      tpu.yield
    }) : () -> ()
    %dma_start3A = arith.constant 0 : i32
    %dma_start3A_1 = arith.constant 0 : i32
    %dma_start3A_2 = arith.constant 0 : i32
    %dma_start3A_3 = arith.constant 0 : i32
    %dma_start3A_4 = tpu.memref_slice %arg6[%dma_start3A_1, %dma_start3A_2, %dma_start3A_3] : memref<6x128x32xi32, #tpu.memory_space<vmem>> -> memref<1x128x32xi32, #tpu.memory_space<vmem>>
    %dma_start3A_5 = tpu.memref_squeeze %dma_start3A_4 : memref<1x128x32xi32, #tpu.memory_space<vmem>> -> memref<128x32xi32, #tpu.memory_space<vmem>>
    %dma_start3A_6 = arith.constant 0 : i32
    %dma_start3A_7 = tpu.memref_slice %arg5[%dma_start3A, %dma_start3A_6] : memref<20x128xi32, #tpu.memory_space<vmem>> -> memref<1x128xi32, #tpu.memory_space<vmem>>
    %dma_start3A_8 = tpu.memref_squeeze %dma_start3A_7 : memref<1x128xi32, #tpu.memory_space<vmem>> -> memref<128xi32, #tpu.memory_space<vmem>>
    %dma_start3A_9 = arith.constant 0 : i32
    %dma_start3A_10 = arith.constant 0 : i32
    %dma_start3A_11 = tpu.memref_slice %arg2[%dma_start3A_9, %dma_start3A_10] : memref<524288x32xi32, #tpu.memory_space<hbm>> -> memref<524288x32xi32, #tpu.memory_space<hbm>>
    tpu.enqueue_indirect_dma source(%dma_start3A_11 : memref<524288x32xi32, #tpu.memory_space<hbm>>) target(%dma_start3A_5 : memref<128x32xi32, #tpu.memory_space<vmem>>) offsets(%dma_start3A_8 : memref<128xi32, #tpu.memory_space<vmem>>) semaphore(%arg7 : memref<!tpu.dma_semaphore, #tpu.memory_space<semaphore_mem>>)
    %dma_start3A_12 = arith.constant 1 : i32
    %dma_start3A_13 = arith.constant 1 : i32
    %dma_start3A_14 = arith.constant 0 : i32
    %dma_start3A_15 = arith.constant 0 : i32
    %dma_start3A_16 = tpu.memref_slice %arg6[%dma_start3A_13, %dma_start3A_14, %dma_start3A_15] : memref<6x128x32xi32, #tpu.memory_space<vmem>> -> memref<1x128x32xi32, #tpu.memory_space<vmem>>
    %dma_start3A_17 = tpu.memref_squeeze %dma_start3A_16 : memref<1x128x32xi32, #tpu.memory_space<vmem>> -> memref<128x32xi32, #tpu.memory_space<vmem>>
    %dma_start3A_18 = arith.constant 0 : i32
    %dma_start3A_19 = tpu.memref_slice %arg5[%dma_start3A_12, %dma_start3A_18] : memref<20x128xi32, #tpu.memory_space<vmem>> -> memref<1x128xi32, #tpu.memory_space<vmem>>
    %dma_start3A_20 = tpu.memref_squeeze %dma_start3A_19 : memref<1x128xi32, #tpu.memory_space<vmem>> -> memref<128xi32, #tpu.memory_space<vmem>>
    %dma_start3A_21 = arith.constant 0 : i32
    %dma_start3A_22 = arith.constant 0 : i32
    %dma_start3A_23 = tpu.memref_slice %arg2[%dma_start3A_21, %dma_start3A_22] : memref<524288x32xi32, #tpu.memory_space<hbm>> -> memref<524288x32xi32, #tpu.memory_space<hbm>>
    tpu.enqueue_indirect_dma source(%dma_start3A_23 : memref<524288x32xi32, #tpu.memory_space<hbm>>) target(%dma_start3A_17 : memref<128x32xi32, #tpu.memory_space<vmem>>) offsets(%dma_start3A_20 : memref<128xi32, #tpu.memory_space<vmem>>) semaphore(%arg7 : memref<!tpu.dma_semaphore, #tpu.memory_space<semaphore_mem>>)
    %dma_start3A_24 = arith.constant 2 : i32
    %dma_start3A_25 = arith.constant 2 : i32
    %dma_start3A_26 = arith.constant 0 : i32
    %dma_start3A_27 = arith.constant 0 : i32
    %dma_start3A_28 = tpu.memref_slice %arg6[%dma_start3A_25, %dma_start3A_26, %dma_start3A_27] : memref<6x128x32xi32, #tpu.memory_space<vmem>> -> memref<1x128x32xi32, #tpu.memory_space<vmem>>
    %dma_start3A_29 = tpu.memref_squeeze %dma_start3A_28 : memref<1x128x32xi32, #tpu.memory_space<vmem>> -> memref<128x32xi32, #tpu.memory_space<vmem>>
    %dma_start3A_30 = arith.constant 0 : i32
    %dma_start3A_31 = tpu.memref_slice %arg5[%dma_start3A_24, %dma_start3A_30] : memref<20x128xi32, #tpu.memory_space<vmem>> -> memref<1x128xi32, #tpu.memory_space<vmem>>
    %dma_start3A_32 = tpu.memref_squeeze %dma_start3A_31 : memref<1x128xi32, #tpu.memory_space<vmem>> -> memref<128xi32, #tpu.memory_space<vmem>>
    %dma_start3A_33 = arith.constant 0 : i32
    %dma_start3A_34 = arith.constant 0 : i32
    %dma_start3A_35 = tpu.memref_slice %arg2[%dma_start3A_33, %dma_start3A_34] : memref<524288x32xi32, #tpu.memory_space<hbm>> -> memref<524288x32xi32, #tpu.memory_space<hbm>>
    tpu.enqueue_indirect_dma source(%dma_start3A_35 : memref<524288x32xi32, #tpu.memory_space<hbm>>) target(%dma_start3A_29 : memref<128x32xi32, #tpu.memory_space<vmem>>) offsets(%dma_start3A_32 : memref<128xi32, #tpu.memory_space<vmem>>) semaphore(%arg7 : memref<!tpu.dma_semaphore, #tpu.memory_space<semaphore_mem>>)
    %dma_wait3A = arith.constant 0 : i32
    %dma_wait3A_36 = arith.constant 0 : i32
    %dma_wait3A_37 = arith.constant 0 : i32
    %dma_wait3A_38 = arith.constant 0 : i32
    %dma_wait3A_39 = tpu.memref_slice %arg6[%dma_wait3A_36, %dma_wait3A_37, %dma_wait3A_38] : memref<6x128x32xi32, #tpu.memory_space<vmem>> -> memref<1x128x32xi32, #tpu.memory_space<vmem>>
    %dma_wait3A_40 = tpu.memref_squeeze %dma_wait3A_39 : memref<1x128x32xi32, #tpu.memory_space<vmem>> -> memref<128x32xi32, #tpu.memory_space<vmem>>
    %dma_wait3A_41 = arith.constant 0 : i32
    %dma_wait3A_42 = tpu.memref_slice %arg5[%dma_wait3A, %dma_wait3A_41] : memref<20x128xi32, #tpu.memory_space<vmem>> -> memref<1x128xi32, #tpu.memory_space<vmem>>
    %dma_wait3A_43 = tpu.memref_squeeze %dma_wait3A_42 : memref<1x128xi32, #tpu.memory_space<vmem>> -> memref<128xi32, #tpu.memory_space<vmem>>
    %dma_wait3A_44 = arith.constant 0 : i32
    %dma_wait3A_45 = arith.constant 0 : i32
    %dma_wait3A_46 = tpu.memref_slice %arg2[%dma_wait3A_44, %dma_wait3A_45] : memref<524288x32xi32, #tpu.memory_space<hbm>> -> memref<524288x32xi32, #tpu.memory_space<hbm>>
    tpu.wait_indirect_dma semaphore(%arg7 : memref<!tpu.dma_semaphore, #tpu.memory_space<semaphore_mem>>) src(%dma_wait3A_46 : memref<524288x32xi32, #tpu.memory_space<hbm>>) dst(%dma_wait3A_40 : memref<128x32xi32, #tpu.memory_space<vmem>>)
    %mul3A_47 = arith.constant 128 : i32
    %mul3A_48 = arith.muli %add3A, %mul3A_47 : i32
    %dma_start3A_49 = arith.constant 0 : i32
    %dma_start3A_50 = arith.constant 0 : i32
    %dma_start3A_51 = arith.constant 0 : i32
    %dma_start3A_52 = arith.constant 0 : i32
    %dma_start3A_53 = tpu.memref_slice %arg6[%dma_start3A_49, %dma_start3A_51, %dma_start3A_52] : memref<6x128x32xi32, #tpu.memory_space<vmem>> -> memref<1x128x32xi32, #tpu.memory_space<vmem>>
    %dma_start3A_54 = tpu.memref_squeeze %dma_start3A_53 : memref<1x128x32xi32, #tpu.memory_space<vmem>> -> memref<128x32xi32, #tpu.memory_space<vmem>>
    %dma_start3A_55 = arith.constant 0 : i32
    %dma_start3A_56 = tpu.memref_slice %arg4[%dma_start3A_50, %mul3A_48, %dma_start3A_55] : memref<20x4096x32xi32, #tpu.memory_space<hbm>> -> memref<1x128x32xi32, #tpu.memory_space<hbm>>
    %dma_start3A_57 = tpu.memref_squeeze %dma_start3A_56 : memref<1x128x32xi32, #tpu.memory_space<hbm>> -> memref<128x32xi32, #tpu.memory_space<hbm>>
    %dma_start3A_58 = arith.constant 0 : i32
    %dma_start3A_59 = tpu.memref_slice %arg4[%dma_start3A_50, %mul3A_48, %dma_start3A_58] : memref<20x4096x32xi32, #tpu.memory_space<hbm>> -> memref<1x128x32xi32, #tpu.memory_space<hbm>>
    %dma_start3A_60 = tpu.memref_squeeze %dma_start3A_59 : memref<1x128x32xi32, #tpu.memory_space<hbm>> -> memref<128x32xi32, #tpu.memory_space<hbm>>
    %dma_start3A_61 = arith.constant 0 : i32
    %dma_start3A_62 = arith.constant 0 : i32
    %dma_start3A_63 = tpu.memref_slice %arg6[%dma_start3A_49, %dma_start3A_61, %dma_start3A_62] : memref<6x128x32xi32, #tpu.memory_space<vmem>> -> memref<1x128x32xi32, #tpu.memory_space<vmem>>
    %dma_start3A_64 = tpu.memref_squeeze %dma_start3A_63 : memref<1x128x32xi32, #tpu.memory_space<vmem>> -> memref<128x32xi32, #tpu.memory_space<vmem>>
    tpu.enqueue_dma source(%dma_start3A_64 : memref<128x32xi32, #tpu.memory_space<vmem>>) target(%dma_start3A_60 : memref<128x32xi32, #tpu.memory_space<hbm>>) target_semaphore(%arg8 : memref<!tpu.dma_semaphore, #tpu.memory_space<semaphore_mem>>)
    %dma_start3A_65 = arith.constant 3 : i32
    %dma_start3A_66 = arith.constant 3 : i32
    %dma_start3A_67 = arith.constant 0 : i32
    %dma_start3A_68 = arith.constant 0 : i32
    %dma_start3A_69 = tpu.memref_slice %arg6[%dma_start3A_66, %dma_start3A_67, %dma_start3A_68] : memref<6x128x32xi32, #tpu.memory_space<vmem>> -> memref<1x128x32xi32, #tpu.memory_space<vmem>>
    %dma_start3A_70 = tpu.memref_squeeze %dma_start3A_69 : memref<1x128x32xi32, #tpu.memory_space<vmem>> -> memref<128x32xi32, #tpu.memory_space<vmem>>
    %dma_start3A_71 = arith.constant 0 : i32
    %dma_start3A_72 = tpu.memref_slice %arg5[%dma_start3A_65, %dma_start3A_71] : memref<20x128xi32, #tpu.memory_space<vmem>> -> memref<1x128xi32, #tpu.memory_space<vmem>>
    %dma_start3A_73 = tpu.memref_squeeze %dma_start3A_72 : memref<1x128xi32, #tpu.memory_space<vmem>> -> memref<128xi32, #tpu.memory_space<vmem>>
    %dma_start3A_74 = arith.constant 0 : i32
    %dma_start3A_75 = arith.constant 0 : i32
    %dma_start3A_76 = tpu.memref_slice %arg2[%dma_start3A_74, %dma_start3A_75] : memref<524288x32xi32, #tpu.memory_space<hbm>> -> memref<524288x32xi32, #tpu.memory_space<hbm>>
    tpu.enqueue_indirect_dma source(%dma_start3A_76 : memref<524288x32xi32, #tpu.memory_space<hbm>>) target(%dma_start3A_70 : memref<128x32xi32, #tpu.memory_space<vmem>>) offsets(%dma_start3A_73 : memref<128xi32, #tpu.memory_space<vmem>>) semaphore(%arg7 : memref<!tpu.dma_semaphore, #tpu.memory_space<semaphore_mem>>)
    %dma_wait3A_77 = arith.constant 1 : i32
    %dma_wait3A_78 = arith.constant 1 : i32
    %dma_wait3A_79 = arith.constant 0 : i32
    %dma_wait3A_80 = arith.constant 0 : i32
    %dma_wait3A_81 = tpu.memref_slice %arg6[%dma_wait3A_78, %dma_wait3A_79, %dma_wait3A_80] : memref<6x128x32xi32, #tpu.memory_space<vmem>> -> memref<1x128x32xi32, #tpu.memory_space<vmem>>
    %dma_wait3A_82 = tpu.memref_squeeze %dma_wait3A_81 : memref<1x128x32xi32, #tpu.memory_space<vmem>> -> memref<128x32xi32, #tpu.memory_space<vmem>>
    %dma_wait3A_83 = arith.constant 0 : i32
    %dma_wait3A_84 = tpu.memref_slice %arg5[%dma_wait3A_77, %dma_wait3A_83] : memref<20x128xi32, #tpu.memory_space<vmem>> -> memref<1x128xi32, #tpu.memory_space<vmem>>
    %dma_wait3A_85 = tpu.memref_squeeze %dma_wait3A_84 : memref<1x128xi32, #tpu.memory_space<vmem>> -> memref<128xi32, #tpu.memory_space<vmem>>
    %dma_wait3A_86 = arith.constant 0 : i32
    %dma_wait3A_87 = arith.constant 0 : i32
    %dma_wait3A_88 = tpu.memref_slice %arg2[%dma_wait3A_86, %dma_wait3A_87] : memref<524288x32xi32, #tpu.memory_space<hbm>> -> memref<524288x32xi32, #tpu.memory_space<hbm>>
    tpu.wait_indirect_dma semaphore(%arg7 : memref<!tpu.dma_semaphore, #tpu.memory_space<semaphore_mem>>) src(%dma_wait3A_88 : memref<524288x32xi32, #tpu.memory_space<hbm>>) dst(%dma_wait3A_82 : memref<128x32xi32, #tpu.memory_space<vmem>>)
    %mul3A_89 = arith.constant 128 : i32
    %mul3A_90 = arith.muli %add3A, %mul3A_89 : i32
    %dma_start3A_91 = arith.constant 1 : i32
    %dma_start3A_92 = arith.constant 1 : i32
    %dma_start3A_93 = arith.constant 0 : i32
    %dma_start3A_94 = arith.constant 0 : i32
    %dma_start3A_95 = tpu.memref_slice %arg6[%dma_start3A_91, %dma_start3A_93, %dma_start3A_94] : memref<6x128x32xi32, #tpu.memory_space<vmem>> -> memref<1x128x32xi32, #tpu.memory_space<vmem>>
    %dma_start3A_96 = tpu.memref_squeeze %dma_start3A_95 : memref<1x128x32xi32, #tpu.memory_space<vmem>> -> memref<128x32xi32, #tpu.memory_space<vmem>>
    %dma_start3A_97 = arith.constant 0 : i32
    %dma_start3A_98 = tpu.memref_slice %arg4[%dma_start3A_92, %mul3A_90, %dma_start3A_97] : memref<20x4096x32xi32, #tpu.memory_space<hbm>> -> memref<1x128x32xi32, #tpu.memory_space<hbm>>
    %dma_start3A_99 = tpu.memref_squeeze %dma_start3A_98 : memref<1x128x32xi32, #tpu.memory_space<hbm>> -> memref<128x32xi32, #tpu.memory_space<hbm>>
    %dma_start3A_100 = arith.constant 0 : i32
    %dma_start3A_101 = tpu.memref_slice %arg4[%dma_start3A_92, %mul3A_90, %dma_start3A_100] : memref<20x4096x32xi32, #tpu.memory_space<hbm>> -> memref<1x128x32xi32, #tpu.memory_space<hbm>>
    %dma_start3A_102 = tpu.memref_squeeze %dma_start3A_101 : memref<1x128x32xi32, #tpu.memory_space<hbm>> -> memref<128x32xi32, #tpu.memory_space<hbm>>
    %dma_start3A_103 = arith.constant 0 : i32
    %dma_start3A_104 = arith.constant 0 : i32
    %dma_start3A_105 = tpu.memref_slice %arg6[%dma_start3A_91, %dma_start3A_103, %dma_start3A_104] : memref<6x128x32xi32, #tpu.memory_space<vmem>> -> memref<1x128x32xi32, #tpu.memory_space<vmem>>
    %dma_start3A_106 = tpu.memref_squeeze %dma_start3A_105 : memref<1x128x32xi32, #tpu.memory_space<vmem>> -> memref<128x32xi32, #tpu.memory_space<vmem>>
    tpu.enqueue_dma source(%dma_start3A_106 : memref<128x32xi32, #tpu.memory_space<vmem>>) target(%dma_start3A_102 : memref<128x32xi32, #tpu.memory_space<hbm>>) target_semaphore(%arg8 : memref<!tpu.dma_semaphore, #tpu.memory_space<semaphore_mem>>)
    %dma_start3A_107 = arith.constant 4 : i32
    %dma_start3A_108 = arith.constant 4 : i32
    %dma_start3A_109 = arith.constant 0 : i32
    %dma_start3A_110 = arith.constant 0 : i32
    %dma_start3A_111 = tpu.memref_slice %arg6[%dma_start3A_108, %dma_start3A_109, %dma_start3A_110] : memref<6x128x32xi32, #tpu.memory_space<vmem>> -> memref<1x128x32xi32, #tpu.memory_space<vmem>>
    %dma_start3A_112 = tpu.memref_squeeze %dma_start3A_111 : memref<1x128x32xi32, #tpu.memory_space<vmem>> -> memref<128x32xi32, #tpu.memory_space<vmem>>
    %dma_start3A_113 = arith.constant 0 : i32
    %dma_start3A_114 = tpu.memref_slice %arg5[%dma_start3A_107, %dma_start3A_113] : memref<20x128xi32, #tpu.memory_space<vmem>> -> memref<1x128xi32, #tpu.memory_space<vmem>>
    %dma_start3A_115 = tpu.memref_squeeze %dma_start3A_114 : memref<1x128xi32, #tpu.memory_space<vmem>> -> memref<128xi32, #tpu.memory_space<vmem>>
    %dma_start3A_116 = arith.constant 0 : i32
    %dma_start3A_117 = arith.constant 0 : i32
    %dma_start3A_118 = tpu.memref_slice %arg2[%dma_start3A_116, %dma_start3A_117] : memref<524288x32xi32, #tpu.memory_space<hbm>> -> memref<524288x32xi32, #tpu.memory_space<hbm>>
    tpu.enqueue_indirect_dma source(%dma_start3A_118 : memref<524288x32xi32, #tpu.memory_space<hbm>>) target(%dma_start3A_112 : memref<128x32xi32, #tpu.memory_space<vmem>>) offsets(%dma_start3A_115 : memref<128xi32, #tpu.memory_space<vmem>>) semaphore(%arg7 : memref<!tpu.dma_semaphore, #tpu.memory_space<semaphore_mem>>)
    %dma_wait3A_119 = arith.constant 2 : i32
    %dma_wait3A_120 = arith.constant 2 : i32
    %dma_wait3A_121 = arith.constant 0 : i32
    %dma_wait3A_122 = arith.constant 0 : i32
    %dma_wait3A_123 = tpu.memref_slice %arg6[%dma_wait3A_120, %dma_wait3A_121, %dma_wait3A_122] : memref<6x128x32xi32, #tpu.memory_space<vmem>> -> memref<1x128x32xi32, #tpu.memory_space<vmem>>
    %dma_wait3A_124 = tpu.memref_squeeze %dma_wait3A_123 : memref<1x128x32xi32, #tpu.memory_space<vmem>> -> memref<128x32xi32, #tpu.memory_space<vmem>>
    %dma_wait3A_125 = arith.constant 0 : i32
    %dma_wait3A_126 = tpu.memref_slice %arg5[%dma_wait3A_119, %dma_wait3A_125] : memref<20x128xi32, #tpu.memory_space<vmem>> -> memref<1x128xi32, #tpu.memory_space<vmem>>
    %dma_wait3A_127 = tpu.memref_squeeze %dma_wait3A_126 : memref<1x128xi32, #tpu.memory_space<vmem>> -> memref<128xi32, #tpu.memory_space<vmem>>
    %dma_wait3A_128 = arith.constant 0 : i32
    %dma_wait3A_129 = arith.constant 0 : i32
    %dma_wait3A_130 = tpu.memref_slice %arg2[%dma_wait3A_128, %dma_wait3A_129] : memref<524288x32xi32, #tpu.memory_space<hbm>> -> memref<524288x32xi32, #tpu.memory_space<hbm>>
    tpu.wait_indirect_dma semaphore(%arg7 : memref<!tpu.dma_semaphore, #tpu.memory_space<semaphore_mem>>) src(%dma_wait3A_130 : memref<524288x32xi32, #tpu.memory_space<hbm>>) dst(%dma_wait3A_124 : memref<128x32xi32, #tpu.memory_space<vmem>>)
    %mul3A_131 = arith.constant 128 : i32
    %mul3A_132 = arith.muli %add3A, %mul3A_131 : i32
    %dma_start3A_133 = arith.constant 2 : i32
    %dma_start3A_134 = arith.constant 2 : i32
    %dma_start3A_135 = arith.constant 0 : i32
    %dma_start3A_136 = arith.constant 0 : i32
    %dma_start3A_137 = tpu.memref_slice %arg6[%dma_start3A_133, %dma_start3A_135, %dma_start3A_136] : memref<6x128x32xi32, #tpu.memory_space<vmem>> -> memref<1x128x32xi32, #tpu.memory_space<vmem>>
    %dma_start3A_138 = tpu.memref_squeeze %dma_start3A_137 : memref<1x128x32xi32, #tpu.memory_space<vmem>> -> memref<128x32xi32, #tpu.memory_space<vmem>>
    %dma_start3A_139 = arith.constant 0 : i32
    %dma_start3A_140 = tpu.memref_slice %arg4[%dma_start3A_134, %mul3A_132, %dma_start3A_139] : memref<20x4096x32xi32, #tpu.memory_space<hbm>> -> memref<1x128x32xi32, #tpu.memory_space<hbm>>
    %dma_start3A_141 = tpu.memref_squeeze %dma_start3A_140 : memref<1x128x32xi32, #tpu.memory_space<hbm>> -> memref<128x32xi32, #tpu.memory_space<hbm>>
    %dma_start3A_142 = arith.constant 0 : i32
    %dma_start3A_143 = tpu.memref_slice %arg4[%dma_start3A_134, %mul3A_132, %dma_start3A_142] : memref<20x4096x32xi32, #tpu.memory_space<hbm>> -> memref<1x128x32xi32, #tpu.memory_space<hbm>>
    %dma_start3A_144 = tpu.memref_squeeze %dma_start3A_143 : memref<1x128x32xi32, #tpu.memory_space<hbm>> -> memref<128x32xi32, #tpu.memory_space<hbm>>
    %dma_start3A_145 = arith.constant 0 : i32
    %dma_start3A_146 = arith.constant 0 : i32
    %dma_start3A_147 = tpu.memref_slice %arg6[%dma_start3A_133, %dma_start3A_145, %dma_start3A_146] : memref<6x128x32xi32, #tpu.memory_space<vmem>> -> memref<1x128x32xi32, #tpu.memory_space<vmem>>
    %dma_start3A_148 = tpu.memref_squeeze %dma_start3A_147 : memref<1x128x32xi32, #tpu.memory_space<vmem>> -> memref<128x32xi32, #tpu.memory_space<vmem>>
    tpu.enqueue_dma source(%dma_start3A_148 : memref<128x32xi32, #tpu.memory_space<vmem>>) target(%dma_start3A_144 : memref<128x32xi32, #tpu.memory_space<hbm>>) target_semaphore(%arg8 : memref<!tpu.dma_semaphore, #tpu.memory_space<semaphore_mem>>)
    %dma_start3A_149 = arith.constant 5 : i32
    %dma_start3A_150 = arith.constant 5 : i32
    %dma_start3A_151 = arith.constant 0 : i32
    %dma_start3A_152 = arith.constant 0 : i32
    %dma_start3A_153 = tpu.memref_slice %arg6[%dma_start3A_150, %dma_start3A_151, %dma_start3A_152] : memref<6x128x32xi32, #tpu.memory_space<vmem>> -> memref<1x128x32xi32, #tpu.memory_space<vmem>>
    %dma_start3A_154 = tpu.memref_squeeze %dma_start3A_153 : memref<1x128x32xi32, #tpu.memory_space<vmem>> -> memref<128x32xi32, #tpu.memory_space<vmem>>
    %dma_start3A_155 = arith.constant 0 : i32
    %dma_start3A_156 = tpu.memref_slice %arg5[%dma_start3A_149, %dma_start3A_155] : memref<20x128xi32, #tpu.memory_space<vmem>> -> memref<1x128xi32, #tpu.memory_space<vmem>>
    %dma_start3A_157 = tpu.memref_squeeze %dma_start3A_156 : memref<1x128xi32, #tpu.memory_space<vmem>> -> memref<128xi32, #tpu.memory_space<vmem>>
    %dma_start3A_158 = arith.constant 0 : i32
    %dma_start3A_159 = arith.constant 0 : i32
    %dma_start3A_160 = tpu.memref_slice %arg2[%dma_start3A_158, %dma_start3A_159] : memref<524288x32xi32, #tpu.memory_space<hbm>> -> memref<524288x32xi32, #tpu.memory_space<hbm>>
    tpu.enqueue_indirect_dma source(%dma_start3A_160 : memref<524288x32xi32, #tpu.memory_space<hbm>>) target(%dma_start3A_154 : memref<128x32xi32, #tpu.memory_space<vmem>>) offsets(%dma_start3A_157 : memref<128xi32, #tpu.memory_space<vmem>>) semaphore(%arg7 : memref<!tpu.dma_semaphore, #tpu.memory_space<semaphore_mem>>)
    %dma_wait3A_161 = arith.constant 3 : i32
    %dma_wait3A_162 = arith.constant 3 : i32
    %dma_wait3A_163 = arith.constant 0 : i32
    %dma_wait3A_164 = arith.constant 0 : i32
    %dma_wait3A_165 = tpu.memref_slice %arg6[%dma_wait3A_162, %dma_wait3A_163, %dma_wait3A_164] : memref<6x128x32xi32, #tpu.memory_space<vmem>> -> memref<1x128x32xi32, #tpu.memory_space<vmem>>
    %dma_wait3A_166 = tpu.memref_squeeze %dma_wait3A_165 : memref<1x128x32xi32, #tpu.memory_space<vmem>> -> memref<128x32xi32, #tpu.memory_space<vmem>>
    %dma_wait3A_167 = arith.constant 0 : i32
    %dma_wait3A_168 = tpu.memref_slice %arg5[%dma_wait3A_161, %dma_wait3A_167] : memref<20x128xi32, #tpu.memory_space<vmem>> -> memref<1x128xi32, #tpu.memory_space<vmem>>
    %dma_wait3A_169 = tpu.memref_squeeze %dma_wait3A_168 : memref<1x128xi32, #tpu.memory_space<vmem>> -> memref<128xi32, #tpu.memory_space<vmem>>
    %dma_wait3A_170 = arith.constant 0 : i32
    %dma_wait3A_171 = arith.constant 0 : i32
    %dma_wait3A_172 = tpu.memref_slice %arg2[%dma_wait3A_170, %dma_wait3A_171] : memref<524288x32xi32, #tpu.memory_space<hbm>> -> memref<524288x32xi32, #tpu.memory_space<hbm>>
    tpu.wait_indirect_dma semaphore(%arg7 : memref<!tpu.dma_semaphore, #tpu.memory_space<semaphore_mem>>) src(%dma_wait3A_172 : memref<524288x32xi32, #tpu.memory_space<hbm>>) dst(%dma_wait3A_166 : memref<128x32xi32, #tpu.memory_space<vmem>>)
    %mul3A_173 = arith.constant 128 : i32
    %mul3A_174 = arith.muli %add3A, %mul3A_173 : i32
    %dma_start3A_175 = arith.constant 3 : i32
    %dma_start3A_176 = arith.constant 3 : i32
    %dma_start3A_177 = arith.constant 0 : i32
    %dma_start3A_178 = arith.constant 0 : i32
    %dma_start3A_179 = tpu.memref_slice %arg6[%dma_start3A_175, %dma_start3A_177, %dma_start3A_178] : memref<6x128x32xi32, #tpu.memory_space<vmem>> -> memref<1x128x32xi32, #tpu.memory_space<vmem>>
    %dma_start3A_180 = tpu.memref_squeeze %dma_start3A_179 : memref<1x128x32xi32, #tpu.memory_space<vmem>> -> memref<128x32xi32, #tpu.memory_space<vmem>>
    %dma_start3A_181 = arith.constant 0 : i32
    %dma_start3A_182 = tpu.memref_slice %arg4[%dma_start3A_176, %mul3A_174, %dma_start3A_181] : memref<20x4096x32xi32, #tpu.memory_space<hbm>> -> memref<1x128x32xi32, #tpu.memory_space<hbm>>
    %dma_start3A_183 = tpu.memref_squeeze %dma_start3A_182 : memref<1x128x32xi32, #tpu.memory_space<hbm>> -> memref<128x32xi32, #tpu.memory_space<hbm>>
    %dma_start3A_184 = arith.constant 0 : i32
    %dma_start3A_185 = tpu.memref_slice %arg4[%dma_start3A_176, %mul3A_174, %dma_start3A_184] : memref<20x4096x32xi32, #tpu.memory_space<hbm>> -> memref<1x128x32xi32, #tpu.memory_space<hbm>>
    %dma_start3A_186 = tpu.memref_squeeze %dma_start3A_185 : memref<1x128x32xi32, #tpu.memory_space<hbm>> -> memref<128x32xi32, #tpu.memory_space<hbm>>
    %dma_start3A_187 = arith.constant 0 : i32
    %dma_start3A_188 = arith.constant 0 : i32
    %dma_start3A_189 = tpu.memref_slice %arg6[%dma_start3A_175, %dma_start3A_187, %dma_start3A_188] : memref<6x128x32xi32, #tpu.memory_space<vmem>> -> memref<1x128x32xi32, #tpu.memory_space<vmem>>
    %dma_start3A_190 = tpu.memref_squeeze %dma_start3A_189 : memref<1x128x32xi32, #tpu.memory_space<vmem>> -> memref<128x32xi32, #tpu.memory_space<vmem>>
    tpu.enqueue_dma source(%dma_start3A_190 : memref<128x32xi32, #tpu.memory_space<vmem>>) target(%dma_start3A_186 : memref<128x32xi32, #tpu.memory_space<hbm>>) target_semaphore(%arg8 : memref<!tpu.dma_semaphore, #tpu.memory_space<semaphore_mem>>)
    %dma_wait3A_191 = arith.constant 0 : i32
    %dma_wait3A_192 = arith.constant 0 : i32
    %dma_wait3A_193 = arith.constant 0 : i32
    %dma_wait3A_194 = arith.constant 0 : i32
    %dma_wait3A_195 = tpu.memref_slice %arg6[%dma_wait3A_191, %dma_wait3A_193, %dma_wait3A_194] : memref<6x128x32xi32, #tpu.memory_space<vmem>> -> memref<1x128x32xi32, #tpu.memory_space<vmem>>
    %dma_wait3A_196 = tpu.memref_squeeze %dma_wait3A_195 : memref<1x128x32xi32, #tpu.memory_space<vmem>> -> memref<128x32xi32, #tpu.memory_space<vmem>>
    %dma_wait3A_197 = arith.constant 0 : i32
    %dma_wait3A_198 = tpu.memref_slice %arg4[%dma_wait3A_192, %mul3A_48, %dma_wait3A_197] : memref<20x4096x32xi32, #tpu.memory_space<hbm>> -> memref<1x128x32xi32, #tpu.memory_space<hbm>>
    %dma_wait3A_199 = tpu.memref_squeeze %dma_wait3A_198 : memref<1x128x32xi32, #tpu.memory_space<hbm>> -> memref<128x32xi32, #tpu.memory_space<hbm>>
    %dma_wait3A_200 = arith.constant 0 : i32
    %dma_wait3A_201 = tpu.memref_slice %arg4[%dma_wait3A_192, %mul3A_48, %dma_wait3A_200] : memref<20x4096x32xi32, #tpu.memory_space<hbm>> -> memref<1x128x32xi32, #tpu.memory_space<hbm>>
    %dma_wait3A_202 = tpu.memref_squeeze %dma_wait3A_201 : memref<1x128x32xi32, #tpu.memory_space<hbm>> -> memref<128x32xi32, #tpu.memory_space<hbm>>
    %dma_wait3A_203 = arith.constant 0 : i32
    %dma_wait3A_204 = arith.constant 0 : i32
    %dma_wait3A_205 = tpu.memref_slice %arg6[%dma_wait3A_191, %dma_wait3A_203, %dma_wait3A_204] : memref<6x128x32xi32, #tpu.memory_space<vmem>> -> memref<1x128x32xi32, #tpu.memory_space<vmem>>
    %dma_wait3A_206 = tpu.memref_squeeze %dma_wait3A_205 : memref<1x128x32xi32, #tpu.memory_space<vmem>> -> memref<128x32xi32, #tpu.memory_space<vmem>>
    tpu.wait_dma2 semaphore(%arg8 : memref<!tpu.dma_semaphore, #tpu.memory_space<semaphore_mem>>) src(%dma_wait3A_206 : memref<128x32xi32, #tpu.memory_space<vmem>>) dst(%dma_wait3A_202 : memref<128x32xi32, #tpu.memory_space<hbm>>)
    %dma_start3A_207 = arith.constant 6 : i32
    %dma_start3A_208 = arith.constant 0 : i32
    %dma_start3A_209 = arith.constant 0 : i32
    %dma_start3A_210 = arith.constant 0 : i32
    %dma_start3A_211 = tpu.memref_slice %arg6[%dma_start3A_208, %dma_start3A_209, %dma_start3A_210] : memref<6x128x32xi32, #tpu.memory_space<vmem>> -> memref<1x128x32xi32, #tpu.memory_space<vmem>>
    %dma_start3A_212 = tpu.memref_squeeze %dma_start3A_211 : memref<1x128x32xi32, #tpu.memory_space<vmem>> -> memref<128x32xi32, #tpu.memory_space<vmem>>
    %dma_start3A_213 = arith.constant 0 : i32
    %dma_start3A_214 = tpu.memref_slice %arg5[%dma_start3A_207, %dma_start3A_213] : memref<20x128xi32, #tpu.memory_space<vmem>> -> memref<1x128xi32, #tpu.memory_space<vmem>>
    %dma_start3A_215 = tpu.memref_squeeze %dma_start3A_214 : memref<1x128xi32, #tpu.memory_space<vmem>> -> memref<128xi32, #tpu.memory_space<vmem>>
    %dma_start3A_216 = arith.constant 0 : i32
    %dma_start3A_217 = arith.constant 0 : i32
    %dma_start3A_218 = tpu.memref_slice %arg2[%dma_start3A_216, %dma_start3A_217] : memref<524288x32xi32, #tpu.memory_space<hbm>> -> memref<524288x32xi32, #tpu.memory_space<hbm>>
    tpu.enqueue_indirect_dma source(%dma_start3A_218 : memref<524288x32xi32, #tpu.memory_space<hbm>>) target(%dma_start3A_212 : memref<128x32xi32, #tpu.memory_space<vmem>>) offsets(%dma_start3A_215 : memref<128xi32, #tpu.memory_space<vmem>>) semaphore(%arg7 : memref<!tpu.dma_semaphore, #tpu.memory_space<semaphore_mem>>)
    %dma_wait3A_219 = arith.constant 4 : i32
    %dma_wait3A_220 = arith.constant 4 : i32
    %dma_wait3A_221 = arith.constant 0 : i32
    %dma_wait3A_222 = arith.constant 0 : i32
    %dma_wait3A_223 = tpu.memref_slice %arg6[%dma_wait3A_220, %dma_wait3A_221, %dma_wait3A_222] : memref<6x128x32xi32, #tpu.memory_space<vmem>> -> memref<1x128x32xi32, #tpu.memory_space<vmem>>
    %dma_wait3A_224 = tpu.memref_squeeze %dma_wait3A_223 : memref<1x128x32xi32, #tpu.memory_space<vmem>> -> memref<128x32xi32, #tpu.memory_space<vmem>>
    %dma_wait3A_225 = arith.constant 0 : i32
    %dma_wait3A_226 = tpu.memref_slice %arg5[%dma_wait3A_219, %dma_wait3A_225] : memref<20x128xi32, #tpu.memory_space<vmem>> -> memref<1x128xi32, #tpu.memory_space<vmem>>
    %dma_wait3A_227 = tpu.memref_squeeze %dma_wait3A_226 : memref<1x128xi32, #tpu.memory_space<vmem>> -> memref<128xi32, #tpu.memory_space<vmem>>
    %dma_wait3A_228 = arith.constant 0 : i32
    %dma_wait3A_229 = arith.constant 0 : i32
    %dma_wait3A_230 = tpu.memref_slice %arg2[%dma_wait3A_228, %dma_wait3A_229] : memref<524288x32xi32, #tpu.memory_space<hbm>> -> memref<524288x32xi32, #tpu.memory_space<hbm>>
    tpu.wait_indirect_dma semaphore(%arg7 : memref<!tpu.dma_semaphore, #tpu.memory_space<semaphore_mem>>) src(%dma_wait3A_230 : memref<524288x32xi32, #tpu.memory_space<hbm>>) dst(%dma_wait3A_224 : memref<128x32xi32, #tpu.memory_space<vmem>>)
    %mul3A_231 = arith.constant 128 : i32
    %mul3A_232 = arith.muli %add3A, %mul3A_231 : i32
    %dma_start3A_233 = arith.constant 4 : i32
    %dma_start3A_234 = arith.constant 4 : i32
    %dma_start3A_235 = arith.constant 0 : i32
    %dma_start3A_236 = arith.constant 0 : i32
    %dma_start3A_237 = tpu.memref_slice %arg6[%dma_start3A_233, %dma_start3A_235, %dma_start3A_236] : memref<6x128x32xi32, #tpu.memory_space<vmem>> -> memref<1x128x32xi32, #tpu.memory_space<vmem>>
    %dma_start3A_238 = tpu.memref_squeeze %dma_start3A_237 : memref<1x128x32xi32, #tpu.memory_space<vmem>> -> memref<128x32xi32, #tpu.memory_space<vmem>>
    %dma_start3A_239 = arith.constant 0 : i32
    %dma_start3A_240 = tpu.memref_slice %arg4[%dma_start3A_234, %mul3A_232, %dma_start3A_239] : memref<20x4096x32xi32, #tpu.memory_space<hbm>> -> memref<1x128x32xi32, #tpu.memory_space<hbm>>
    %dma_start3A_241 = tpu.memref_squeeze %dma_start3A_240 : memref<1x128x32xi32, #tpu.memory_space<hbm>> -> memref<128x32xi32, #tpu.memory_space<hbm>>
    %dma_start3A_242 = arith.constant 0 : i32
    %dma_start3A_243 = tpu.memref_slice %arg4[%dma_start3A_234, %mul3A_232, %dma_start3A_242] : memref<20x4096x32xi32, #tpu.memory_space<hbm>> -> memref<1x128x32xi32, #tpu.memory_space<hbm>>
    %dma_start3A_244 = tpu.memref_squeeze %dma_start3A_243 : memref<1x128x32xi32, #tpu.memory_space<hbm>> -> memref<128x32xi32, #tpu.memory_space<hbm>>
    %dma_start3A_245 = arith.constant 0 : i32
    %dma_start3A_246 = arith.constant 0 : i32
    %dma_start3A_247 = tpu.memref_slice %arg6[%dma_start3A_233, %dma_start3A_245, %dma_start3A_246] : memref<6x128x32xi32, #tpu.memory_space<vmem>> -> memref<1x128x32xi32, #tpu.memory_space<vmem>>
    %dma_start3A_248 = tpu.memref_squeeze %dma_start3A_247 : memref<1x128x32xi32, #tpu.memory_space<vmem>> -> memref<128x32xi32, #tpu.memory_space<vmem>>
    tpu.enqueue_dma source(%dma_start3A_248 : memref<128x32xi32, #tpu.memory_space<vmem>>) target(%dma_start3A_244 : memref<128x32xi32, #tpu.memory_space<hbm>>) target_semaphore(%arg8 : memref<!tpu.dma_semaphore, #tpu.memory_space<semaphore_mem>>)
    %dma_wait3A_249 = arith.constant 1 : i32
    %dma_wait3A_250 = arith.constant 1 : i32
    %dma_wait3A_251 = arith.constant 0 : i32
    %dma_wait3A_252 = arith.constant 0 : i32
    %dma_wait3A_253 = tpu.memref_slice %arg6[%dma_wait3A_249, %dma_wait3A_251, %dma_wait3A_252] : memref<6x128x32xi32, #tpu.memory_space<vmem>> -> memref<1x128x32xi32, #tpu.memory_space<vmem>>
    %dma_wait3A_254 = tpu.memref_squeeze %dma_wait3A_253 : memref<1x128x32xi32, #tpu.memory_space<vmem>> -> memref<128x32xi32, #tpu.memory_space<vmem>>
    %dma_wait3A_255 = arith.constant 0 : i32
    %dma_wait3A_256 = tpu.memref_slice %arg4[%dma_wait3A_250, %mul3A_90, %dma_wait3A_255] : memref<20x4096x32xi32, #tpu.memory_space<hbm>> -> memref<1x128x32xi32, #tpu.memory_space<hbm>>
    %dma_wait3A_257 = tpu.memref_squeeze %dma_wait3A_256 : memref<1x128x32xi32, #tpu.memory_space<hbm>> -> memref<128x32xi32, #tpu.memory_space<hbm>>
    %dma_wait3A_258 = arith.constant 0 : i32
    %dma_wait3A_259 = tpu.memref_slice %arg4[%dma_wait3A_250, %mul3A_90, %dma_wait3A_258] : memref<20x4096x32xi32, #tpu.memory_space<hbm>> -> memref<1x128x32xi32, #tpu.memory_space<hbm>>
    %dma_wait3A_260 = tpu.memref_squeeze %dma_wait3A_259 : memref<1x128x32xi32, #tpu.memory_space<hbm>> -> memref<128x32xi32, #tpu.memory_space<hbm>>
    %dma_wait3A_261 = arith.constant 0 : i32
    %dma_wait3A_262 = arith.constant 0 : i32
    %dma_wait3A_263 = tpu.memref_slice %arg6[%dma_wait3A_249, %dma_wait3A_261, %dma_wait3A_262] : memref<6x128x32xi32, #tpu.memory_space<vmem>> -> memref<1x128x32xi32, #tpu.memory_space<vmem>>
    %dma_wait3A_264 = tpu.memref_squeeze %dma_wait3A_263 : memref<1x128x32xi32, #tpu.memory_space<vmem>> -> memref<128x32xi32, #tpu.memory_space<vmem>>
    tpu.wait_dma2 semaphore(%arg8 : memref<!tpu.dma_semaphore, #tpu.memory_space<semaphore_mem>>) src(%dma_wait3A_264 : memref<128x32xi32, #tpu.memory_space<vmem>>) dst(%dma_wait3A_260 : memref<128x32xi32, #tpu.memory_space<hbm>>)
    %dma_start3A_265 = arith.constant 7 : i32
    %dma_start3A_266 = arith.constant 1 : i32
    %dma_start3A_267 = arith.constant 0 : i32
    %dma_start3A_268 = arith.constant 0 : i32
    %dma_start3A_269 = tpu.memref_slice %arg6[%dma_start3A_266, %dma_start3A_267, %dma_start3A_268] : memref<6x128x32xi32, #tpu.memory_space<vmem>> -> memref<1x128x32xi32, #tpu.memory_space<vmem>>
    %dma_start3A_270 = tpu.memref_squeeze %dma_start3A_269 : memref<1x128x32xi32, #tpu.memory_space<vmem>> -> memref<128x32xi32, #tpu.memory_space<vmem>>
    %dma_start3A_271 = arith.constant 0 : i32
    %dma_start3A_272 = tpu.memref_slice %arg5[%dma_start3A_265, %dma_start3A_271] : memref<20x128xi32, #tpu.memory_space<vmem>> -> memref<1x128xi32, #tpu.memory_space<vmem>>
    %dma_start3A_273 = tpu.memref_squeeze %dma_start3A_272 : memref<1x128xi32, #tpu.memory_space<vmem>> -> memref<128xi32, #tpu.memory_space<vmem>>
    %dma_start3A_274 = arith.constant 0 : i32
    %dma_start3A_275 = arith.constant 0 : i32
    %dma_start3A_276 = tpu.memref_slice %arg2[%dma_start3A_274, %dma_start3A_275] : memref<524288x32xi32, #tpu.memory_space<hbm>> -> memref<524288x32xi32, #tpu.memory_space<hbm>>
    tpu.enqueue_indirect_dma source(%dma_start3A_276 : memref<524288x32xi32, #tpu.memory_space<hbm>>) target(%dma_start3A_270 : memref<128x32xi32, #tpu.memory_space<vmem>>) offsets(%dma_start3A_273 : memref<128xi32, #tpu.memory_space<vmem>>) semaphore(%arg7 : memref<!tpu.dma_semaphore, #tpu.memory_space<semaphore_mem>>)
    %dma_wait3A_277 = arith.constant 5 : i32
    %dma_wait3A_278 = arith.constant 5 : i32
    %dma_wait3A_279 = arith.constant 0 : i32
    %dma_wait3A_280 = arith.constant 0 : i32
    %dma_wait3A_281 = tpu.memref_slice %arg6[%dma_wait3A_278, %dma_wait3A_279, %dma_wait3A_280] : memref<6x128x32xi32, #tpu.memory_space<vmem>> -> memref<1x128x32xi32, #tpu.memory_space<vmem>>
    %dma_wait3A_282 = tpu.memref_squeeze %dma_wait3A_281 : memref<1x128x32xi32, #tpu.memory_space<vmem>> -> memref<128x32xi32, #tpu.memory_space<vmem>>
    %dma_wait3A_283 = arith.constant 0 : i32
    %dma_wait3A_284 = tpu.memref_slice %arg5[%dma_wait3A_277, %dma_wait3A_283] : memref<20x128xi32, #tpu.memory_space<vmem>> -> memref<1x128xi32, #tpu.memory_space<vmem>>
    %dma_wait3A_285 = tpu.memref_squeeze %dma_wait3A_284 : memref<1x128xi32, #tpu.memory_space<vmem>> -> memref<128xi32, #tpu.memory_space<vmem>>
    %dma_wait3A_286 = arith.constant 0 : i32
    %dma_wait3A_287 = arith.constant 0 : i32
    %dma_wait3A_288 = tpu.memref_slice %arg2[%dma_wait3A_286, %dma_wait3A_287] : memref<524288x32xi32, #tpu.memory_space<hbm>> -> memref<524288x32xi32, #tpu.memory_space<hbm>>
    tpu.wait_indirect_dma semaphore(%arg7 : memref<!tpu.dma_semaphore, #tpu.memory_space<semaphore_mem>>) src(%dma_wait3A_288 : memref<524288x32xi32, #tpu.memory_space<hbm>>) dst(%dma_wait3A_282 : memref<128x32xi32, #tpu.memory_space<vmem>>)
    %mul3A_289 = arith.constant 128 : i32
    %mul3A_290 = arith.muli %add3A, %mul3A_289 : i32
    %dma_start3A_291 = arith.constant 5 : i32
    %dma_start3A_292 = arith.constant 5 : i32
    %dma_start3A_293 = arith.constant 0 : i32
    %dma_start3A_294 = arith.constant 0 : i32
    %dma_start3A_295 = tpu.memref_slice %arg6[%dma_start3A_291, %dma_start3A_293, %dma_start3A_294] : memref<6x128x32xi32, #tpu.memory_space<vmem>> -> memref<1x128x32xi32, #tpu.memory_space<vmem>>
    %dma_start3A_296 = tpu.memref_squeeze %dma_start3A_295 : memref<1x128x32xi32, #tpu.memory_space<vmem>> -> memref<128x32xi32, #tpu.memory_space<vmem>>
    %dma_start3A_297 = arith.constant 0 : i32
    %dma_start3A_298 = tpu.memref_slice %arg4[%dma_start3A_292, %mul3A_290, %dma_start3A_297] : memref<20x4096x32xi32, #tpu.memory_space<hbm>> -> memref<1x128x32xi32, #tpu.memory_space<hbm>>
    %dma_start3A_299 = tpu.memref_squeeze %dma_start3A_298 : memref<1x128x32xi32, #tpu.memory_space<hbm>> -> memref<128x32xi32, #tpu.memory_space<hbm>>
    %dma_start3A_300 = arith.constant 0 : i32
    %dma_start3A_301 = tpu.memref_slice %arg4[%dma_start3A_292, %mul3A_290, %dma_start3A_300] : memref<20x4096x32xi32, #tpu.memory_space<hbm>> -> memref<1x128x32xi32, #tpu.memory_space<hbm>>
    %dma_start3A_302 = tpu.memref_squeeze %dma_start3A_301 : memref<1x128x32xi32, #tpu.memory_space<hbm>> -> memref<128x32xi32, #tpu.memory_space<hbm>>
    %dma_start3A_303 = arith.constant 0 : i32
    %dma_start3A_304 = arith.constant 0 : i32
    %dma_start3A_305 = tpu.memref_slice %arg6[%dma_start3A_291, %dma_start3A_303, %dma_start3A_304] : memref<6x128x32xi32, #tpu.memory_space<vmem>> -> memref<1x128x32xi32, #tpu.memory_space<vmem>>
    %dma_start3A_306 = tpu.memref_squeeze %dma_start3A_305 : memref<1x128x32xi32, #tpu.memory_space<vmem>> -> memref<128x32xi32, #tpu.memory_space<vmem>>
    tpu.enqueue_dma source(%dma_start3A_306 : memref<128x32xi32, #tpu.memory_space<vmem>>) target(%dma_start3A_302 : memref<128x32xi32, #tpu.memory_space<hbm>>) target_semaphore(%arg8 : memref<!tpu.dma_semaphore, #tpu.memory_space<semaphore_mem>>)
    %dma_wait3A_307 = arith.constant 2 : i32
    %dma_wait3A_308 = arith.constant 2 : i32
    %dma_wait3A_309 = arith.constant 0 : i32
    %dma_wait3A_310 = arith.constant 0 : i32
    %dma_wait3A_311 = tpu.memref_slice %arg6[%dma_wait3A_307, %dma_wait3A_309, %dma_wait3A_310] : memref<6x128x32xi32, #tpu.memory_space<vmem>> -> memref<1x128x32xi32, #tpu.memory_space<vmem>>
    %dma_wait3A_312 = tpu.memref_squeeze %dma_wait3A_311 : memref<1x128x32xi32, #tpu.memory_space<vmem>> -> memref<128x32xi32, #tpu.memory_space<vmem>>
    %dma_wait3A_313 = arith.constant 0 : i32
    %dma_wait3A_314 = tpu.memref_slice %arg4[%dma_wait3A_308, %mul3A_132, %dma_wait3A_313] : memref<20x4096x32xi32, #tpu.memory_space<hbm>> -> memref<1x128x32xi32, #tpu.memory_space<hbm>>
    %dma_wait3A_315 = tpu.memref_squeeze %dma_wait3A_314 : memref<1x128x32xi32, #tpu.memory_space<hbm>> -> memref<128x32xi32, #tpu.memory_space<hbm>>
    %dma_wait3A_316 = arith.constant 0 : i32
    %dma_wait3A_317 = tpu.memref_slice %arg4[%dma_wait3A_308, %mul3A_132, %dma_wait3A_316] : memref<20x4096x32xi32, #tpu.memory_space<hbm>> -> memref<1x128x32xi32, #tpu.memory_space<hbm>>
    %dma_wait3A_318 = tpu.memref_squeeze %dma_wait3A_317 : memref<1x128x32xi32, #tpu.memory_space<hbm>> -> memref<128x32xi32, #tpu.memory_space<hbm>>
    %dma_wait3A_319 = arith.constant 0 : i32
    %dma_wait3A_320 = arith.constant 0 : i32
    %dma_wait3A_321 = tpu.memref_slice %arg6[%dma_wait3A_307, %dma_wait3A_319, %dma_wait3A_320] : memref<6x128x32xi32, #tpu.memory_space<vmem>> -> memref<1x128x32xi32, #tpu.memory_space<vmem>>
    %dma_wait3A_322 = tpu.memref_squeeze %dma_wait3A_321 : memref<1x128x32xi32, #tpu.memory_space<vmem>> -> memref<128x32xi32, #tpu.memory_space<vmem>>
    tpu.wait_dma2 semaphore(%arg8 : memref<!tpu.dma_semaphore, #tpu.memory_space<semaphore_mem>>) src(%dma_wait3A_322 : memref<128x32xi32, #tpu.memory_space<vmem>>) dst(%dma_wait3A_318 : memref<128x32xi32, #tpu.memory_space<hbm>>)
    %dma_start3A_323 = arith.constant 8 : i32
    %dma_start3A_324 = arith.constant 2 : i32
    %dma_start3A_325 = arith.constant 0 : i32
    %dma_start3A_326 = arith.constant 0 : i32
    %dma_start3A_327 = tpu.memref_slice %arg6[%dma_start3A_324, %dma_start3A_325, %dma_start3A_326] : memref<6x128x32xi32, #tpu.memory_space<vmem>> -> memref<1x128x32xi32, #tpu.memory_space<vmem>>
    %dma_start3A_328 = tpu.memref_squeeze %dma_start3A_327 : memref<1x128x32xi32, #tpu.memory_space<vmem>> -> memref<128x32xi32, #tpu.memory_space<vmem>>
    %dma_start3A_329 = arith.constant 0 : i32
    %dma_start3A_330 = tpu.memref_slice %arg5[%dma_start3A_323, %dma_start3A_329] : memref<20x128xi32, #tpu.memory_space<vmem>> -> memref<1x128xi32, #tpu.memory_space<vmem>>
    %dma_start3A_331 = tpu.memref_squeeze %dma_start3A_330 : memref<1x128xi32, #tpu.memory_space<vmem>> -> memref<128xi32, #tpu.memory_space<vmem>>
    %dma_start3A_332 = arith.constant 0 : i32
    %dma_start3A_333 = arith.constant 0 : i32
    %dma_start3A_334 = tpu.memref_slice %arg2[%dma_start3A_332, %dma_start3A_333] : memref<524288x32xi32, #tpu.memory_space<hbm>> -> memref<524288x32xi32, #tpu.memory_space<hbm>>
    tpu.enqueue_indirect_dma source(%dma_start3A_334 : memref<524288x32xi32, #tpu.memory_space<hbm>>) target(%dma_start3A_328 : memref<128x32xi32, #tpu.memory_space<vmem>>) offsets(%dma_start3A_331 : memref<128xi32, #tpu.memory_space<vmem>>) semaphore(%arg7 : memref<!tpu.dma_semaphore, #tpu.memory_space<semaphore_mem>>)
    %dma_wait3A_335 = arith.constant 6 : i32
    %dma_wait3A_336 = arith.constant 0 : i32
    %dma_wait3A_337 = arith.constant 0 : i32
    %dma_wait3A_338 = arith.constant 0 : i32
    %dma_wait3A_339 = tpu.memref_slice %arg6[%dma_wait3A_336, %dma_wait3A_337, %dma_wait3A_338] : memref<6x128x32xi32, #tpu.memory_space<vmem>> -> memref<1x128x32xi32, #tpu.memory_space<vmem>>
    %dma_wait3A_340 = tpu.memref_squeeze %dma_wait3A_339 : memref<1x128x32xi32, #tpu.memory_space<vmem>> -> memref<128x32xi32, #tpu.memory_space<vmem>>
    %dma_wait3A_341 = arith.constant 0 : i32
    %dma_wait3A_342 = tpu.memref_slice %arg5[%dma_wait3A_335, %dma_wait3A_341] : memref<20x128xi32, #tpu.memory_space<vmem>> -> memref<1x128xi32, #tpu.memory_space<vmem>>
    %dma_wait3A_343 = tpu.memref_squeeze %dma_wait3A_342 : memref<1x128xi32, #tpu.memory_space<vmem>> -> memref<128xi32, #tpu.memory_space<vmem>>
    %dma_wait3A_344 = arith.constant 0 : i32
    %dma_wait3A_345 = arith.constant 0 : i32
    %dma_wait3A_346 = tpu.memref_slice %arg2[%dma_wait3A_344, %dma_wait3A_345] : memref<524288x32xi32, #tpu.memory_space<hbm>> -> memref<524288x32xi32, #tpu.memory_space<hbm>>
    tpu.wait_indirect_dma semaphore(%arg7 : memref<!tpu.dma_semaphore, #tpu.memory_space<semaphore_mem>>) src(%dma_wait3A_346 : memref<524288x32xi32, #tpu.memory_space<hbm>>) dst(%dma_wait3A_340 : memref<128x32xi32, #tpu.memory_space<vmem>>)
    %mul3A_347 = arith.constant 128 : i32
    %mul3A_348 = arith.muli %add3A, %mul3A_347 : i32
    %dma_start3A_349 = arith.constant 0 : i32
    %dma_start3A_350 = arith.constant 6 : i32
    %dma_start3A_351 = arith.constant 0 : i32
    %dma_start3A_352 = arith.constant 0 : i32
    %dma_start3A_353 = tpu.memref_slice %arg6[%dma_start3A_349, %dma_start3A_351, %dma_start3A_352] : memref<6x128x32xi32, #tpu.memory_space<vmem>> -> memref<1x128x32xi32, #tpu.memory_space<vmem>>
    %dma_start3A_354 = tpu.memref_squeeze %dma_start3A_353 : memref<1x128x32xi32, #tpu.memory_space<vmem>> -> memref<128x32xi32, #tpu.memory_space<vmem>>
    %dma_start3A_355 = arith.constant 0 : i32
    %dma_start3A_356 = tpu.memref_slice %arg4[%dma_start3A_350, %mul3A_348, %dma_start3A_355] : memref<20x4096x32xi32, #tpu.memory_space<hbm>> -> memref<1x128x32xi32, #tpu.memory_space<hbm>>
    %dma_start3A_357 = tpu.memref_squeeze %dma_start3A_356 : memref<1x128x32xi32, #tpu.memory_space<hbm>> -> memref<128x32xi32, #tpu.memory_space<hbm>>
    %dma_start3A_358 = arith.constant 0 : i32
    %dma_start3A_359 = tpu.memref_slice %arg4[%dma_start3A_350, %mul3A_348, %dma_start3A_358] : memref<20x4096x32xi32, #tpu.memory_space<hbm>> -> memref<1x128x32xi32, #tpu.memory_space<hbm>>
    %dma_start3A_360 = tpu.memref_squeeze %dma_start3A_359 : memref<1x128x32xi32, #tpu.memory_space<hbm>> -> memref<128x32xi32, #tpu.memory_space<hbm>>
    %dma_start3A_361 = arith.constant 0 : i32
    %dma_start3A_362 = arith.constant 0 : i32
    %dma_start3A_363 = tpu.memref_slice %arg6[%dma_start3A_349, %dma_start3A_361, %dma_start3A_362] : memref<6x128x32xi32, #tpu.memory_space<vmem>> -> memref<1x128x32xi32, #tpu.memory_space<vmem>>
    %dma_start3A_364 = tpu.memref_squeeze %dma_start3A_363 : memref<1x128x32xi32, #tpu.memory_space<vmem>> -> memref<128x32xi32, #tpu.memory_space<vmem>>
    tpu.enqueue_dma source(%dma_start3A_364 : memref<128x32xi32, #tpu.memory_space<vmem>>) target(%dma_start3A_360 : memref<128x32xi32, #tpu.memory_space<hbm>>) target_semaphore(%arg8 : memref<!tpu.dma_semaphore, #tpu.memory_space<semaphore_mem>>)
    %dma_wait3A_365 = arith.constant 3 : i32
    %dma_wait3A_366 = arith.constant 3 : i32
    %dma_wait3A_367 = arith.constant 0 : i32
    %dma_wait3A_368 = arith.constant 0 : i32
    %dma_wait3A_369 = tpu.memref_slice %arg6[%dma_wait3A_365, %dma_wait3A_367, %dma_wait3A_368] : memref<6x128x32xi32, #tpu.memory_space<vmem>> -> memref<1x128x32xi32, #tpu.memory_space<vmem>>
    %dma_wait3A_370 = tpu.memref_squeeze %dma_wait3A_369 : memref<1x128x32xi32, #tpu.memory_space<vmem>> -> memref<128x32xi32, #tpu.memory_space<vmem>>
    %dma_wait3A_371 = arith.constant 0 : i32
    %dma_wait3A_372 = tpu.memref_slice %arg4[%dma_wait3A_366, %mul3A_174, %dma_wait3A_371] : memref<20x4096x32xi32, #tpu.memory_space<hbm>> -> memref<1x128x32xi32, #tpu.memory_space<hbm>>
    %dma_wait3A_373 = tpu.memref_squeeze %dma_wait3A_372 : memref<1x128x32xi32, #tpu.memory_space<hbm>> -> memref<128x32xi32, #tpu.memory_space<hbm>>
    %dma_wait3A_374 = arith.constant 0 : i32
    %dma_wait3A_375 = tpu.memref_slice %arg4[%dma_wait3A_366, %mul3A_174, %dma_wait3A_374] : memref<20x4096x32xi32, #tpu.memory_space<hbm>> -> memref<1x128x32xi32, #tpu.memory_space<hbm>>
    %dma_wait3A_376 = tpu.memref_squeeze %dma_wait3A_375 : memref<1x128x32xi32, #tpu.memory_space<hbm>> -> memref<128x32xi32, #tpu.memory_space<hbm>>
    %dma_wait3A_377 = arith.constant 0 : i32
    %dma_wait3A_378 = arith.constant 0 : i32
    %dma_wait3A_379 = tpu.memref_slice %arg6[%dma_wait3A_365, %dma_wait3A_377, %dma_wait3A_378] : memref<6x128x32xi32, #tpu.memory_space<vmem>> -> memref<1x128x32xi32, #tpu.memory_space<vmem>>
    %dma_wait3A_380 = tpu.memref_squeeze %dma_wait3A_379 : memref<1x128x32xi32, #tpu.memory_space<vmem>> -> memref<128x32xi32, #tpu.memory_space<vmem>>
    tpu.wait_dma2 semaphore(%arg8 : memref<!tpu.dma_semaphore, #tpu.memory_space<semaphore_mem>>) src(%dma_wait3A_380 : memref<128x32xi32, #tpu.memory_space<vmem>>) dst(%dma_wait3A_376 : memref<128x32xi32, #tpu.memory_space<hbm>>)
    %dma_start3A_381 = arith.constant 9 : i32
    %dma_start3A_382 = arith.constant 3 : i32
    %dma_start3A_383 = arith.constant 0 : i32
    %dma_start3A_384 = arith.constant 0 : i32
    %dma_start3A_385 = tpu.memref_slice %arg6[%dma_start3A_382, %dma_start3A_383, %dma_start3A_384] : memref<6x128x32xi32, #tpu.memory_space<vmem>> -> memref<1x128x32xi32, #tpu.memory_space<vmem>>
    %dma_start3A_386 = tpu.memref_squeeze %dma_start3A_385 : memref<1x128x32xi32, #tpu.memory_space<vmem>> -> memref<128x32xi32, #tpu.memory_space<vmem>>
    %dma_start3A_387 = arith.constant 0 : i32
    %dma_start3A_388 = tpu.memref_slice %arg5[%dma_start3A_381, %dma_start3A_387] : memref<20x128xi32, #tpu.memory_space<vmem>> -> memref<1x128xi32, #tpu.memory_space<vmem>>
    %dma_start3A_389 = tpu.memref_squeeze %dma_start3A_388 : memref<1x128xi32, #tpu.memory_space<vmem>> -> memref<128xi32, #tpu.memory_space<vmem>>
    %dma_start3A_390 = arith.constant 0 : i32
    %dma_start3A_391 = arith.constant 0 : i32
    %dma_start3A_392 = tpu.memref_slice %arg2[%dma_start3A_390, %dma_start3A_391] : memref<524288x32xi32, #tpu.memory_space<hbm>> -> memref<524288x32xi32, #tpu.memory_space<hbm>>
    tpu.enqueue_indirect_dma source(%dma_start3A_392 : memref<524288x32xi32, #tpu.memory_space<hbm>>) target(%dma_start3A_386 : memref<128x32xi32, #tpu.memory_space<vmem>>) offsets(%dma_start3A_389 : memref<128xi32, #tpu.memory_space<vmem>>) semaphore(%arg7 : memref<!tpu.dma_semaphore, #tpu.memory_space<semaphore_mem>>)
    %dma_wait3A_393 = arith.constant 7 : i32
    %dma_wait3A_394 = arith.constant 1 : i32
    %dma_wait3A_395 = arith.constant 0 : i32
    %dma_wait3A_396 = arith.constant 0 : i32
    %dma_wait3A_397 = tpu.memref_slice %arg6[%dma_wait3A_394, %dma_wait3A_395, %dma_wait3A_396] : memref<6x128x32xi32, #tpu.memory_space<vmem>> -> memref<1x128x32xi32, #tpu.memory_space<vmem>>
    %dma_wait3A_398 = tpu.memref_squeeze %dma_wait3A_397 : memref<1x128x32xi32, #tpu.memory_space<vmem>> -> memref<128x32xi32, #tpu.memory_space<vmem>>
    %dma_wait3A_399 = arith.constant 0 : i32
    %dma_wait3A_400 = tpu.memref_slice %arg5[%dma_wait3A_393, %dma_wait3A_399] : memref<20x128xi32, #tpu.memory_space<vmem>> -> memref<1x128xi32, #tpu.memory_space<vmem>>
    %dma_wait3A_401 = tpu.memref_squeeze %dma_wait3A_400 : memref<1x128xi32, #tpu.memory_space<vmem>> -> memref<128xi32, #tpu.memory_space<vmem>>
    %dma_wait3A_402 = arith.constant 0 : i32
    %dma_wait3A_403 = arith.constant 0 : i32
    %dma_wait3A_404 = tpu.memref_slice %arg2[%dma_wait3A_402, %dma_wait3A_403] : memref<524288x32xi32, #tpu.memory_space<hbm>> -> memref<524288x32xi32, #tpu.memory_space<hbm>>
    tpu.wait_indirect_dma semaphore(%arg7 : memref<!tpu.dma_semaphore, #tpu.memory_space<semaphore_mem>>) src(%dma_wait3A_404 : memref<524288x32xi32, #tpu.memory_space<hbm>>) dst(%dma_wait3A_398 : memref<128x32xi32, #tpu.memory_space<vmem>>)
    %mul3A_405 = arith.constant 128 : i32
    %mul3A_406 = arith.muli %add3A, %mul3A_405 : i32
    %dma_start3A_407 = arith.constant 1 : i32
    %dma_start3A_408 = arith.constant 7 : i32
    %dma_start3A_409 = arith.constant 0 : i32
    %dma_start3A_410 = arith.constant 0 : i32
    %dma_start3A_411 = tpu.memref_slice %arg6[%dma_start3A_407, %dma_start3A_409, %dma_start3A_410] : memref<6x128x32xi32, #tpu.memory_space<vmem>> -> memref<1x128x32xi32, #tpu.memory_space<vmem>>
    %dma_start3A_412 = tpu.memref_squeeze %dma_start3A_411 : memref<1x128x32xi32, #tpu.memory_space<vmem>> -> memref<128x32xi32, #tpu.memory_space<vmem>>
    %dma_start3A_413 = arith.constant 0 : i32
    %dma_start3A_414 = tpu.memref_slice %arg4[%dma_start3A_408, %mul3A_406, %dma_start3A_413] : memref<20x4096x32xi32, #tpu.memory_space<hbm>> -> memref<1x128x32xi32, #tpu.memory_space<hbm>>
    %dma_start3A_415 = tpu.memref_squeeze %dma_start3A_414 : memref<1x128x32xi32, #tpu.memory_space<hbm>> -> memref<128x32xi32, #tpu.memory_space<hbm>>
    %dma_start3A_416 = arith.constant 0 : i32
    %dma_start3A_417 = tpu.memref_slice %arg4[%dma_start3A_408, %mul3A_406, %dma_start3A_416] : memref<20x4096x32xi32, #tpu.memory_space<hbm>> -> memref<1x128x32xi32, #tpu.memory_space<hbm>>
    %dma_start3A_418 = tpu.memref_squeeze %dma_start3A_417 : memref<1x128x32xi32, #tpu.memory_space<hbm>> -> memref<128x32xi32, #tpu.memory_space<hbm>>
    %dma_start3A_419 = arith.constant 0 : i32
    %dma_start3A_420 = arith.constant 0 : i32
    %dma_start3A_421 = tpu.memref_slice %arg6[%dma_start3A_407, %dma_start3A_419, %dma_start3A_420] : memref<6x128x32xi32, #tpu.memory_space<vmem>> -> memref<1x128x32xi32, #tpu.memory_space<vmem>>
    %dma_start3A_422 = tpu.memref_squeeze %dma_start3A_421 : memref<1x128x32xi32, #tpu.memory_space<vmem>> -> memref<128x32xi32, #tpu.memory_space<vmem>>
    tpu.enqueue_dma source(%dma_start3A_422 : memref<128x32xi32, #tpu.memory_space<vmem>>) target(%dma_start3A_418 : memref<128x32xi32, #tpu.memory_space<hbm>>) target_semaphore(%arg8 : memref<!tpu.dma_semaphore, #tpu.memory_space<semaphore_mem>>)
    %dma_wait3A_423 = arith.constant 4 : i32
    %dma_wait3A_424 = arith.constant 4 : i32
    %dma_wait3A_425 = arith.constant 0 : i32
    %dma_wait3A_426 = arith.constant 0 : i32
    %dma_wait3A_427 = tpu.memref_slice %arg6[%dma_wait3A_423, %dma_wait3A_425, %dma_wait3A_426] : memref<6x128x32xi32, #tpu.memory_space<vmem>> -> memref<1x128x32xi32, #tpu.memory_space<vmem>>
    %dma_wait3A_428 = tpu.memref_squeeze %dma_wait3A_427 : memref<1x128x32xi32, #tpu.memory_space<vmem>> -> memref<128x32xi32, #tpu.memory_space<vmem>>
    %dma_wait3A_429 = arith.constant 0 : i32
    %dma_wait3A_430 = tpu.memref_slice %arg4[%dma_wait3A_424, %mul3A_232, %dma_wait3A_429] : memref<20x4096x32xi32, #tpu.memory_space<hbm>> -> memref<1x128x32xi32, #tpu.memory_space<hbm>>
    %dma_wait3A_431 = tpu.memref_squeeze %dma_wait3A_430 : memref<1x128x32xi32, #tpu.memory_space<hbm>> -> memref<128x32xi32, #tpu.memory_space<hbm>>
    %dma_wait3A_432 = arith.constant 0 : i32
    %dma_wait3A_433 = tpu.memref_slice %arg4[%dma_wait3A_424, %mul3A_232, %dma_wait3A_432] : memref<20x4096x32xi32, #tpu.memory_space<hbm>> -> memref<1x128x32xi32, #tpu.memory_space<hbm>>
    %dma_wait3A_434 = tpu.memref_squeeze %dma_wait3A_433 : memref<1x128x32xi32, #tpu.memory_space<hbm>> -> memref<128x32xi32, #tpu.memory_space<hbm>>
    %dma_wait3A_435 = arith.constant 0 : i32
    %dma_wait3A_436 = arith.constant 0 : i32
    %dma_wait3A_437 = tpu.memref_slice %arg6[%dma_wait3A_423, %dma_wait3A_435, %dma_wait3A_436] : memref<6x128x32xi32, #tpu.memory_space<vmem>> -> memref<1x128x32xi32, #tpu.memory_space<vmem>>
    %dma_wait3A_438 = tpu.memref_squeeze %dma_wait3A_437 : memref<1x128x32xi32, #tpu.memory_space<vmem>> -> memref<128x32xi32, #tpu.memory_space<vmem>>
    tpu.wait_dma2 semaphore(%arg8 : memref<!tpu.dma_semaphore, #tpu.memory_space<semaphore_mem>>) src(%dma_wait3A_438 : memref<128x32xi32, #tpu.memory_space<vmem>>) dst(%dma_wait3A_434 : memref<128x32xi32, #tpu.memory_space<hbm>>)
    %dma_start3A_439 = arith.constant 10 : i32
    %dma_start3A_440 = arith.constant 4 : i32
    %dma_start3A_441 = arith.constant 0 : i32
    %dma_start3A_442 = arith.constant 0 : i32
    %dma_start3A_443 = tpu.memref_slice %arg6[%dma_start3A_440, %dma_start3A_441, %dma_start3A_442] : memref<6x128x32xi32, #tpu.memory_space<vmem>> -> memref<1x128x32xi32, #tpu.memory_space<vmem>>
    %dma_start3A_444 = tpu.memref_squeeze %dma_start3A_443 : memref<1x128x32xi32, #tpu.memory_space<vmem>> -> memref<128x32xi32, #tpu.memory_space<vmem>>
    %dma_start3A_445 = arith.constant 0 : i32
    %dma_start3A_446 = tpu.memref_slice %arg5[%dma_start3A_439, %dma_start3A_445] : memref<20x128xi32, #tpu.memory_space<vmem>> -> memref<1x128xi32, #tpu.memory_space<vmem>>
    %dma_start3A_447 = tpu.memref_squeeze %dma_start3A_446 : memref<1x128xi32, #tpu.memory_space<vmem>> -> memref<128xi32, #tpu.memory_space<vmem>>
    %dma_start3A_448 = arith.constant 0 : i32
    %dma_start3A_449 = arith.constant 0 : i32
    %dma_start3A_450 = tpu.memref_slice %arg2[%dma_start3A_448, %dma_start3A_449] : memref<524288x32xi32, #tpu.memory_space<hbm>> -> memref<524288x32xi32, #tpu.memory_space<hbm>>
    tpu.enqueue_indirect_dma source(%dma_start3A_450 : memref<524288x32xi32, #tpu.memory_space<hbm>>) target(%dma_start3A_444 : memref<128x32xi32, #tpu.memory_space<vmem>>) offsets(%dma_start3A_447 : memref<128xi32, #tpu.memory_space<vmem>>) semaphore(%arg7 : memref<!tpu.dma_semaphore, #tpu.memory_space<semaphore_mem>>)
    %dma_wait3A_451 = arith.constant 8 : i32
    %dma_wait3A_452 = arith.constant 2 : i32
    %dma_wait3A_453 = arith.constant 0 : i32
    %dma_wait3A_454 = arith.constant 0 : i32
    %dma_wait3A_455 = tpu.memref_slice %arg6[%dma_wait3A_452, %dma_wait3A_453, %dma_wait3A_454] : memref<6x128x32xi32, #tpu.memory_space<vmem>> -> memref<1x128x32xi32, #tpu.memory_space<vmem>>
    %dma_wait3A_456 = tpu.memref_squeeze %dma_wait3A_455 : memref<1x128x32xi32, #tpu.memory_space<vmem>> -> memref<128x32xi32, #tpu.memory_space<vmem>>
    %dma_wait3A_457 = arith.constant 0 : i32
    %dma_wait3A_458 = tpu.memref_slice %arg5[%dma_wait3A_451, %dma_wait3A_457] : memref<20x128xi32, #tpu.memory_space<vmem>> -> memref<1x128xi32, #tpu.memory_space<vmem>>
    %dma_wait3A_459 = tpu.memref_squeeze %dma_wait3A_458 : memref<1x128xi32, #tpu.memory_space<vmem>> -> memref<128xi32, #tpu.memory_space<vmem>>
    %dma_wait3A_460 = arith.constant 0 : i32
    %dma_wait3A_461 = arith.constant 0 : i32
    %dma_wait3A_462 = tpu.memref_slice %arg2[%dma_wait3A_460, %dma_wait3A_461] : memref<524288x32xi32, #tpu.memory_space<hbm>> -> memref<524288x32xi32, #tpu.memory_space<hbm>>
    tpu.wait_indirect_dma semaphore(%arg7 : memref<!tpu.dma_semaphore, #tpu.memory_space<semaphore_mem>>) src(%dma_wait3A_462 : memref<524288x32xi32, #tpu.memory_space<hbm>>) dst(%dma_wait3A_456 : memref<128x32xi32, #tpu.memory_space<vmem>>)
    %mul3A_463 = arith.constant 128 : i32
    %mul3A_464 = arith.muli %add3A, %mul3A_463 : i32
    %dma_start3A_465 = arith.constant 2 : i32
    %dma_start3A_466 = arith.constant 8 : i32
    %dma_start3A_467 = arith.constant 0 : i32
    %dma_start3A_468 = arith.constant 0 : i32
    %dma_start3A_469 = tpu.memref_slice %arg6[%dma_start3A_465, %dma_start3A_467, %dma_start3A_468] : memref<6x128x32xi32, #tpu.memory_space<vmem>> -> memref<1x128x32xi32, #tpu.memory_space<vmem>>
    %dma_start3A_470 = tpu.memref_squeeze %dma_start3A_469 : memref<1x128x32xi32, #tpu.memory_space<vmem>> -> memref<128x32xi32, #tpu.memory_space<vmem>>
    %dma_start3A_471 = arith.constant 0 : i32
    %dma_start3A_472 = tpu.memref_slice %arg4[%dma_start3A_466, %mul3A_464, %dma_start3A_471] : memref<20x4096x32xi32, #tpu.memory_space<hbm>> -> memref<1x128x32xi32, #tpu.memory_space<hbm>>
    %dma_start3A_473 = tpu.memref_squeeze %dma_start3A_472 : memref<1x128x32xi32, #tpu.memory_space<hbm>> -> memref<128x32xi32, #tpu.memory_space<hbm>>
    %dma_start3A_474 = arith.constant 0 : i32
    %dma_start3A_475 = tpu.memref_slice %arg4[%dma_start3A_466, %mul3A_464, %dma_start3A_474] : memref<20x4096x32xi32, #tpu.memory_space<hbm>> -> memref<1x128x32xi32, #tpu.memory_space<hbm>>
    %dma_start3A_476 = tpu.memref_squeeze %dma_start3A_475 : memref<1x128x32xi32, #tpu.memory_space<hbm>> -> memref<128x32xi32, #tpu.memory_space<hbm>>
    %dma_start3A_477 = arith.constant 0 : i32
    %dma_start3A_478 = arith.constant 0 : i32
    %dma_start3A_479 = tpu.memref_slice %arg6[%dma_start3A_465, %dma_start3A_477, %dma_start3A_478] : memref<6x128x32xi32, #tpu.memory_space<vmem>> -> memref<1x128x32xi32, #tpu.memory_space<vmem>>
    %dma_start3A_480 = tpu.memref_squeeze %dma_start3A_479 : memref<1x128x32xi32, #tpu.memory_space<vmem>> -> memref<128x32xi32, #tpu.memory_space<vmem>>
    tpu.enqueue_dma source(%dma_start3A_480 : memref<128x32xi32, #tpu.memory_space<vmem>>) target(%dma_start3A_476 : memref<128x32xi32, #tpu.memory_space<hbm>>) target_semaphore(%arg8 : memref<!tpu.dma_semaphore, #tpu.memory_space<semaphore_mem>>)
    %dma_wait3A_481 = arith.constant 5 : i32
    %dma_wait3A_482 = arith.constant 5 : i32
    %dma_wait3A_483 = arith.constant 0 : i32
    %dma_wait3A_484 = arith.constant 0 : i32
    %dma_wait3A_485 = tpu.memref_slice %arg6[%dma_wait3A_481, %dma_wait3A_483, %dma_wait3A_484] : memref<6x128x32xi32, #tpu.memory_space<vmem>> -> memref<1x128x32xi32, #tpu.memory_space<vmem>>
    %dma_wait3A_486 = tpu.memref_squeeze %dma_wait3A_485 : memref<1x128x32xi32, #tpu.memory_space<vmem>> -> memref<128x32xi32, #tpu.memory_space<vmem>>
    %dma_wait3A_487 = arith.constant 0 : i32
    %dma_wait3A_488 = tpu.memref_slice %arg4[%dma_wait3A_482, %mul3A_290, %dma_wait3A_487] : memref<20x4096x32xi32, #tpu.memory_space<hbm>> -> memref<1x128x32xi32, #tpu.memory_space<hbm>>
    %dma_wait3A_489 = tpu.memref_squeeze %dma_wait3A_488 : memref<1x128x32xi32, #tpu.memory_space<hbm>> -> memref<128x32xi32, #tpu.memory_space<hbm>>
    %dma_wait3A_490 = arith.constant 0 : i32
    %dma_wait3A_491 = tpu.memref_slice %arg4[%dma_wait3A_482, %mul3A_290, %dma_wait3A_490] : memref<20x4096x32xi32, #tpu.memory_space<hbm>> -> memref<1x128x32xi32, #tpu.memory_space<hbm>>
    %dma_wait3A_492 = tpu.memref_squeeze %dma_wait3A_491 : memref<1x128x32xi32, #tpu.memory_space<hbm>> -> memref<128x32xi32, #tpu.memory_space<hbm>>
    %dma_wait3A_493 = arith.constant 0 : i32
    %dma_wait3A_494 = arith.constant 0 : i32
    %dma_wait3A_495 = tpu.memref_slice %arg6[%dma_wait3A_481, %dma_wait3A_493, %dma_wait3A_494] : memref<6x128x32xi32, #tpu.memory_space<vmem>> -> memref<1x128x32xi32, #tpu.memory_space<vmem>>
    %dma_wait3A_496 = tpu.memref_squeeze %dma_wait3A_495 : memref<1x128x32xi32, #tpu.memory_space<vmem>> -> memref<128x32xi32, #tpu.memory_space<vmem>>
    tpu.wait_dma2 semaphore(%arg8 : memref<!tpu.dma_semaphore, #tpu.memory_space<semaphore_mem>>) src(%dma_wait3A_496 : memref<128x32xi32, #tpu.memory_space<vmem>>) dst(%dma_wait3A_492 : memref<128x32xi32, #tpu.memory_space<hbm>>)
    %dma_start3A_497 = arith.constant 11 : i32
    %dma_start3A_498 = arith.constant 5 : i32
    %dma_start3A_499 = arith.constant 0 : i32
    %dma_start3A_500 = arith.constant 0 : i32
    %dma_start3A_501 = tpu.memref_slice %arg6[%dma_start3A_498, %dma_start3A_499, %dma_start3A_500] : memref<6x128x32xi32, #tpu.memory_space<vmem>> -> memref<1x128x32xi32, #tpu.memory_space<vmem>>
    %dma_start3A_502 = tpu.memref_squeeze %dma_start3A_501 : memref<1x128x32xi32, #tpu.memory_space<vmem>> -> memref<128x32xi32, #tpu.memory_space<vmem>>
    %dma_start3A_503 = arith.constant 0 : i32
    %dma_start3A_504 = tpu.memref_slice %arg5[%dma_start3A_497, %dma_start3A_503] : memref<20x128xi32, #tpu.memory_space<vmem>> -> memref<1x128xi32, #tpu.memory_space<vmem>>
    %dma_start3A_505 = tpu.memref_squeeze %dma_start3A_504 : memref<1x128xi32, #tpu.memory_space<vmem>> -> memref<128xi32, #tpu.memory_space<vmem>>
    %dma_start3A_506 = arith.constant 0 : i32
    %dma_start3A_507 = arith.constant 0 : i32
    %dma_start3A_508 = tpu.memref_slice %arg2[%dma_start3A_506, %dma_start3A_507] : memref<524288x32xi32, #tpu.memory_space<hbm>> -> memref<524288x32xi32, #tpu.memory_space<hbm>>
    tpu.enqueue_indirect_dma source(%dma_start3A_508 : memref<524288x32xi32, #tpu.memory_space<hbm>>) target(%dma_start3A_502 : memref<128x32xi32, #tpu.memory_space<vmem>>) offsets(%dma_start3A_505 : memref<128xi32, #tpu.memory_space<vmem>>) semaphore(%arg7 : memref<!tpu.dma_semaphore, #tpu.memory_space<semaphore_mem>>)
    %dma_wait3A_509 = arith.constant 9 : i32
    %dma_wait3A_510 = arith.constant 3 : i32
    %dma_wait3A_511 = arith.constant 0 : i32
    %dma_wait3A_512 = arith.constant 0 : i32
    %dma_wait3A_513 = tpu.memref_slice %arg6[%dma_wait3A_510, %dma_wait3A_511, %dma_wait3A_512] : memref<6x128x32xi32, #tpu.memory_space<vmem>> -> memref<1x128x32xi32, #tpu.memory_space<vmem>>
    %dma_wait3A_514 = tpu.memref_squeeze %dma_wait3A_513 : memref<1x128x32xi32, #tpu.memory_space<vmem>> -> memref<128x32xi32, #tpu.memory_space<vmem>>
    %dma_wait3A_515 = arith.constant 0 : i32
    %dma_wait3A_516 = tpu.memref_slice %arg5[%dma_wait3A_509, %dma_wait3A_515] : memref<20x128xi32, #tpu.memory_space<vmem>> -> memref<1x128xi32, #tpu.memory_space<vmem>>
    %dma_wait3A_517 = tpu.memref_squeeze %dma_wait3A_516 : memref<1x128xi32, #tpu.memory_space<vmem>> -> memref<128xi32, #tpu.memory_space<vmem>>
    %dma_wait3A_518 = arith.constant 0 : i32
    %dma_wait3A_519 = arith.constant 0 : i32
    %dma_wait3A_520 = tpu.memref_slice %arg2[%dma_wait3A_518, %dma_wait3A_519] : memref<524288x32xi32, #tpu.memory_space<hbm>> -> memref<524288x32xi32, #tpu.memory_space<hbm>>
    tpu.wait_indirect_dma semaphore(%arg7 : memref<!tpu.dma_semaphore, #tpu.memory_space<semaphore_mem>>) src(%dma_wait3A_520 : memref<524288x32xi32, #tpu.memory_space<hbm>>) dst(%dma_wait3A_514 : memref<128x32xi32, #tpu.memory_space<vmem>>)
    %mul3A_521 = arith.constant 128 : i32
    %mul3A_522 = arith.muli %add3A, %mul3A_521 : i32
    %dma_start3A_523 = arith.constant 3 : i32
    %dma_start3A_524 = arith.constant 9 : i32
    %dma_start3A_525 = arith.constant 0 : i32
    %dma_start3A_526 = arith.constant 0 : i32
    %dma_start3A_527 = tpu.memref_slice %arg6[%dma_start3A_523, %dma_start3A_525, %dma_start3A_526] : memref<6x128x32xi32, #tpu.memory_space<vmem>> -> memref<1x128x32xi32, #tpu.memory_space<vmem>>
    %dma_start3A_528 = tpu.memref_squeeze %dma_start3A_527 : memref<1x128x32xi32, #tpu.memory_space<vmem>> -> memref<128x32xi32, #tpu.memory_space<vmem>>
    %dma_start3A_529 = arith.constant 0 : i32
    %dma_start3A_530 = tpu.memref_slice %arg4[%dma_start3A_524, %mul3A_522, %dma_start3A_529] : memref<20x4096x32xi32, #tpu.memory_space<hbm>> -> memref<1x128x32xi32, #tpu.memory_space<hbm>>
    %dma_start3A_531 = tpu.memref_squeeze %dma_start3A_530 : memref<1x128x32xi32, #tpu.memory_space<hbm>> -> memref<128x32xi32, #tpu.memory_space<hbm>>
    %dma_start3A_532 = arith.constant 0 : i32
    %dma_start3A_533 = tpu.memref_slice %arg4[%dma_start3A_524, %mul3A_522, %dma_start3A_532] : memref<20x4096x32xi32, #tpu.memory_space<hbm>> -> memref<1x128x32xi32, #tpu.memory_space<hbm>>
    %dma_start3A_534 = tpu.memref_squeeze %dma_start3A_533 : memref<1x128x32xi32, #tpu.memory_space<hbm>> -> memref<128x32xi32, #tpu.memory_space<hbm>>
    %dma_start3A_535 = arith.constant 0 : i32
    %dma_start3A_536 = arith.constant 0 : i32
    %dma_start3A_537 = tpu.memref_slice %arg6[%dma_start3A_523, %dma_start3A_535, %dma_start3A_536] : memref<6x128x32xi32, #tpu.memory_space<vmem>> -> memref<1x128x32xi32, #tpu.memory_space<vmem>>
    %dma_start3A_538 = tpu.memref_squeeze %dma_start3A_537 : memref<1x128x32xi32, #tpu.memory_space<vmem>> -> memref<128x32xi32, #tpu.memory_space<vmem>>
    tpu.enqueue_dma source(%dma_start3A_538 : memref<128x32xi32, #tpu.memory_space<vmem>>) target(%dma_start3A_534 : memref<128x32xi32, #tpu.memory_space<hbm>>) target_semaphore(%arg8 : memref<!tpu.dma_semaphore, #tpu.memory_space<semaphore_mem>>)
    %dma_wait3A_539 = arith.constant 0 : i32
    %dma_wait3A_540 = arith.constant 6 : i32
    %dma_wait3A_541 = arith.constant 0 : i32
    %dma_wait3A_542 = arith.constant 0 : i32
    %dma_wait3A_543 = tpu.memref_slice %arg6[%dma_wait3A_539, %dma_wait3A_541, %dma_wait3A_542] : memref<6x128x32xi32, #tpu.memory_space<vmem>> -> memref<1x128x32xi32, #tpu.memory_space<vmem>>
    %dma_wait3A_544 = tpu.memref_squeeze %dma_wait3A_543 : memref<1x128x32xi32, #tpu.memory_space<vmem>> -> memref<128x32xi32, #tpu.memory_space<vmem>>
    %dma_wait3A_545 = arith.constant 0 : i32
    %dma_wait3A_546 = tpu.memref_slice %arg4[%dma_wait3A_540, %mul3A_348, %dma_wait3A_545] : memref<20x4096x32xi32, #tpu.memory_space<hbm>> -> memref<1x128x32xi32, #tpu.memory_space<hbm>>
    %dma_wait3A_547 = tpu.memref_squeeze %dma_wait3A_546 : memref<1x128x32xi32, #tpu.memory_space<hbm>> -> memref<128x32xi32, #tpu.memory_space<hbm>>
    %dma_wait3A_548 = arith.constant 0 : i32
    %dma_wait3A_549 = tpu.memref_slice %arg4[%dma_wait3A_540, %mul3A_348, %dma_wait3A_548] : memref<20x4096x32xi32, #tpu.memory_space<hbm>> -> memref<1x128x32xi32, #tpu.memory_space<hbm>>
    %dma_wait3A_550 = tpu.memref_squeeze %dma_wait3A_549 : memref<1x128x32xi32, #tpu.memory_space<hbm>> -> memref<128x32xi32, #tpu.memory_space<hbm>>
    %dma_wait3A_551 = arith.constant 0 : i32
    %dma_wait3A_552 = arith.constant 0 : i32
    %dma_wait3A_553 = tpu.memref_slice %arg6[%dma_wait3A_539, %dma_wait3A_551, %dma_wait3A_552] : memref<6x128x32xi32, #tpu.memory_space<vmem>> -> memref<1x128x32xi32, #tpu.memory_space<vmem>>
    %dma_wait3A_554 = tpu.memref_squeeze %dma_wait3A_553 : memref<1x128x32xi32, #tpu.memory_space<vmem>> -> memref<128x32xi32, #tpu.memory_space<vmem>>
    tpu.wait_dma2 semaphore(%arg8 : memref<!tpu.dma_semaphore, #tpu.memory_space<semaphore_mem>>) src(%dma_wait3A_554 : memref<128x32xi32, #tpu.memory_space<vmem>>) dst(%dma_wait3A_550 : memref<128x32xi32, #tpu.memory_space<hbm>>)
    %dma_start3A_555 = arith.constant 12 : i32
    %dma_start3A_556 = arith.constant 0 : i32
    %dma_start3A_557 = arith.constant 0 : i32
    %dma_start3A_558 = arith.constant 0 : i32
    %dma_start3A_559 = tpu.memref_slice %arg6[%dma_start3A_556, %dma_start3A_557, %dma_start3A_558] : memref<6x128x32xi32, #tpu.memory_space<vmem>> -> memref<1x128x32xi32, #tpu.memory_space<vmem>>
    %dma_start3A_560 = tpu.memref_squeeze %dma_start3A_559 : memref<1x128x32xi32, #tpu.memory_space<vmem>> -> memref<128x32xi32, #tpu.memory_space<vmem>>
    %dma_start3A_561 = arith.constant 0 : i32
    %dma_start3A_562 = tpu.memref_slice %arg5[%dma_start3A_555, %dma_start3A_561] : memref<20x128xi32, #tpu.memory_space<vmem>> -> memref<1x128xi32, #tpu.memory_space<vmem>>
    %dma_start3A_563 = tpu.memref_squeeze %dma_start3A_562 : memref<1x128xi32, #tpu.memory_space<vmem>> -> memref<128xi32, #tpu.memory_space<vmem>>
    %dma_start3A_564 = arith.constant 0 : i32
    %dma_start3A_565 = arith.constant 0 : i32
    %dma_start3A_566 = tpu.memref_slice %arg2[%dma_start3A_564, %dma_start3A_565] : memref<524288x32xi32, #tpu.memory_space<hbm>> -> memref<524288x32xi32, #tpu.memory_space<hbm>>
    tpu.enqueue_indirect_dma source(%dma_start3A_566 : memref<524288x32xi32, #tpu.memory_space<hbm>>) target(%dma_start3A_560 : memref<128x32xi32, #tpu.memory_space<vmem>>) offsets(%dma_start3A_563 : memref<128xi32, #tpu.memory_space<vmem>>) semaphore(%arg7 : memref<!tpu.dma_semaphore, #tpu.memory_space<semaphore_mem>>)
    %dma_wait3A_567 = arith.constant 10 : i32
    %dma_wait3A_568 = arith.constant 4 : i32
    %dma_wait3A_569 = arith.constant 0 : i32
    %dma_wait3A_570 = arith.constant 0 : i32
    %dma_wait3A_571 = tpu.memref_slice %arg6[%dma_wait3A_568, %dma_wait3A_569, %dma_wait3A_570] : memref<6x128x32xi32, #tpu.memory_space<vmem>> -> memref<1x128x32xi32, #tpu.memory_space<vmem>>
    %dma_wait3A_572 = tpu.memref_squeeze %dma_wait3A_571 : memref<1x128x32xi32, #tpu.memory_space<vmem>> -> memref<128x32xi32, #tpu.memory_space<vmem>>
    %dma_wait3A_573 = arith.constant 0 : i32
    %dma_wait3A_574 = tpu.memref_slice %arg5[%dma_wait3A_567, %dma_wait3A_573] : memref<20x128xi32, #tpu.memory_space<vmem>> -> memref<1x128xi32, #tpu.memory_space<vmem>>
    %dma_wait3A_575 = tpu.memref_squeeze %dma_wait3A_574 : memref<1x128xi32, #tpu.memory_space<vmem>> -> memref<128xi32, #tpu.memory_space<vmem>>
    %dma_wait3A_576 = arith.constant 0 : i32
    %dma_wait3A_577 = arith.constant 0 : i32
    %dma_wait3A_578 = tpu.memref_slice %arg2[%dma_wait3A_576, %dma_wait3A_577] : memref<524288x32xi32, #tpu.memory_space<hbm>> -> memref<524288x32xi32, #tpu.memory_space<hbm>>
    tpu.wait_indirect_dma semaphore(%arg7 : memref<!tpu.dma_semaphore, #tpu.memory_space<semaphore_mem>>) src(%dma_wait3A_578 : memref<524288x32xi32, #tpu.memory_space<hbm>>) dst(%dma_wait3A_572 : memref<128x32xi32, #tpu.memory_space<vmem>>)
    %mul3A_579 = arith.constant 128 : i32
    %mul3A_580 = arith.muli %add3A, %mul3A_579 : i32
    %dma_start3A_581 = arith.constant 4 : i32
    %dma_start3A_582 = arith.constant 10 : i32
    %dma_start3A_583 = arith.constant 0 : i32
    %dma_start3A_584 = arith.constant 0 : i32
    %dma_start3A_585 = tpu.memref_slice %arg6[%dma_start3A_581, %dma_start3A_583, %dma_start3A_584] : memref<6x128x32xi32, #tpu.memory_space<vmem>> -> memref<1x128x32xi32, #tpu.memory_space<vmem>>
    %dma_start3A_586 = tpu.memref_squeeze %dma_start3A_585 : memref<1x128x32xi32, #tpu.memory_space<vmem>> -> memref<128x32xi32, #tpu.memory_space<vmem>>
    %dma_start3A_587 = arith.constant 0 : i32
    %dma_start3A_588 = tpu.memref_slice %arg4[%dma_start3A_582, %mul3A_580, %dma_start3A_587] : memref<20x4096x32xi32, #tpu.memory_space<hbm>> -> memref<1x128x32xi32, #tpu.memory_space<hbm>>
    %dma_start3A_589 = tpu.memref_squeeze %dma_start3A_588 : memref<1x128x32xi32, #tpu.memory_space<hbm>> -> memref<128x32xi32, #tpu.memory_space<hbm>>
    %dma_start3A_590 = arith.constant 0 : i32
    %dma_start3A_591 = tpu.memref_slice %arg4[%dma_start3A_582, %mul3A_580, %dma_start3A_590] : memref<20x4096x32xi32, #tpu.memory_space<hbm>> -> memref<1x128x32xi32, #tpu.memory_space<hbm>>
    %dma_start3A_592 = tpu.memref_squeeze %dma_start3A_591 : memref<1x128x32xi32, #tpu.memory_space<hbm>> -> memref<128x32xi32, #tpu.memory_space<hbm>>
    %dma_start3A_593 = arith.constant 0 : i32
    %dma_start3A_594 = arith.constant 0 : i32
    %dma_start3A_595 = tpu.memref_slice %arg6[%dma_start3A_581, %dma_start3A_593, %dma_start3A_594] : memref<6x128x32xi32, #tpu.memory_space<vmem>> -> memref<1x128x32xi32, #tpu.memory_space<vmem>>
    %dma_start3A_596 = tpu.memref_squeeze %dma_start3A_595 : memref<1x128x32xi32, #tpu.memory_space<vmem>> -> memref<128x32xi32, #tpu.memory_space<vmem>>
    tpu.enqueue_dma source(%dma_start3A_596 : memref<128x32xi32, #tpu.memory_space<vmem>>) target(%dma_start3A_592 : memref<128x32xi32, #tpu.memory_space<hbm>>) target_semaphore(%arg8 : memref<!tpu.dma_semaphore, #tpu.memory_space<semaphore_mem>>)
    %dma_wait3A_597 = arith.constant 1 : i32
    %dma_wait3A_598 = arith.constant 7 : i32
    %dma_wait3A_599 = arith.constant 0 : i32
    %dma_wait3A_600 = arith.constant 0 : i32
    %dma_wait3A_601 = tpu.memref_slice %arg6[%dma_wait3A_597, %dma_wait3A_599, %dma_wait3A_600] : memref<6x128x32xi32, #tpu.memory_space<vmem>> -> memref<1x128x32xi32, #tpu.memory_space<vmem>>
    %dma_wait3A_602 = tpu.memref_squeeze %dma_wait3A_601 : memref<1x128x32xi32, #tpu.memory_space<vmem>> -> memref<128x32xi32, #tpu.memory_space<vmem>>
    %dma_wait3A_603 = arith.constant 0 : i32
    %dma_wait3A_604 = tpu.memref_slice %arg4[%dma_wait3A_598, %mul3A_406, %dma_wait3A_603] : memref<20x4096x32xi32, #tpu.memory_space<hbm>> -> memref<1x128x32xi32, #tpu.memory_space<hbm>>
    %dma_wait3A_605 = tpu.memref_squeeze %dma_wait3A_604 : memref<1x128x32xi32, #tpu.memory_space<hbm>> -> memref<128x32xi32, #tpu.memory_space<hbm>>
    %dma_wait3A_606 = arith.constant 0 : i32
    %dma_wait3A_607 = tpu.memref_slice %arg4[%dma_wait3A_598, %mul3A_406, %dma_wait3A_606] : memref<20x4096x32xi32, #tpu.memory_space<hbm>> -> memref<1x128x32xi32, #tpu.memory_space<hbm>>
    %dma_wait3A_608 = tpu.memref_squeeze %dma_wait3A_607 : memref<1x128x32xi32, #tpu.memory_space<hbm>> -> memref<128x32xi32, #tpu.memory_space<hbm>>
    %dma_wait3A_609 = arith.constant 0 : i32
    %dma_wait3A_610 = arith.constant 0 : i32
    %dma_wait3A_611 = tpu.memref_slice %arg6[%dma_wait3A_597, %dma_wait3A_609, %dma_wait3A_610] : memref<6x128x32xi32, #tpu.memory_space<vmem>> -> memref<1x128x32xi32, #tpu.memory_space<vmem>>
    %dma_wait3A_612 = tpu.memref_squeeze %dma_wait3A_611 : memref<1x128x32xi32, #tpu.memory_space<vmem>> -> memref<128x32xi32, #tpu.memory_space<vmem>>
    tpu.wait_dma2 semaphore(%arg8 : memref<!tpu.dma_semaphore, #tpu.memory_space<semaphore_mem>>) src(%dma_wait3A_612 : memref<128x32xi32, #tpu.memory_space<vmem>>) dst(%dma_wait3A_608 : memref<128x32xi32, #tpu.memory_space<hbm>>)
    %dma_start3A_613 = arith.constant 13 : i32
    %dma_start3A_614 = arith.constant 1 : i32
    %dma_start3A_615 = arith.constant 0 : i32
    %dma_start3A_616 = arith.constant 0 : i32
    %dma_start3A_617 = tpu.memref_slice %arg6[%dma_start3A_614, %dma_start3A_615, %dma_start3A_616] : memref<6x128x32xi32, #tpu.memory_space<vmem>> -> memref<1x128x32xi32, #tpu.memory_space<vmem>>
    %dma_start3A_618 = tpu.memref_squeeze %dma_start3A_617 : memref<1x128x32xi32, #tpu.memory_space<vmem>> -> memref<128x32xi32, #tpu.memory_space<vmem>>
    %dma_start3A_619 = arith.constant 0 : i32
    %dma_start3A_620 = tpu.memref_slice %arg5[%dma_start3A_613, %dma_start3A_619] : memref<20x128xi32, #tpu.memory_space<vmem>> -> memref<1x128xi32, #tpu.memory_space<vmem>>
    %dma_start3A_621 = tpu.memref_squeeze %dma_start3A_620 : memref<1x128xi32, #tpu.memory_space<vmem>> -> memref<128xi32, #tpu.memory_space<vmem>>
    %dma_start3A_622 = arith.constant 0 : i32
    %dma_start3A_623 = arith.constant 0 : i32
    %dma_start3A_624 = tpu.memref_slice %arg2[%dma_start3A_622, %dma_start3A_623] : memref<524288x32xi32, #tpu.memory_space<hbm>> -> memref<524288x32xi32, #tpu.memory_space<hbm>>
    tpu.enqueue_indirect_dma source(%dma_start3A_624 : memref<524288x32xi32, #tpu.memory_space<hbm>>) target(%dma_start3A_618 : memref<128x32xi32, #tpu.memory_space<vmem>>) offsets(%dma_start3A_621 : memref<128xi32, #tpu.memory_space<vmem>>) semaphore(%arg7 : memref<!tpu.dma_semaphore, #tpu.memory_space<semaphore_mem>>)
    %dma_wait3A_625 = arith.constant 11 : i32
    %dma_wait3A_626 = arith.constant 5 : i32
    %dma_wait3A_627 = arith.constant 0 : i32
    %dma_wait3A_628 = arith.constant 0 : i32
    %dma_wait3A_629 = tpu.memref_slice %arg6[%dma_wait3A_626, %dma_wait3A_627, %dma_wait3A_628] : memref<6x128x32xi32, #tpu.memory_space<vmem>> -> memref<1x128x32xi32, #tpu.memory_space<vmem>>
    %dma_wait3A_630 = tpu.memref_squeeze %dma_wait3A_629 : memref<1x128x32xi32, #tpu.memory_space<vmem>> -> memref<128x32xi32, #tpu.memory_space<vmem>>
    %dma_wait3A_631 = arith.constant 0 : i32
    %dma_wait3A_632 = tpu.memref_slice %arg5[%dma_wait3A_625, %dma_wait3A_631] : memref<20x128xi32, #tpu.memory_space<vmem>> -> memref<1x128xi32, #tpu.memory_space<vmem>>
    %dma_wait3A_633 = tpu.memref_squeeze %dma_wait3A_632 : memref<1x128xi32, #tpu.memory_space<vmem>> -> memref<128xi32, #tpu.memory_space<vmem>>
    %dma_wait3A_634 = arith.constant 0 : i32
    %dma_wait3A_635 = arith.constant 0 : i32
    %dma_wait3A_636 = tpu.memref_slice %arg2[%dma_wait3A_634, %dma_wait3A_635] : memref<524288x32xi32, #tpu.memory_space<hbm>> -> memref<524288x32xi32, #tpu.memory_space<hbm>>
    tpu.wait_indirect_dma semaphore(%arg7 : memref<!tpu.dma_semaphore, #tpu.memory_space<semaphore_mem>>) src(%dma_wait3A_636 : memref<524288x32xi32, #tpu.memory_space<hbm>>) dst(%dma_wait3A_630 : memref<128x32xi32, #tpu.memory_space<vmem>>)
    %mul3A_637 = arith.constant 128 : i32
    %mul3A_638 = arith.muli %add3A, %mul3A_637 : i32
    %dma_start3A_639 = arith.constant 5 : i32
    %dma_start3A_640 = arith.constant 11 : i32
    %dma_start3A_641 = arith.constant 0 : i32
    %dma_start3A_642 = arith.constant 0 : i32
    %dma_start3A_643 = tpu.memref_slice %arg6[%dma_start3A_639, %dma_start3A_641, %dma_start3A_642] : memref<6x128x32xi32, #tpu.memory_space<vmem>> -> memref<1x128x32xi32, #tpu.memory_space<vmem>>
    %dma_start3A_644 = tpu.memref_squeeze %dma_start3A_643 : memref<1x128x32xi32, #tpu.memory_space<vmem>> -> memref<128x32xi32, #tpu.memory_space<vmem>>
    %dma_start3A_645 = arith.constant 0 : i32
    %dma_start3A_646 = tpu.memref_slice %arg4[%dma_start3A_640, %mul3A_638, %dma_start3A_645] : memref<20x4096x32xi32, #tpu.memory_space<hbm>> -> memref<1x128x32xi32, #tpu.memory_space<hbm>>
    %dma_start3A_647 = tpu.memref_squeeze %dma_start3A_646 : memref<1x128x32xi32, #tpu.memory_space<hbm>> -> memref<128x32xi32, #tpu.memory_space<hbm>>
    %dma_start3A_648 = arith.constant 0 : i32
    %dma_start3A_649 = tpu.memref_slice %arg4[%dma_start3A_640, %mul3A_638, %dma_start3A_648] : memref<20x4096x32xi32, #tpu.memory_space<hbm>> -> memref<1x128x32xi32, #tpu.memory_space<hbm>>
    %dma_start3A_650 = tpu.memref_squeeze %dma_start3A_649 : memref<1x128x32xi32, #tpu.memory_space<hbm>> -> memref<128x32xi32, #tpu.memory_space<hbm>>
    %dma_start3A_651 = arith.constant 0 : i32
    %dma_start3A_652 = arith.constant 0 : i32
    %dma_start3A_653 = tpu.memref_slice %arg6[%dma_start3A_639, %dma_start3A_651, %dma_start3A_652] : memref<6x128x32xi32, #tpu.memory_space<vmem>> -> memref<1x128x32xi32, #tpu.memory_space<vmem>>
    %dma_start3A_654 = tpu.memref_squeeze %dma_start3A_653 : memref<1x128x32xi32, #tpu.memory_space<vmem>> -> memref<128x32xi32, #tpu.memory_space<vmem>>
    tpu.enqueue_dma source(%dma_start3A_654 : memref<128x32xi32, #tpu.memory_space<vmem>>) target(%dma_start3A_650 : memref<128x32xi32, #tpu.memory_space<hbm>>) target_semaphore(%arg8 : memref<!tpu.dma_semaphore, #tpu.memory_space<semaphore_mem>>)
    %dma_wait3A_655 = arith.constant 2 : i32
    %dma_wait3A_656 = arith.constant 8 : i32
    %dma_wait3A_657 = arith.constant 0 : i32
    %dma_wait3A_658 = arith.constant 0 : i32
    %dma_wait3A_659 = tpu.memref_slice %arg6[%dma_wait3A_655, %dma_wait3A_657, %dma_wait3A_658] : memref<6x128x32xi32, #tpu.memory_space<vmem>> -> memref<1x128x32xi32, #tpu.memory_space<vmem>>
    %dma_wait3A_660 = tpu.memref_squeeze %dma_wait3A_659 : memref<1x128x32xi32, #tpu.memory_space<vmem>> -> memref<128x32xi32, #tpu.memory_space<vmem>>
    %dma_wait3A_661 = arith.constant 0 : i32
    %dma_wait3A_662 = tpu.memref_slice %arg4[%dma_wait3A_656, %mul3A_464, %dma_wait3A_661] : memref<20x4096x32xi32, #tpu.memory_space<hbm>> -> memref<1x128x32xi32, #tpu.memory_space<hbm>>
    %dma_wait3A_663 = tpu.memref_squeeze %dma_wait3A_662 : memref<1x128x32xi32, #tpu.memory_space<hbm>> -> memref<128x32xi32, #tpu.memory_space<hbm>>
    %dma_wait3A_664 = arith.constant 0 : i32
    %dma_wait3A_665 = tpu.memref_slice %arg4[%dma_wait3A_656, %mul3A_464, %dma_wait3A_664] : memref<20x4096x32xi32, #tpu.memory_space<hbm>> -> memref<1x128x32xi32, #tpu.memory_space<hbm>>
    %dma_wait3A_666 = tpu.memref_squeeze %dma_wait3A_665 : memref<1x128x32xi32, #tpu.memory_space<hbm>> -> memref<128x32xi32, #tpu.memory_space<hbm>>
    %dma_wait3A_667 = arith.constant 0 : i32
    %dma_wait3A_668 = arith.constant 0 : i32
    %dma_wait3A_669 = tpu.memref_slice %arg6[%dma_wait3A_655, %dma_wait3A_667, %dma_wait3A_668] : memref<6x128x32xi32, #tpu.memory_space<vmem>> -> memref<1x128x32xi32, #tpu.memory_space<vmem>>
    %dma_wait3A_670 = tpu.memref_squeeze %dma_wait3A_669 : memref<1x128x32xi32, #tpu.memory_space<vmem>> -> memref<128x32xi32, #tpu.memory_space<vmem>>
    tpu.wait_dma2 semaphore(%arg8 : memref<!tpu.dma_semaphore, #tpu.memory_space<semaphore_mem>>) src(%dma_wait3A_670 : memref<128x32xi32, #tpu.memory_space<vmem>>) dst(%dma_wait3A_666 : memref<128x32xi32, #tpu.memory_space<hbm>>)
    %dma_start3A_671 = arith.constant 14 : i32
    %dma_start3A_672 = arith.constant 2 : i32
    %dma_start3A_673 = arith.constant 0 : i32
    %dma_start3A_674 = arith.constant 0 : i32
    %dma_start3A_675 = tpu.memref_slice %arg6[%dma_start3A_672, %dma_start3A_673, %dma_start3A_674] : memref<6x128x32xi32, #tpu.memory_space<vmem>> -> memref<1x128x32xi32, #tpu.memory_space<vmem>>
    %dma_start3A_676 = tpu.memref_squeeze %dma_start3A_675 : memref<1x128x32xi32, #tpu.memory_space<vmem>> -> memref<128x32xi32, #tpu.memory_space<vmem>>
    %dma_start3A_677 = arith.constant 0 : i32
    %dma_start3A_678 = tpu.memref_slice %arg5[%dma_start3A_671, %dma_start3A_677] : memref<20x128xi32, #tpu.memory_space<vmem>> -> memref<1x128xi32, #tpu.memory_space<vmem>>
    %dma_start3A_679 = tpu.memref_squeeze %dma_start3A_678 : memref<1x128xi32, #tpu.memory_space<vmem>> -> memref<128xi32, #tpu.memory_space<vmem>>
    %dma_start3A_680 = arith.constant 0 : i32
    %dma_start3A_681 = arith.constant 0 : i32
    %dma_start3A_682 = tpu.memref_slice %arg2[%dma_start3A_680, %dma_start3A_681] : memref<524288x32xi32, #tpu.memory_space<hbm>> -> memref<524288x32xi32, #tpu.memory_space<hbm>>
    tpu.enqueue_indirect_dma source(%dma_start3A_682 : memref<524288x32xi32, #tpu.memory_space<hbm>>) target(%dma_start3A_676 : memref<128x32xi32, #tpu.memory_space<vmem>>) offsets(%dma_start3A_679 : memref<128xi32, #tpu.memory_space<vmem>>) semaphore(%arg7 : memref<!tpu.dma_semaphore, #tpu.memory_space<semaphore_mem>>)
    %dma_wait3A_683 = arith.constant 12 : i32
    %dma_wait3A_684 = arith.constant 0 : i32
    %dma_wait3A_685 = arith.constant 0 : i32
    %dma_wait3A_686 = arith.constant 0 : i32
    %dma_wait3A_687 = tpu.memref_slice %arg6[%dma_wait3A_684, %dma_wait3A_685, %dma_wait3A_686] : memref<6x128x32xi32, #tpu.memory_space<vmem>> -> memref<1x128x32xi32, #tpu.memory_space<vmem>>
    %dma_wait3A_688 = tpu.memref_squeeze %dma_wait3A_687 : memref<1x128x32xi32, #tpu.memory_space<vmem>> -> memref<128x32xi32, #tpu.memory_space<vmem>>
    %dma_wait3A_689 = arith.constant 0 : i32
    %dma_wait3A_690 = tpu.memref_slice %arg5[%dma_wait3A_683, %dma_wait3A_689] : memref<20x128xi32, #tpu.memory_space<vmem>> -> memref<1x128xi32, #tpu.memory_space<vmem>>
    %dma_wait3A_691 = tpu.memref_squeeze %dma_wait3A_690 : memref<1x128xi32, #tpu.memory_space<vmem>> -> memref<128xi32, #tpu.memory_space<vmem>>
    %dma_wait3A_692 = arith.constant 0 : i32
    %dma_wait3A_693 = arith.constant 0 : i32
    %dma_wait3A_694 = tpu.memref_slice %arg2[%dma_wait3A_692, %dma_wait3A_693] : memref<524288x32xi32, #tpu.memory_space<hbm>> -> memref<524288x32xi32, #tpu.memory_space<hbm>>
    tpu.wait_indirect_dma semaphore(%arg7 : memref<!tpu.dma_semaphore, #tpu.memory_space<semaphore_mem>>) src(%dma_wait3A_694 : memref<524288x32xi32, #tpu.memory_space<hbm>>) dst(%dma_wait3A_688 : memref<128x32xi32, #tpu.memory_space<vmem>>)
    %mul3A_695 = arith.constant 128 : i32
    %mul3A_696 = arith.muli %add3A, %mul3A_695 : i32
    %dma_start3A_697 = arith.constant 0 : i32
    %dma_start3A_698 = arith.constant 12 : i32
    %dma_start3A_699 = arith.constant 0 : i32
    %dma_start3A_700 = arith.constant 0 : i32
    %dma_start3A_701 = tpu.memref_slice %arg6[%dma_start3A_697, %dma_start3A_699, %dma_start3A_700] : memref<6x128x32xi32, #tpu.memory_space<vmem>> -> memref<1x128x32xi32, #tpu.memory_space<vmem>>
    %dma_start3A_702 = tpu.memref_squeeze %dma_start3A_701 : memref<1x128x32xi32, #tpu.memory_space<vmem>> -> memref<128x32xi32, #tpu.memory_space<vmem>>
    %dma_start3A_703 = arith.constant 0 : i32
    %dma_start3A_704 = tpu.memref_slice %arg4[%dma_start3A_698, %mul3A_696, %dma_start3A_703] : memref<20x4096x32xi32, #tpu.memory_space<hbm>> -> memref<1x128x32xi32, #tpu.memory_space<hbm>>
    %dma_start3A_705 = tpu.memref_squeeze %dma_start3A_704 : memref<1x128x32xi32, #tpu.memory_space<hbm>> -> memref<128x32xi32, #tpu.memory_space<hbm>>
    %dma_start3A_706 = arith.constant 0 : i32
    %dma_start3A_707 = tpu.memref_slice %arg4[%dma_start3A_698, %mul3A_696, %dma_start3A_706] : memref<20x4096x32xi32, #tpu.memory_space<hbm>> -> memref<1x128x32xi32, #tpu.memory_space<hbm>>
    %dma_start3A_708 = tpu.memref_squeeze %dma_start3A_707 : memref<1x128x32xi32, #tpu.memory_space<hbm>> -> memref<128x32xi32, #tpu.memory_space<hbm>>
    %dma_start3A_709 = arith.constant 0 : i32
    %dma_start3A_710 = arith.constant 0 : i32
    %dma_start3A_711 = tpu.memref_slice %arg6[%dma_start3A_697, %dma_start3A_709, %dma_start3A_710] : memref<6x128x32xi32, #tpu.memory_space<vmem>> -> memref<1x128x32xi32, #tpu.memory_space<vmem>>
    %dma_start3A_712 = tpu.memref_squeeze %dma_start3A_711 : memref<1x128x32xi32, #tpu.memory_space<vmem>> -> memref<128x32xi32, #tpu.memory_space<vmem>>
    tpu.enqueue_dma source(%dma_start3A_712 : memref<128x32xi32, #tpu.memory_space<vmem>>) target(%dma_start3A_708 : memref<128x32xi32, #tpu.memory_space<hbm>>) target_semaphore(%arg8 : memref<!tpu.dma_semaphore, #tpu.memory_space<semaphore_mem>>)
    %dma_wait3A_713 = arith.constant 3 : i32
    %dma_wait3A_714 = arith.constant 9 : i32
    %dma_wait3A_715 = arith.constant 0 : i32
    %dma_wait3A_716 = arith.constant 0 : i32
    %dma_wait3A_717 = tpu.memref_slice %arg6[%dma_wait3A_713, %dma_wait3A_715, %dma_wait3A_716] : memref<6x128x32xi32, #tpu.memory_space<vmem>> -> memref<1x128x32xi32, #tpu.memory_space<vmem>>
    %dma_wait3A_718 = tpu.memref_squeeze %dma_wait3A_717 : memref<1x128x32xi32, #tpu.memory_space<vmem>> -> memref<128x32xi32, #tpu.memory_space<vmem>>
    %dma_wait3A_719 = arith.constant 0 : i32
    %dma_wait3A_720 = tpu.memref_slice %arg4[%dma_wait3A_714, %mul3A_522, %dma_wait3A_719] : memref<20x4096x32xi32, #tpu.memory_space<hbm>> -> memref<1x128x32xi32, #tpu.memory_space<hbm>>
    %dma_wait3A_721 = tpu.memref_squeeze %dma_wait3A_720 : memref<1x128x32xi32, #tpu.memory_space<hbm>> -> memref<128x32xi32, #tpu.memory_space<hbm>>
    %dma_wait3A_722 = arith.constant 0 : i32
    %dma_wait3A_723 = tpu.memref_slice %arg4[%dma_wait3A_714, %mul3A_522, %dma_wait3A_722] : memref<20x4096x32xi32, #tpu.memory_space<hbm>> -> memref<1x128x32xi32, #tpu.memory_space<hbm>>
    %dma_wait3A_724 = tpu.memref_squeeze %dma_wait3A_723 : memref<1x128x32xi32, #tpu.memory_space<hbm>> -> memref<128x32xi32, #tpu.memory_space<hbm>>
    %dma_wait3A_725 = arith.constant 0 : i32
    %dma_wait3A_726 = arith.constant 0 : i32
    %dma_wait3A_727 = tpu.memref_slice %arg6[%dma_wait3A_713, %dma_wait3A_725, %dma_wait3A_726] : memref<6x128x32xi32, #tpu.memory_space<vmem>> -> memref<1x128x32xi32, #tpu.memory_space<vmem>>
    %dma_wait3A_728 = tpu.memref_squeeze %dma_wait3A_727 : memref<1x128x32xi32, #tpu.memory_space<vmem>> -> memref<128x32xi32, #tpu.memory_space<vmem>>
    tpu.wait_dma2 semaphore(%arg8 : memref<!tpu.dma_semaphore, #tpu.memory_space<semaphore_mem>>) src(%dma_wait3A_728 : memref<128x32xi32, #tpu.memory_space<vmem>>) dst(%dma_wait3A_724 : memref<128x32xi32, #tpu.memory_space<hbm>>)
    %dma_start3A_729 = arith.constant 15 : i32
    %dma_start3A_730 = arith.constant 3 : i32
    %dma_start3A_731 = arith.constant 0 : i32
    %dma_start3A_732 = arith.constant 0 : i32
    %dma_start3A_733 = tpu.memref_slice %arg6[%dma_start3A_730, %dma_start3A_731, %dma_start3A_732] : memref<6x128x32xi32, #tpu.memory_space<vmem>> -> memref<1x128x32xi32, #tpu.memory_space<vmem>>
    %dma_start3A_734 = tpu.memref_squeeze %dma_start3A_733 : memref<1x128x32xi32, #tpu.memory_space<vmem>> -> memref<128x32xi32, #tpu.memory_space<vmem>>
    %dma_start3A_735 = arith.constant 0 : i32
    %dma_start3A_736 = tpu.memref_slice %arg5[%dma_start3A_729, %dma_start3A_735] : memref<20x128xi32, #tpu.memory_space<vmem>> -> memref<1x128xi32, #tpu.memory_space<vmem>>
    %dma_start3A_737 = tpu.memref_squeeze %dma_start3A_736 : memref<1x128xi32, #tpu.memory_space<vmem>> -> memref<128xi32, #tpu.memory_space<vmem>>
    %dma_start3A_738 = arith.constant 0 : i32
    %dma_start3A_739 = arith.constant 0 : i32
    %dma_start3A_740 = tpu.memref_slice %arg2[%dma_start3A_738, %dma_start3A_739] : memref<524288x32xi32, #tpu.memory_space<hbm>> -> memref<524288x32xi32, #tpu.memory_space<hbm>>
    tpu.enqueue_indirect_dma source(%dma_start3A_740 : memref<524288x32xi32, #tpu.memory_space<hbm>>) target(%dma_start3A_734 : memref<128x32xi32, #tpu.memory_space<vmem>>) offsets(%dma_start3A_737 : memref<128xi32, #tpu.memory_space<vmem>>) semaphore(%arg7 : memref<!tpu.dma_semaphore, #tpu.memory_space<semaphore_mem>>)
    %dma_wait3A_741 = arith.constant 13 : i32
    %dma_wait3A_742 = arith.constant 1 : i32
    %dma_wait3A_743 = arith.constant 0 : i32
    %dma_wait3A_744 = arith.constant 0 : i32
    %dma_wait3A_745 = tpu.memref_slice %arg6[%dma_wait3A_742, %dma_wait3A_743, %dma_wait3A_744] : memref<6x128x32xi32, #tpu.memory_space<vmem>> -> memref<1x128x32xi32, #tpu.memory_space<vmem>>
    %dma_wait3A_746 = tpu.memref_squeeze %dma_wait3A_745 : memref<1x128x32xi32, #tpu.memory_space<vmem>> -> memref<128x32xi32, #tpu.memory_space<vmem>>
    %dma_wait3A_747 = arith.constant 0 : i32
    %dma_wait3A_748 = tpu.memref_slice %arg5[%dma_wait3A_741, %dma_wait3A_747] : memref<20x128xi32, #tpu.memory_space<vmem>> -> memref<1x128xi32, #tpu.memory_space<vmem>>
    %dma_wait3A_749 = tpu.memref_squeeze %dma_wait3A_748 : memref<1x128xi32, #tpu.memory_space<vmem>> -> memref<128xi32, #tpu.memory_space<vmem>>
    %dma_wait3A_750 = arith.constant 0 : i32
    %dma_wait3A_751 = arith.constant 0 : i32
    %dma_wait3A_752 = tpu.memref_slice %arg2[%dma_wait3A_750, %dma_wait3A_751] : memref<524288x32xi32, #tpu.memory_space<hbm>> -> memref<524288x32xi32, #tpu.memory_space<hbm>>
    tpu.wait_indirect_dma semaphore(%arg7 : memref<!tpu.dma_semaphore, #tpu.memory_space<semaphore_mem>>) src(%dma_wait3A_752 : memref<524288x32xi32, #tpu.memory_space<hbm>>) dst(%dma_wait3A_746 : memref<128x32xi32, #tpu.memory_space<vmem>>)
    %mul3A_753 = arith.constant 128 : i32
    %mul3A_754 = arith.muli %add3A, %mul3A_753 : i32
    %dma_start3A_755 = arith.constant 1 : i32
    %dma_start3A_756 = arith.constant 13 : i32
    %dma_start3A_757 = arith.constant 0 : i32
    %dma_start3A_758 = arith.constant 0 : i32
    %dma_start3A_759 = tpu.memref_slice %arg6[%dma_start3A_755, %dma_start3A_757, %dma_start3A_758] : memref<6x128x32xi32, #tpu.memory_space<vmem>> -> memref<1x128x32xi32, #tpu.memory_space<vmem>>
    %dma_start3A_760 = tpu.memref_squeeze %dma_start3A_759 : memref<1x128x32xi32, #tpu.memory_space<vmem>> -> memref<128x32xi32, #tpu.memory_space<vmem>>
    %dma_start3A_761 = arith.constant 0 : i32
    %dma_start3A_762 = tpu.memref_slice %arg4[%dma_start3A_756, %mul3A_754, %dma_start3A_761] : memref<20x4096x32xi32, #tpu.memory_space<hbm>> -> memref<1x128x32xi32, #tpu.memory_space<hbm>>
    %dma_start3A_763 = tpu.memref_squeeze %dma_start3A_762 : memref<1x128x32xi32, #tpu.memory_space<hbm>> -> memref<128x32xi32, #tpu.memory_space<hbm>>
    %dma_start3A_764 = arith.constant 0 : i32
    %dma_start3A_765 = tpu.memref_slice %arg4[%dma_start3A_756, %mul3A_754, %dma_start3A_764] : memref<20x4096x32xi32, #tpu.memory_space<hbm>> -> memref<1x128x32xi32, #tpu.memory_space<hbm>>
    %dma_start3A_766 = tpu.memref_squeeze %dma_start3A_765 : memref<1x128x32xi32, #tpu.memory_space<hbm>> -> memref<128x32xi32, #tpu.memory_space<hbm>>
    %dma_start3A_767 = arith.constant 0 : i32
    %dma_start3A_768 = arith.constant 0 : i32
    %dma_start3A_769 = tpu.memref_slice %arg6[%dma_start3A_755, %dma_start3A_767, %dma_start3A_768] : memref<6x128x32xi32, #tpu.memory_space<vmem>> -> memref<1x128x32xi32, #tpu.memory_space<vmem>>
    %dma_start3A_770 = tpu.memref_squeeze %dma_start3A_769 : memref<1x128x32xi32, #tpu.memory_space<vmem>> -> memref<128x32xi32, #tpu.memory_space<vmem>>
    tpu.enqueue_dma source(%dma_start3A_770 : memref<128x32xi32, #tpu.memory_space<vmem>>) target(%dma_start3A_766 : memref<128x32xi32, #tpu.memory_space<hbm>>) target_semaphore(%arg8 : memref<!tpu.dma_semaphore, #tpu.memory_space<semaphore_mem>>)
    %dma_wait3A_771 = arith.constant 4 : i32
    %dma_wait3A_772 = arith.constant 10 : i32
    %dma_wait3A_773 = arith.constant 0 : i32
    %dma_wait3A_774 = arith.constant 0 : i32
    %dma_wait3A_775 = tpu.memref_slice %arg6[%dma_wait3A_771, %dma_wait3A_773, %dma_wait3A_774] : memref<6x128x32xi32, #tpu.memory_space<vmem>> -> memref<1x128x32xi32, #tpu.memory_space<vmem>>
    %dma_wait3A_776 = tpu.memref_squeeze %dma_wait3A_775 : memref<1x128x32xi32, #tpu.memory_space<vmem>> -> memref<128x32xi32, #tpu.memory_space<vmem>>
    %dma_wait3A_777 = arith.constant 0 : i32
    %dma_wait3A_778 = tpu.memref_slice %arg4[%dma_wait3A_772, %mul3A_580, %dma_wait3A_777] : memref<20x4096x32xi32, #tpu.memory_space<hbm>> -> memref<1x128x32xi32, #tpu.memory_space<hbm>>
    %dma_wait3A_779 = tpu.memref_squeeze %dma_wait3A_778 : memref<1x128x32xi32, #tpu.memory_space<hbm>> -> memref<128x32xi32, #tpu.memory_space<hbm>>
    %dma_wait3A_780 = arith.constant 0 : i32
    %dma_wait3A_781 = tpu.memref_slice %arg4[%dma_wait3A_772, %mul3A_580, %dma_wait3A_780] : memref<20x4096x32xi32, #tpu.memory_space<hbm>> -> memref<1x128x32xi32, #tpu.memory_space<hbm>>
    %dma_wait3A_782 = tpu.memref_squeeze %dma_wait3A_781 : memref<1x128x32xi32, #tpu.memory_space<hbm>> -> memref<128x32xi32, #tpu.memory_space<hbm>>
    %dma_wait3A_783 = arith.constant 0 : i32
    %dma_wait3A_784 = arith.constant 0 : i32
    %dma_wait3A_785 = tpu.memref_slice %arg6[%dma_wait3A_771, %dma_wait3A_783, %dma_wait3A_784] : memref<6x128x32xi32, #tpu.memory_space<vmem>> -> memref<1x128x32xi32, #tpu.memory_space<vmem>>
    %dma_wait3A_786 = tpu.memref_squeeze %dma_wait3A_785 : memref<1x128x32xi32, #tpu.memory_space<vmem>> -> memref<128x32xi32, #tpu.memory_space<vmem>>
    tpu.wait_dma2 semaphore(%arg8 : memref<!tpu.dma_semaphore, #tpu.memory_space<semaphore_mem>>) src(%dma_wait3A_786 : memref<128x32xi32, #tpu.memory_space<vmem>>) dst(%dma_wait3A_782 : memref<128x32xi32, #tpu.memory_space<hbm>>)
    %dma_start3A_787 = arith.constant 16 : i32
    %dma_start3A_788 = arith.constant 4 : i32
    %dma_start3A_789 = arith.constant 0 : i32
    %dma_start3A_790 = arith.constant 0 : i32
    %dma_start3A_791 = tpu.memref_slice %arg6[%dma_start3A_788, %dma_start3A_789, %dma_start3A_790] : memref<6x128x32xi32, #tpu.memory_space<vmem>> -> memref<1x128x32xi32, #tpu.memory_space<vmem>>
    %dma_start3A_792 = tpu.memref_squeeze %dma_start3A_791 : memref<1x128x32xi32, #tpu.memory_space<vmem>> -> memref<128x32xi32, #tpu.memory_space<vmem>>
    %dma_start3A_793 = arith.constant 0 : i32
    %dma_start3A_794 = tpu.memref_slice %arg5[%dma_start3A_787, %dma_start3A_793] : memref<20x128xi32, #tpu.memory_space<vmem>> -> memref<1x128xi32, #tpu.memory_space<vmem>>
    %dma_start3A_795 = tpu.memref_squeeze %dma_start3A_794 : memref<1x128xi32, #tpu.memory_space<vmem>> -> memref<128xi32, #tpu.memory_space<vmem>>
    %dma_start3A_796 = arith.constant 0 : i32
    %dma_start3A_797 = arith.constant 0 : i32
    %dma_start3A_798 = tpu.memref_slice %arg2[%dma_start3A_796, %dma_start3A_797] : memref<524288x32xi32, #tpu.memory_space<hbm>> -> memref<524288x32xi32, #tpu.memory_space<hbm>>
    tpu.enqueue_indirect_dma source(%dma_start3A_798 : memref<524288x32xi32, #tpu.memory_space<hbm>>) target(%dma_start3A_792 : memref<128x32xi32, #tpu.memory_space<vmem>>) offsets(%dma_start3A_795 : memref<128xi32, #tpu.memory_space<vmem>>) semaphore(%arg7 : memref<!tpu.dma_semaphore, #tpu.memory_space<semaphore_mem>>)
    %dma_wait3A_799 = arith.constant 14 : i32
    %dma_wait3A_800 = arith.constant 2 : i32
    %dma_wait3A_801 = arith.constant 0 : i32
    %dma_wait3A_802 = arith.constant 0 : i32
    %dma_wait3A_803 = tpu.memref_slice %arg6[%dma_wait3A_800, %dma_wait3A_801, %dma_wait3A_802] : memref<6x128x32xi32, #tpu.memory_space<vmem>> -> memref<1x128x32xi32, #tpu.memory_space<vmem>>
    %dma_wait3A_804 = tpu.memref_squeeze %dma_wait3A_803 : memref<1x128x32xi32, #tpu.memory_space<vmem>> -> memref<128x32xi32, #tpu.memory_space<vmem>>
    %dma_wait3A_805 = arith.constant 0 : i32
    %dma_wait3A_806 = tpu.memref_slice %arg5[%dma_wait3A_799, %dma_wait3A_805] : memref<20x128xi32, #tpu.memory_space<vmem>> -> memref<1x128xi32, #tpu.memory_space<vmem>>
    %dma_wait3A_807 = tpu.memref_squeeze %dma_wait3A_806 : memref<1x128xi32, #tpu.memory_space<vmem>> -> memref<128xi32, #tpu.memory_space<vmem>>
    %dma_wait3A_808 = arith.constant 0 : i32
    %dma_wait3A_809 = arith.constant 0 : i32
    %dma_wait3A_810 = tpu.memref_slice %arg2[%dma_wait3A_808, %dma_wait3A_809] : memref<524288x32xi32, #tpu.memory_space<hbm>> -> memref<524288x32xi32, #tpu.memory_space<hbm>>
    tpu.wait_indirect_dma semaphore(%arg7 : memref<!tpu.dma_semaphore, #tpu.memory_space<semaphore_mem>>) src(%dma_wait3A_810 : memref<524288x32xi32, #tpu.memory_space<hbm>>) dst(%dma_wait3A_804 : memref<128x32xi32, #tpu.memory_space<vmem>>)
    %mul3A_811 = arith.constant 128 : i32
    %mul3A_812 = arith.muli %add3A, %mul3A_811 : i32
    %dma_start3A_813 = arith.constant 2 : i32
    %dma_start3A_814 = arith.constant 14 : i32
    %dma_start3A_815 = arith.constant 0 : i32
    %dma_start3A_816 = arith.constant 0 : i32
    %dma_start3A_817 = tpu.memref_slice %arg6[%dma_start3A_813, %dma_start3A_815, %dma_start3A_816] : memref<6x128x32xi32, #tpu.memory_space<vmem>> -> memref<1x128x32xi32, #tpu.memory_space<vmem>>
    %dma_start3A_818 = tpu.memref_squeeze %dma_start3A_817 : memref<1x128x32xi32, #tpu.memory_space<vmem>> -> memref<128x32xi32, #tpu.memory_space<vmem>>
    %dma_start3A_819 = arith.constant 0 : i32
    %dma_start3A_820 = tpu.memref_slice %arg4[%dma_start3A_814, %mul3A_812, %dma_start3A_819] : memref<20x4096x32xi32, #tpu.memory_space<hbm>> -> memref<1x128x32xi32, #tpu.memory_space<hbm>>
    %dma_start3A_821 = tpu.memref_squeeze %dma_start3A_820 : memref<1x128x32xi32, #tpu.memory_space<hbm>> -> memref<128x32xi32, #tpu.memory_space<hbm>>
    %dma_start3A_822 = arith.constant 0 : i32
    %dma_start3A_823 = tpu.memref_slice %arg4[%dma_start3A_814, %mul3A_812, %dma_start3A_822] : memref<20x4096x32xi32, #tpu.memory_space<hbm>> -> memref<1x128x32xi32, #tpu.memory_space<hbm>>
    %dma_start3A_824 = tpu.memref_squeeze %dma_start3A_823 : memref<1x128x32xi32, #tpu.memory_space<hbm>> -> memref<128x32xi32, #tpu.memory_space<hbm>>
    %dma_start3A_825 = arith.constant 0 : i32
    %dma_start3A_826 = arith.constant 0 : i32
    %dma_start3A_827 = tpu.memref_slice %arg6[%dma_start3A_813, %dma_start3A_825, %dma_start3A_826] : memref<6x128x32xi32, #tpu.memory_space<vmem>> -> memref<1x128x32xi32, #tpu.memory_space<vmem>>
    %dma_start3A_828 = tpu.memref_squeeze %dma_start3A_827 : memref<1x128x32xi32, #tpu.memory_space<vmem>> -> memref<128x32xi32, #tpu.memory_space<vmem>>
    tpu.enqueue_dma source(%dma_start3A_828 : memref<128x32xi32, #tpu.memory_space<vmem>>) target(%dma_start3A_824 : memref<128x32xi32, #tpu.memory_space<hbm>>) target_semaphore(%arg8 : memref<!tpu.dma_semaphore, #tpu.memory_space<semaphore_mem>>)
    %dma_wait3A_829 = arith.constant 5 : i32
    %dma_wait3A_830 = arith.constant 11 : i32
    %dma_wait3A_831 = arith.constant 0 : i32
    %dma_wait3A_832 = arith.constant 0 : i32
    %dma_wait3A_833 = tpu.memref_slice %arg6[%dma_wait3A_829, %dma_wait3A_831, %dma_wait3A_832] : memref<6x128x32xi32, #tpu.memory_space<vmem>> -> memref<1x128x32xi32, #tpu.memory_space<vmem>>
    %dma_wait3A_834 = tpu.memref_squeeze %dma_wait3A_833 : memref<1x128x32xi32, #tpu.memory_space<vmem>> -> memref<128x32xi32, #tpu.memory_space<vmem>>
    %dma_wait3A_835 = arith.constant 0 : i32
    %dma_wait3A_836 = tpu.memref_slice %arg4[%dma_wait3A_830, %mul3A_638, %dma_wait3A_835] : memref<20x4096x32xi32, #tpu.memory_space<hbm>> -> memref<1x128x32xi32, #tpu.memory_space<hbm>>
    %dma_wait3A_837 = tpu.memref_squeeze %dma_wait3A_836 : memref<1x128x32xi32, #tpu.memory_space<hbm>> -> memref<128x32xi32, #tpu.memory_space<hbm>>
    %dma_wait3A_838 = arith.constant 0 : i32
    %dma_wait3A_839 = tpu.memref_slice %arg4[%dma_wait3A_830, %mul3A_638, %dma_wait3A_838] : memref<20x4096x32xi32, #tpu.memory_space<hbm>> -> memref<1x128x32xi32, #tpu.memory_space<hbm>>
    %dma_wait3A_840 = tpu.memref_squeeze %dma_wait3A_839 : memref<1x128x32xi32, #tpu.memory_space<hbm>> -> memref<128x32xi32, #tpu.memory_space<hbm>>
    %dma_wait3A_841 = arith.constant 0 : i32
    %dma_wait3A_842 = arith.constant 0 : i32
    %dma_wait3A_843 = tpu.memref_slice %arg6[%dma_wait3A_829, %dma_wait3A_841, %dma_wait3A_842] : memref<6x128x32xi32, #tpu.memory_space<vmem>> -> memref<1x128x32xi32, #tpu.memory_space<vmem>>
    %dma_wait3A_844 = tpu.memref_squeeze %dma_wait3A_843 : memref<1x128x32xi32, #tpu.memory_space<vmem>> -> memref<128x32xi32, #tpu.memory_space<vmem>>
    tpu.wait_dma2 semaphore(%arg8 : memref<!tpu.dma_semaphore, #tpu.memory_space<semaphore_mem>>) src(%dma_wait3A_844 : memref<128x32xi32, #tpu.memory_space<vmem>>) dst(%dma_wait3A_840 : memref<128x32xi32, #tpu.memory_space<hbm>>)
    %dma_start3A_845 = arith.constant 17 : i32
    %dma_start3A_846 = arith.constant 5 : i32
    %dma_start3A_847 = arith.constant 0 : i32
    %dma_start3A_848 = arith.constant 0 : i32
    %dma_start3A_849 = tpu.memref_slice %arg6[%dma_start3A_846, %dma_start3A_847, %dma_start3A_848] : memref<6x128x32xi32, #tpu.memory_space<vmem>> -> memref<1x128x32xi32, #tpu.memory_space<vmem>>
    %dma_start3A_850 = tpu.memref_squeeze %dma_start3A_849 : memref<1x128x32xi32, #tpu.memory_space<vmem>> -> memref<128x32xi32, #tpu.memory_space<vmem>>
    %dma_start3A_851 = arith.constant 0 : i32
    %dma_start3A_852 = tpu.memref_slice %arg5[%dma_start3A_845, %dma_start3A_851] : memref<20x128xi32, #tpu.memory_space<vmem>> -> memref<1x128xi32, #tpu.memory_space<vmem>>
    %dma_start3A_853 = tpu.memref_squeeze %dma_start3A_852 : memref<1x128xi32, #tpu.memory_space<vmem>> -> memref<128xi32, #tpu.memory_space<vmem>>
    %dma_start3A_854 = arith.constant 0 : i32
    %dma_start3A_855 = arith.constant 0 : i32
    %dma_start3A_856 = tpu.memref_slice %arg2[%dma_start3A_854, %dma_start3A_855] : memref<524288x32xi32, #tpu.memory_space<hbm>> -> memref<524288x32xi32, #tpu.memory_space<hbm>>
    tpu.enqueue_indirect_dma source(%dma_start3A_856 : memref<524288x32xi32, #tpu.memory_space<hbm>>) target(%dma_start3A_850 : memref<128x32xi32, #tpu.memory_space<vmem>>) offsets(%dma_start3A_853 : memref<128xi32, #tpu.memory_space<vmem>>) semaphore(%arg7 : memref<!tpu.dma_semaphore, #tpu.memory_space<semaphore_mem>>)
    %dma_wait3A_857 = arith.constant 15 : i32
    %dma_wait3A_858 = arith.constant 3 : i32
    %dma_wait3A_859 = arith.constant 0 : i32
    %dma_wait3A_860 = arith.constant 0 : i32
    %dma_wait3A_861 = tpu.memref_slice %arg6[%dma_wait3A_858, %dma_wait3A_859, %dma_wait3A_860] : memref<6x128x32xi32, #tpu.memory_space<vmem>> -> memref<1x128x32xi32, #tpu.memory_space<vmem>>
    %dma_wait3A_862 = tpu.memref_squeeze %dma_wait3A_861 : memref<1x128x32xi32, #tpu.memory_space<vmem>> -> memref<128x32xi32, #tpu.memory_space<vmem>>
    %dma_wait3A_863 = arith.constant 0 : i32
    %dma_wait3A_864 = tpu.memref_slice %arg5[%dma_wait3A_857, %dma_wait3A_863] : memref<20x128xi32, #tpu.memory_space<vmem>> -> memref<1x128xi32, #tpu.memory_space<vmem>>
    %dma_wait3A_865 = tpu.memref_squeeze %dma_wait3A_864 : memref<1x128xi32, #tpu.memory_space<vmem>> -> memref<128xi32, #tpu.memory_space<vmem>>
    %dma_wait3A_866 = arith.constant 0 : i32
    %dma_wait3A_867 = arith.constant 0 : i32
    %dma_wait3A_868 = tpu.memref_slice %arg2[%dma_wait3A_866, %dma_wait3A_867] : memref<524288x32xi32, #tpu.memory_space<hbm>> -> memref<524288x32xi32, #tpu.memory_space<hbm>>
    tpu.wait_indirect_dma semaphore(%arg7 : memref<!tpu.dma_semaphore, #tpu.memory_space<semaphore_mem>>) src(%dma_wait3A_868 : memref<524288x32xi32, #tpu.memory_space<hbm>>) dst(%dma_wait3A_862 : memref<128x32xi32, #tpu.memory_space<vmem>>)
    %mul3A_869 = arith.constant 128 : i32
    %mul3A_870 = arith.muli %add3A, %mul3A_869 : i32
    %dma_start3A_871 = arith.constant 3 : i32
    %dma_start3A_872 = arith.constant 15 : i32
    %dma_start3A_873 = arith.constant 0 : i32
    %dma_start3A_874 = arith.constant 0 : i32
    %dma_start3A_875 = tpu.memref_slice %arg6[%dma_start3A_871, %dma_start3A_873, %dma_start3A_874] : memref<6x128x32xi32, #tpu.memory_space<vmem>> -> memref<1x128x32xi32, #tpu.memory_space<vmem>>
    %dma_start3A_876 = tpu.memref_squeeze %dma_start3A_875 : memref<1x128x32xi32, #tpu.memory_space<vmem>> -> memref<128x32xi32, #tpu.memory_space<vmem>>
    %dma_start3A_877 = arith.constant 0 : i32
    %dma_start3A_878 = tpu.memref_slice %arg4[%dma_start3A_872, %mul3A_870, %dma_start3A_877] : memref<20x4096x32xi32, #tpu.memory_space<hbm>> -> memref<1x128x32xi32, #tpu.memory_space<hbm>>
    %dma_start3A_879 = tpu.memref_squeeze %dma_start3A_878 : memref<1x128x32xi32, #tpu.memory_space<hbm>> -> memref<128x32xi32, #tpu.memory_space<hbm>>
    %dma_start3A_880 = arith.constant 0 : i32
    %dma_start3A_881 = tpu.memref_slice %arg4[%dma_start3A_872, %mul3A_870, %dma_start3A_880] : memref<20x4096x32xi32, #tpu.memory_space<hbm>> -> memref<1x128x32xi32, #tpu.memory_space<hbm>>
    %dma_start3A_882 = tpu.memref_squeeze %dma_start3A_881 : memref<1x128x32xi32, #tpu.memory_space<hbm>> -> memref<128x32xi32, #tpu.memory_space<hbm>>
    %dma_start3A_883 = arith.constant 0 : i32
    %dma_start3A_884 = arith.constant 0 : i32
    %dma_start3A_885 = tpu.memref_slice %arg6[%dma_start3A_871, %dma_start3A_883, %dma_start3A_884] : memref<6x128x32xi32, #tpu.memory_space<vmem>> -> memref<1x128x32xi32, #tpu.memory_space<vmem>>
    %dma_start3A_886 = tpu.memref_squeeze %dma_start3A_885 : memref<1x128x32xi32, #tpu.memory_space<vmem>> -> memref<128x32xi32, #tpu.memory_space<vmem>>
    tpu.enqueue_dma source(%dma_start3A_886 : memref<128x32xi32, #tpu.memory_space<vmem>>) target(%dma_start3A_882 : memref<128x32xi32, #tpu.memory_space<hbm>>) target_semaphore(%arg8 : memref<!tpu.dma_semaphore, #tpu.memory_space<semaphore_mem>>)
    %dma_wait3A_887 = arith.constant 0 : i32
    %dma_wait3A_888 = arith.constant 12 : i32
    %dma_wait3A_889 = arith.constant 0 : i32
    %dma_wait3A_890 = arith.constant 0 : i32
    %dma_wait3A_891 = tpu.memref_slice %arg6[%dma_wait3A_887, %dma_wait3A_889, %dma_wait3A_890] : memref<6x128x32xi32, #tpu.memory_space<vmem>> -> memref<1x128x32xi32, #tpu.memory_space<vmem>>
    %dma_wait3A_892 = tpu.memref_squeeze %dma_wait3A_891 : memref<1x128x32xi32, #tpu.memory_space<vmem>> -> memref<128x32xi32, #tpu.memory_space<vmem>>
    %dma_wait3A_893 = arith.constant 0 : i32
    %dma_wait3A_894 = tpu.memref_slice %arg4[%dma_wait3A_888, %mul3A_696, %dma_wait3A_893] : memref<20x4096x32xi32, #tpu.memory_space<hbm>> -> memref<1x128x32xi32, #tpu.memory_space<hbm>>
    %dma_wait3A_895 = tpu.memref_squeeze %dma_wait3A_894 : memref<1x128x32xi32, #tpu.memory_space<hbm>> -> memref<128x32xi32, #tpu.memory_space<hbm>>
    %dma_wait3A_896 = arith.constant 0 : i32
    %dma_wait3A_897 = tpu.memref_slice %arg4[%dma_wait3A_888, %mul3A_696, %dma_wait3A_896] : memref<20x4096x32xi32, #tpu.memory_space<hbm>> -> memref<1x128x32xi32, #tpu.memory_space<hbm>>
    %dma_wait3A_898 = tpu.memref_squeeze %dma_wait3A_897 : memref<1x128x32xi32, #tpu.memory_space<hbm>> -> memref<128x32xi32, #tpu.memory_space<hbm>>
    %dma_wait3A_899 = arith.constant 0 : i32
    %dma_wait3A_900 = arith.constant 0 : i32
    %dma_wait3A_901 = tpu.memref_slice %arg6[%dma_wait3A_887, %dma_wait3A_899, %dma_wait3A_900] : memref<6x128x32xi32, #tpu.memory_space<vmem>> -> memref<1x128x32xi32, #tpu.memory_space<vmem>>
    %dma_wait3A_902 = tpu.memref_squeeze %dma_wait3A_901 : memref<1x128x32xi32, #tpu.memory_space<vmem>> -> memref<128x32xi32, #tpu.memory_space<vmem>>
    tpu.wait_dma2 semaphore(%arg8 : memref<!tpu.dma_semaphore, #tpu.memory_space<semaphore_mem>>) src(%dma_wait3A_902 : memref<128x32xi32, #tpu.memory_space<vmem>>) dst(%dma_wait3A_898 : memref<128x32xi32, #tpu.memory_space<hbm>>)
    %dma_start3A_903 = arith.constant 18 : i32
    %dma_start3A_904 = arith.constant 0 : i32
    %dma_start3A_905 = arith.constant 0 : i32
    %dma_start3A_906 = arith.constant 0 : i32
    %dma_start3A_907 = tpu.memref_slice %arg6[%dma_start3A_904, %dma_start3A_905, %dma_start3A_906] : memref<6x128x32xi32, #tpu.memory_space<vmem>> -> memref<1x128x32xi32, #tpu.memory_space<vmem>>
    %dma_start3A_908 = tpu.memref_squeeze %dma_start3A_907 : memref<1x128x32xi32, #tpu.memory_space<vmem>> -> memref<128x32xi32, #tpu.memory_space<vmem>>
    %dma_start3A_909 = arith.constant 0 : i32
    %dma_start3A_910 = tpu.memref_slice %arg5[%dma_start3A_903, %dma_start3A_909] : memref<20x128xi32, #tpu.memory_space<vmem>> -> memref<1x128xi32, #tpu.memory_space<vmem>>
    %dma_start3A_911 = tpu.memref_squeeze %dma_start3A_910 : memref<1x128xi32, #tpu.memory_space<vmem>> -> memref<128xi32, #tpu.memory_space<vmem>>
    %dma_start3A_912 = arith.constant 0 : i32
    %dma_start3A_913 = arith.constant 0 : i32
    %dma_start3A_914 = tpu.memref_slice %arg2[%dma_start3A_912, %dma_start3A_913] : memref<524288x32xi32, #tpu.memory_space<hbm>> -> memref<524288x32xi32, #tpu.memory_space<hbm>>
    tpu.enqueue_indirect_dma source(%dma_start3A_914 : memref<524288x32xi32, #tpu.memory_space<hbm>>) target(%dma_start3A_908 : memref<128x32xi32, #tpu.memory_space<vmem>>) offsets(%dma_start3A_911 : memref<128xi32, #tpu.memory_space<vmem>>) semaphore(%arg7 : memref<!tpu.dma_semaphore, #tpu.memory_space<semaphore_mem>>)
    %dma_wait3A_915 = arith.constant 16 : i32
    %dma_wait3A_916 = arith.constant 4 : i32
    %dma_wait3A_917 = arith.constant 0 : i32
    %dma_wait3A_918 = arith.constant 0 : i32
    %dma_wait3A_919 = tpu.memref_slice %arg6[%dma_wait3A_916, %dma_wait3A_917, %dma_wait3A_918] : memref<6x128x32xi32, #tpu.memory_space<vmem>> -> memref<1x128x32xi32, #tpu.memory_space<vmem>>
    %dma_wait3A_920 = tpu.memref_squeeze %dma_wait3A_919 : memref<1x128x32xi32, #tpu.memory_space<vmem>> -> memref<128x32xi32, #tpu.memory_space<vmem>>
    %dma_wait3A_921 = arith.constant 0 : i32
    %dma_wait3A_922 = tpu.memref_slice %arg5[%dma_wait3A_915, %dma_wait3A_921] : memref<20x128xi32, #tpu.memory_space<vmem>> -> memref<1x128xi32, #tpu.memory_space<vmem>>
    %dma_wait3A_923 = tpu.memref_squeeze %dma_wait3A_922 : memref<1x128xi32, #tpu.memory_space<vmem>> -> memref<128xi32, #tpu.memory_space<vmem>>
    %dma_wait3A_924 = arith.constant 0 : i32
    %dma_wait3A_925 = arith.constant 0 : i32
    %dma_wait3A_926 = tpu.memref_slice %arg2[%dma_wait3A_924, %dma_wait3A_925] : memref<524288x32xi32, #tpu.memory_space<hbm>> -> memref<524288x32xi32, #tpu.memory_space<hbm>>
    tpu.wait_indirect_dma semaphore(%arg7 : memref<!tpu.dma_semaphore, #tpu.memory_space<semaphore_mem>>) src(%dma_wait3A_926 : memref<524288x32xi32, #tpu.memory_space<hbm>>) dst(%dma_wait3A_920 : memref<128x32xi32, #tpu.memory_space<vmem>>)
    %mul3A_927 = arith.constant 128 : i32
    %mul3A_928 = arith.muli %add3A, %mul3A_927 : i32
    %dma_start3A_929 = arith.constant 4 : i32
    %dma_start3A_930 = arith.constant 16 : i32
    %dma_start3A_931 = arith.constant 0 : i32
    %dma_start3A_932 = arith.constant 0 : i32
    %dma_start3A_933 = tpu.memref_slice %arg6[%dma_start3A_929, %dma_start3A_931, %dma_start3A_932] : memref<6x128x32xi32, #tpu.memory_space<vmem>> -> memref<1x128x32xi32, #tpu.memory_space<vmem>>
    %dma_start3A_934 = tpu.memref_squeeze %dma_start3A_933 : memref<1x128x32xi32, #tpu.memory_space<vmem>> -> memref<128x32xi32, #tpu.memory_space<vmem>>
    %dma_start3A_935 = arith.constant 0 : i32
    %dma_start3A_936 = tpu.memref_slice %arg4[%dma_start3A_930, %mul3A_928, %dma_start3A_935] : memref<20x4096x32xi32, #tpu.memory_space<hbm>> -> memref<1x128x32xi32, #tpu.memory_space<hbm>>
    %dma_start3A_937 = tpu.memref_squeeze %dma_start3A_936 : memref<1x128x32xi32, #tpu.memory_space<hbm>> -> memref<128x32xi32, #tpu.memory_space<hbm>>
    %dma_start3A_938 = arith.constant 0 : i32
    %dma_start3A_939 = tpu.memref_slice %arg4[%dma_start3A_930, %mul3A_928, %dma_start3A_938] : memref<20x4096x32xi32, #tpu.memory_space<hbm>> -> memref<1x128x32xi32, #tpu.memory_space<hbm>>
    %dma_start3A_940 = tpu.memref_squeeze %dma_start3A_939 : memref<1x128x32xi32, #tpu.memory_space<hbm>> -> memref<128x32xi32, #tpu.memory_space<hbm>>
    %dma_start3A_941 = arith.constant 0 : i32
    %dma_start3A_942 = arith.constant 0 : i32
    %dma_start3A_943 = tpu.memref_slice %arg6[%dma_start3A_929, %dma_start3A_941, %dma_start3A_942] : memref<6x128x32xi32, #tpu.memory_space<vmem>> -> memref<1x128x32xi32, #tpu.memory_space<vmem>>
    %dma_start3A_944 = tpu.memref_squeeze %dma_start3A_943 : memref<1x128x32xi32, #tpu.memory_space<vmem>> -> memref<128x32xi32, #tpu.memory_space<vmem>>
    tpu.enqueue_dma source(%dma_start3A_944 : memref<128x32xi32, #tpu.memory_space<vmem>>) target(%dma_start3A_940 : memref<128x32xi32, #tpu.memory_space<hbm>>) target_semaphore(%arg8 : memref<!tpu.dma_semaphore, #tpu.memory_space<semaphore_mem>>)
    %dma_wait3A_945 = arith.constant 1 : i32
    %dma_wait3A_946 = arith.constant 13 : i32
    %dma_wait3A_947 = arith.constant 0 : i32
    %dma_wait3A_948 = arith.constant 0 : i32
    %dma_wait3A_949 = tpu.memref_slice %arg6[%dma_wait3A_945, %dma_wait3A_947, %dma_wait3A_948] : memref<6x128x32xi32, #tpu.memory_space<vmem>> -> memref<1x128x32xi32, #tpu.memory_space<vmem>>
    %dma_wait3A_950 = tpu.memref_squeeze %dma_wait3A_949 : memref<1x128x32xi32, #tpu.memory_space<vmem>> -> memref<128x32xi32, #tpu.memory_space<vmem>>
    %dma_wait3A_951 = arith.constant 0 : i32
    %dma_wait3A_952 = tpu.memref_slice %arg4[%dma_wait3A_946, %mul3A_754, %dma_wait3A_951] : memref<20x4096x32xi32, #tpu.memory_space<hbm>> -> memref<1x128x32xi32, #tpu.memory_space<hbm>>
    %dma_wait3A_953 = tpu.memref_squeeze %dma_wait3A_952 : memref<1x128x32xi32, #tpu.memory_space<hbm>> -> memref<128x32xi32, #tpu.memory_space<hbm>>
    %dma_wait3A_954 = arith.constant 0 : i32
    %dma_wait3A_955 = tpu.memref_slice %arg4[%dma_wait3A_946, %mul3A_754, %dma_wait3A_954] : memref<20x4096x32xi32, #tpu.memory_space<hbm>> -> memref<1x128x32xi32, #tpu.memory_space<hbm>>
    %dma_wait3A_956 = tpu.memref_squeeze %dma_wait3A_955 : memref<1x128x32xi32, #tpu.memory_space<hbm>> -> memref<128x32xi32, #tpu.memory_space<hbm>>
    %dma_wait3A_957 = arith.constant 0 : i32
    %dma_wait3A_958 = arith.constant 0 : i32
    %dma_wait3A_959 = tpu.memref_slice %arg6[%dma_wait3A_945, %dma_wait3A_957, %dma_wait3A_958] : memref<6x128x32xi32, #tpu.memory_space<vmem>> -> memref<1x128x32xi32, #tpu.memory_space<vmem>>
    %dma_wait3A_960 = tpu.memref_squeeze %dma_wait3A_959 : memref<1x128x32xi32, #tpu.memory_space<vmem>> -> memref<128x32xi32, #tpu.memory_space<vmem>>
    tpu.wait_dma2 semaphore(%arg8 : memref<!tpu.dma_semaphore, #tpu.memory_space<semaphore_mem>>) src(%dma_wait3A_960 : memref<128x32xi32, #tpu.memory_space<vmem>>) dst(%dma_wait3A_956 : memref<128x32xi32, #tpu.memory_space<hbm>>)
    %dma_start3A_961 = arith.constant 19 : i32
    %dma_start3A_962 = arith.constant 1 : i32
    %dma_start3A_963 = arith.constant 0 : i32
    %dma_start3A_964 = arith.constant 0 : i32
    %dma_start3A_965 = tpu.memref_slice %arg6[%dma_start3A_962, %dma_start3A_963, %dma_start3A_964] : memref<6x128x32xi32, #tpu.memory_space<vmem>> -> memref<1x128x32xi32, #tpu.memory_space<vmem>>
    %dma_start3A_966 = tpu.memref_squeeze %dma_start3A_965 : memref<1x128x32xi32, #tpu.memory_space<vmem>> -> memref<128x32xi32, #tpu.memory_space<vmem>>
    %dma_start3A_967 = arith.constant 0 : i32
    %dma_start3A_968 = tpu.memref_slice %arg5[%dma_start3A_961, %dma_start3A_967] : memref<20x128xi32, #tpu.memory_space<vmem>> -> memref<1x128xi32, #tpu.memory_space<vmem>>
    %dma_start3A_969 = tpu.memref_squeeze %dma_start3A_968 : memref<1x128xi32, #tpu.memory_space<vmem>> -> memref<128xi32, #tpu.memory_space<vmem>>
    %dma_start3A_970 = arith.constant 0 : i32
    %dma_start3A_971 = arith.constant 0 : i32
    %dma_start3A_972 = tpu.memref_slice %arg2[%dma_start3A_970, %dma_start3A_971] : memref<524288x32xi32, #tpu.memory_space<hbm>> -> memref<524288x32xi32, #tpu.memory_space<hbm>>
    tpu.enqueue_indirect_dma source(%dma_start3A_972 : memref<524288x32xi32, #tpu.memory_space<hbm>>) target(%dma_start3A_966 : memref<128x32xi32, #tpu.memory_space<vmem>>) offsets(%dma_start3A_969 : memref<128xi32, #tpu.memory_space<vmem>>) semaphore(%arg7 : memref<!tpu.dma_semaphore, #tpu.memory_space<semaphore_mem>>)
    %dma_wait3A_973 = arith.constant 17 : i32
    %dma_wait3A_974 = arith.constant 5 : i32
    %dma_wait3A_975 = arith.constant 0 : i32
    %dma_wait3A_976 = arith.constant 0 : i32
    %dma_wait3A_977 = tpu.memref_slice %arg6[%dma_wait3A_974, %dma_wait3A_975, %dma_wait3A_976] : memref<6x128x32xi32, #tpu.memory_space<vmem>> -> memref<1x128x32xi32, #tpu.memory_space<vmem>>
    %dma_wait3A_978 = tpu.memref_squeeze %dma_wait3A_977 : memref<1x128x32xi32, #tpu.memory_space<vmem>> -> memref<128x32xi32, #tpu.memory_space<vmem>>
    %dma_wait3A_979 = arith.constant 0 : i32
    %dma_wait3A_980 = tpu.memref_slice %arg5[%dma_wait3A_973, %dma_wait3A_979] : memref<20x128xi32, #tpu.memory_space<vmem>> -> memref<1x128xi32, #tpu.memory_space<vmem>>
    %dma_wait3A_981 = tpu.memref_squeeze %dma_wait3A_980 : memref<1x128xi32, #tpu.memory_space<vmem>> -> memref<128xi32, #tpu.memory_space<vmem>>
    %dma_wait3A_982 = arith.constant 0 : i32
    %dma_wait3A_983 = arith.constant 0 : i32
    %dma_wait3A_984 = tpu.memref_slice %arg2[%dma_wait3A_982, %dma_wait3A_983] : memref<524288x32xi32, #tpu.memory_space<hbm>> -> memref<524288x32xi32, #tpu.memory_space<hbm>>
    tpu.wait_indirect_dma semaphore(%arg7 : memref<!tpu.dma_semaphore, #tpu.memory_space<semaphore_mem>>) src(%dma_wait3A_984 : memref<524288x32xi32, #tpu.memory_space<hbm>>) dst(%dma_wait3A_978 : memref<128x32xi32, #tpu.memory_space<vmem>>)
    %mul3A_985 = arith.constant 128 : i32
    %mul3A_986 = arith.muli %add3A, %mul3A_985 : i32
    %dma_start3A_987 = arith.constant 5 : i32
    %dma_start3A_988 = arith.constant 17 : i32
    %dma_start3A_989 = arith.constant 0 : i32
    %dma_start3A_990 = arith.constant 0 : i32
    %dma_start3A_991 = tpu.memref_slice %arg6[%dma_start3A_987, %dma_start3A_989, %dma_start3A_990] : memref<6x128x32xi32, #tpu.memory_space<vmem>> -> memref<1x128x32xi32, #tpu.memory_space<vmem>>
    %dma_start3A_992 = tpu.memref_squeeze %dma_start3A_991 : memref<1x128x32xi32, #tpu.memory_space<vmem>> -> memref<128x32xi32, #tpu.memory_space<vmem>>
    %dma_start3A_993 = arith.constant 0 : i32
    %dma_start3A_994 = tpu.memref_slice %arg4[%dma_start3A_988, %mul3A_986, %dma_start3A_993] : memref<20x4096x32xi32, #tpu.memory_space<hbm>> -> memref<1x128x32xi32, #tpu.memory_space<hbm>>
    %dma_start3A_995 = tpu.memref_squeeze %dma_start3A_994 : memref<1x128x32xi32, #tpu.memory_space<hbm>> -> memref<128x32xi32, #tpu.memory_space<hbm>>
    %dma_start3A_996 = arith.constant 0 : i32
    %dma_start3A_997 = tpu.memref_slice %arg4[%dma_start3A_988, %mul3A_986, %dma_start3A_996] : memref<20x4096x32xi32, #tpu.memory_space<hbm>> -> memref<1x128x32xi32, #tpu.memory_space<hbm>>
    %dma_start3A_998 = tpu.memref_squeeze %dma_start3A_997 : memref<1x128x32xi32, #tpu.memory_space<hbm>> -> memref<128x32xi32, #tpu.memory_space<hbm>>
    %dma_start3A_999 = arith.constant 0 : i32
    %dma_start3A_1000 = arith.constant 0 : i32
    %dma_start3A_1001 = tpu.memref_slice %arg6[%dma_start3A_987, %dma_start3A_999, %dma_start3A_1000] : memref<6x128x32xi32, #tpu.memory_space<vmem>> -> memref<1x128x32xi32, #tpu.memory_space<vmem>>
    %dma_start3A_1002 = tpu.memref_squeeze %dma_start3A_1001 : memref<1x128x32xi32, #tpu.memory_space<vmem>> -> memref<128x32xi32, #tpu.memory_space<vmem>>
    tpu.enqueue_dma source(%dma_start3A_1002 : memref<128x32xi32, #tpu.memory_space<vmem>>) target(%dma_start3A_998 : memref<128x32xi32, #tpu.memory_space<hbm>>) target_semaphore(%arg8 : memref<!tpu.dma_semaphore, #tpu.memory_space<semaphore_mem>>)
    %dma_wait3A_1003 = arith.constant 18 : i32
    %dma_wait3A_1004 = arith.constant 0 : i32
    %dma_wait3A_1005 = arith.constant 0 : i32
    %dma_wait3A_1006 = arith.constant 0 : i32
    %dma_wait3A_1007 = tpu.memref_slice %arg6[%dma_wait3A_1004, %dma_wait3A_1005, %dma_wait3A_1006] : memref<6x128x32xi32, #tpu.memory_space<vmem>> -> memref<1x128x32xi32, #tpu.memory_space<vmem>>
    %dma_wait3A_1008 = tpu.memref_squeeze %dma_wait3A_1007 : memref<1x128x32xi32, #tpu.memory_space<vmem>> -> memref<128x32xi32, #tpu.memory_space<vmem>>
    %dma_wait3A_1009 = arith.constant 0 : i32
    %dma_wait3A_1010 = tpu.memref_slice %arg5[%dma_wait3A_1003, %dma_wait3A_1009] : memref<20x128xi32, #tpu.memory_space<vmem>> -> memref<1x128xi32, #tpu.memory_space<vmem>>
    %dma_wait3A_1011 = tpu.memref_squeeze %dma_wait3A_1010 : memref<1x128xi32, #tpu.memory_space<vmem>> -> memref<128xi32, #tpu.memory_space<vmem>>
    %dma_wait3A_1012 = arith.constant 0 : i32
    %dma_wait3A_1013 = arith.constant 0 : i32
    %dma_wait3A_1014 = tpu.memref_slice %arg2[%dma_wait3A_1012, %dma_wait3A_1013] : memref<524288x32xi32, #tpu.memory_space<hbm>> -> memref<524288x32xi32, #tpu.memory_space<hbm>>
    tpu.wait_indirect_dma semaphore(%arg7 : memref<!tpu.dma_semaphore, #tpu.memory_space<semaphore_mem>>) src(%dma_wait3A_1014 : memref<524288x32xi32, #tpu.memory_space<hbm>>) dst(%dma_wait3A_1008 : memref<128x32xi32, #tpu.memory_space<vmem>>)
    %mul3A_1015 = arith.constant 128 : i32
    %mul3A_1016 = arith.muli %add3A, %mul3A_1015 : i32
    %dma_start3A_1017 = arith.constant 0 : i32
    %dma_start3A_1018 = arith.constant 18 : i32
    %dma_start3A_1019 = arith.constant 0 : i32
    %dma_start3A_1020 = arith.constant 0 : i32
    %dma_start3A_1021 = tpu.memref_slice %arg6[%dma_start3A_1017, %dma_start3A_1019, %dma_start3A_1020] : memref<6x128x32xi32, #tpu.memory_space<vmem>> -> memref<1x128x32xi32, #tpu.memory_space<vmem>>
    %dma_start3A_1022 = tpu.memref_squeeze %dma_start3A_1021 : memref<1x128x32xi32, #tpu.memory_space<vmem>> -> memref<128x32xi32, #tpu.memory_space<vmem>>
    %dma_start3A_1023 = arith.constant 0 : i32
    %dma_start3A_1024 = tpu.memref_slice %arg4[%dma_start3A_1018, %mul3A_1016, %dma_start3A_1023] : memref<20x4096x32xi32, #tpu.memory_space<hbm>> -> memref<1x128x32xi32, #tpu.memory_space<hbm>>
    %dma_start3A_1025 = tpu.memref_squeeze %dma_start3A_1024 : memref<1x128x32xi32, #tpu.memory_space<hbm>> -> memref<128x32xi32, #tpu.memory_space<hbm>>
    %dma_start3A_1026 = arith.constant 0 : i32
    %dma_start3A_1027 = tpu.memref_slice %arg4[%dma_start3A_1018, %mul3A_1016, %dma_start3A_1026] : memref<20x4096x32xi32, #tpu.memory_space<hbm>> -> memref<1x128x32xi32, #tpu.memory_space<hbm>>
    %dma_start3A_1028 = tpu.memref_squeeze %dma_start3A_1027 : memref<1x128x32xi32, #tpu.memory_space<hbm>> -> memref<128x32xi32, #tpu.memory_space<hbm>>
    %dma_start3A_1029 = arith.constant 0 : i32
    %dma_start3A_1030 = arith.constant 0 : i32
    %dma_start3A_1031 = tpu.memref_slice %arg6[%dma_start3A_1017, %dma_start3A_1029, %dma_start3A_1030] : memref<6x128x32xi32, #tpu.memory_space<vmem>> -> memref<1x128x32xi32, #tpu.memory_space<vmem>>
    %dma_start3A_1032 = tpu.memref_squeeze %dma_start3A_1031 : memref<1x128x32xi32, #tpu.memory_space<vmem>> -> memref<128x32xi32, #tpu.memory_space<vmem>>
    tpu.enqueue_dma source(%dma_start3A_1032 : memref<128x32xi32, #tpu.memory_space<vmem>>) target(%dma_start3A_1028 : memref<128x32xi32, #tpu.memory_space<hbm>>) target_semaphore(%arg8 : memref<!tpu.dma_semaphore, #tpu.memory_space<semaphore_mem>>)
    %dma_wait3A_1033 = arith.constant 19 : i32
    %dma_wait3A_1034 = arith.constant 1 : i32
    %dma_wait3A_1035 = arith.constant 0 : i32
    %dma_wait3A_1036 = arith.constant 0 : i32
    %dma_wait3A_1037 = tpu.memref_slice %arg6[%dma_wait3A_1034, %dma_wait3A_1035, %dma_wait3A_1036] : memref<6x128x32xi32, #tpu.memory_space<vmem>> -> memref<1x128x32xi32, #tpu.memory_space<vmem>>
    %dma_wait3A_1038 = tpu.memref_squeeze %dma_wait3A_1037 : memref<1x128x32xi32, #tpu.memory_space<vmem>> -> memref<128x32xi32, #tpu.memory_space<vmem>>
    %dma_wait3A_1039 = arith.constant 0 : i32
    %dma_wait3A_1040 = tpu.memref_slice %arg5[%dma_wait3A_1033, %dma_wait3A_1039] : memref<20x128xi32, #tpu.memory_space<vmem>> -> memref<1x128xi32, #tpu.memory_space<vmem>>
    %dma_wait3A_1041 = tpu.memref_squeeze %dma_wait3A_1040 : memref<1x128xi32, #tpu.memory_space<vmem>> -> memref<128xi32, #tpu.memory_space<vmem>>
    %dma_wait3A_1042 = arith.constant 0 : i32
    %dma_wait3A_1043 = arith.constant 0 : i32
    %dma_wait3A_1044 = tpu.memref_slice %arg2[%dma_wait3A_1042, %dma_wait3A_1043] : memref<524288x32xi32, #tpu.memory_space<hbm>> -> memref<524288x32xi32, #tpu.memory_space<hbm>>
    tpu.wait_indirect_dma semaphore(%arg7 : memref<!tpu.dma_semaphore, #tpu.memory_space<semaphore_mem>>) src(%dma_wait3A_1044 : memref<524288x32xi32, #tpu.memory_space<hbm>>) dst(%dma_wait3A_1038 : memref<128x32xi32, #tpu.memory_space<vmem>>)
    %mul3A_1045 = arith.constant 128 : i32
    %mul3A_1046 = arith.muli %add3A, %mul3A_1045 : i32
    %dma_start3A_1047 = arith.constant 1 : i32
    %dma_start3A_1048 = arith.constant 19 : i32
    %dma_start3A_1049 = arith.constant 0 : i32
    %dma_start3A_1050 = arith.constant 0 : i32
    %dma_start3A_1051 = tpu.memref_slice %arg6[%dma_start3A_1047, %dma_start3A_1049, %dma_start3A_1050] : memref<6x128x32xi32, #tpu.memory_space<vmem>> -> memref<1x128x32xi32, #tpu.memory_space<vmem>>
    %dma_start3A_1052 = tpu.memref_squeeze %dma_start3A_1051 : memref<1x128x32xi32, #tpu.memory_space<vmem>> -> memref<128x32xi32, #tpu.memory_space<vmem>>
    %dma_start3A_1053 = arith.constant 0 : i32
    %dma_start3A_1054 = tpu.memref_slice %arg4[%dma_start3A_1048, %mul3A_1046, %dma_start3A_1053] : memref<20x4096x32xi32, #tpu.memory_space<hbm>> -> memref<1x128x32xi32, #tpu.memory_space<hbm>>
    %dma_start3A_1055 = tpu.memref_squeeze %dma_start3A_1054 : memref<1x128x32xi32, #tpu.memory_space<hbm>> -> memref<128x32xi32, #tpu.memory_space<hbm>>
    %dma_start3A_1056 = arith.constant 0 : i32
    %dma_start3A_1057 = tpu.memref_slice %arg4[%dma_start3A_1048, %mul3A_1046, %dma_start3A_1056] : memref<20x4096x32xi32, #tpu.memory_space<hbm>> -> memref<1x128x32xi32, #tpu.memory_space<hbm>>
    %dma_start3A_1058 = tpu.memref_squeeze %dma_start3A_1057 : memref<1x128x32xi32, #tpu.memory_space<hbm>> -> memref<128x32xi32, #tpu.memory_space<hbm>>
    %dma_start3A_1059 = arith.constant 0 : i32
    %dma_start3A_1060 = arith.constant 0 : i32
    %dma_start3A_1061 = tpu.memref_slice %arg6[%dma_start3A_1047, %dma_start3A_1059, %dma_start3A_1060] : memref<6x128x32xi32, #tpu.memory_space<vmem>> -> memref<1x128x32xi32, #tpu.memory_space<vmem>>
    %dma_start3A_1062 = tpu.memref_squeeze %dma_start3A_1061 : memref<1x128x32xi32, #tpu.memory_space<vmem>> -> memref<128x32xi32, #tpu.memory_space<vmem>>
    tpu.enqueue_dma source(%dma_start3A_1062 : memref<128x32xi32, #tpu.memory_space<vmem>>) target(%dma_start3A_1058 : memref<128x32xi32, #tpu.memory_space<hbm>>) target_semaphore(%arg8 : memref<!tpu.dma_semaphore, #tpu.memory_space<semaphore_mem>>)
    %dma_wait3A_1063 = arith.constant 2 : i32
    %dma_wait3A_1064 = arith.constant 14 : i32
    %dma_wait3A_1065 = arith.constant 0 : i32
    %dma_wait3A_1066 = arith.constant 0 : i32
    %dma_wait3A_1067 = tpu.memref_slice %arg6[%dma_wait3A_1063, %dma_wait3A_1065, %dma_wait3A_1066] : memref<6x128x32xi32, #tpu.memory_space<vmem>> -> memref<1x128x32xi32, #tpu.memory_space<vmem>>
    %dma_wait3A_1068 = tpu.memref_squeeze %dma_wait3A_1067 : memref<1x128x32xi32, #tpu.memory_space<vmem>> -> memref<128x32xi32, #tpu.memory_space<vmem>>
    %dma_wait3A_1069 = arith.constant 0 : i32
    %dma_wait3A_1070 = tpu.memref_slice %arg4[%dma_wait3A_1064, %mul3A_812, %dma_wait3A_1069] : memref<20x4096x32xi32, #tpu.memory_space<hbm>> -> memref<1x128x32xi32, #tpu.memory_space<hbm>>
    %dma_wait3A_1071 = tpu.memref_squeeze %dma_wait3A_1070 : memref<1x128x32xi32, #tpu.memory_space<hbm>> -> memref<128x32xi32, #tpu.memory_space<hbm>>
    %dma_wait3A_1072 = arith.constant 0 : i32
    %dma_wait3A_1073 = tpu.memref_slice %arg4[%dma_wait3A_1064, %mul3A_812, %dma_wait3A_1072] : memref<20x4096x32xi32, #tpu.memory_space<hbm>> -> memref<1x128x32xi32, #tpu.memory_space<hbm>>
    %dma_wait3A_1074 = tpu.memref_squeeze %dma_wait3A_1073 : memref<1x128x32xi32, #tpu.memory_space<hbm>> -> memref<128x32xi32, #tpu.memory_space<hbm>>
    %dma_wait3A_1075 = arith.constant 0 : i32
    %dma_wait3A_1076 = arith.constant 0 : i32
    %dma_wait3A_1077 = tpu.memref_slice %arg6[%dma_wait3A_1063, %dma_wait3A_1075, %dma_wait3A_1076] : memref<6x128x32xi32, #tpu.memory_space<vmem>> -> memref<1x128x32xi32, #tpu.memory_space<vmem>>
    %dma_wait3A_1078 = tpu.memref_squeeze %dma_wait3A_1077 : memref<1x128x32xi32, #tpu.memory_space<vmem>> -> memref<128x32xi32, #tpu.memory_space<vmem>>
    tpu.wait_dma2 semaphore(%arg8 : memref<!tpu.dma_semaphore, #tpu.memory_space<semaphore_mem>>) src(%dma_wait3A_1078 : memref<128x32xi32, #tpu.memory_space<vmem>>) dst(%dma_wait3A_1074 : memref<128x32xi32, #tpu.memory_space<hbm>>)
    %dma_wait3A_1079 = arith.constant 3 : i32
    %dma_wait3A_1080 = arith.constant 15 : i32
    %dma_wait3A_1081 = arith.constant 0 : i32
    %dma_wait3A_1082 = arith.constant 0 : i32
    %dma_wait3A_1083 = tpu.memref_slice %arg6[%dma_wait3A_1079, %dma_wait3A_1081, %dma_wait3A_1082] : memref<6x128x32xi32, #tpu.memory_space<vmem>> -> memref<1x128x32xi32, #tpu.memory_space<vmem>>
    %dma_wait3A_1084 = tpu.memref_squeeze %dma_wait3A_1083 : memref<1x128x32xi32, #tpu.memory_space<vmem>> -> memref<128x32xi32, #tpu.memory_space<vmem>>
    %dma_wait3A_1085 = arith.constant 0 : i32
    %dma_wait3A_1086 = tpu.memref_slice %arg4[%dma_wait3A_1080, %mul3A_870, %dma_wait3A_1085] : memref<20x4096x32xi32, #tpu.memory_space<hbm>> -> memref<1x128x32xi32, #tpu.memory_space<hbm>>
    %dma_wait3A_1087 = tpu.memref_squeeze %dma_wait3A_1086 : memref<1x128x32xi32, #tpu.memory_space<hbm>> -> memref<128x32xi32, #tpu.memory_space<hbm>>
    %dma_wait3A_1088 = arith.constant 0 : i32
    %dma_wait3A_1089 = tpu.memref_slice %arg4[%dma_wait3A_1080, %mul3A_870, %dma_wait3A_1088] : memref<20x4096x32xi32, #tpu.memory_space<hbm>> -> memref<1x128x32xi32, #tpu.memory_space<hbm>>
    %dma_wait3A_1090 = tpu.memref_squeeze %dma_wait3A_1089 : memref<1x128x32xi32, #tpu.memory_space<hbm>> -> memref<128x32xi32, #tpu.memory_space<hbm>>
    %dma_wait3A_1091 = arith.constant 0 : i32
    %dma_wait3A_1092 = arith.constant 0 : i32
    %dma_wait3A_1093 = tpu.memref_slice %arg6[%dma_wait3A_1079, %dma_wait3A_1091, %dma_wait3A_1092] : memref<6x128x32xi32, #tpu.memory_space<vmem>> -> memref<1x128x32xi32, #tpu.memory_space<vmem>>
    %dma_wait3A_1094 = tpu.memref_squeeze %dma_wait3A_1093 : memref<1x128x32xi32, #tpu.memory_space<vmem>> -> memref<128x32xi32, #tpu.memory_space<vmem>>
    tpu.wait_dma2 semaphore(%arg8 : memref<!tpu.dma_semaphore, #tpu.memory_space<semaphore_mem>>) src(%dma_wait3A_1094 : memref<128x32xi32, #tpu.memory_space<vmem>>) dst(%dma_wait3A_1090 : memref<128x32xi32, #tpu.memory_space<hbm>>)
    %dma_wait3A_1095 = arith.constant 4 : i32
    %dma_wait3A_1096 = arith.constant 16 : i32
    %dma_wait3A_1097 = arith.constant 0 : i32
    %dma_wait3A_1098 = arith.constant 0 : i32
    %dma_wait3A_1099 = tpu.memref_slice %arg6[%dma_wait3A_1095, %dma_wait3A_1097, %dma_wait3A_1098] : memref<6x128x32xi32, #tpu.memory_space<vmem>> -> memref<1x128x32xi32, #tpu.memory_space<vmem>>
    %dma_wait3A_1100 = tpu.memref_squeeze %dma_wait3A_1099 : memref<1x128x32xi32, #tpu.memory_space<vmem>> -> memref<128x32xi32, #tpu.memory_space<vmem>>
    %dma_wait3A_1101 = arith.constant 0 : i32
    %dma_wait3A_1102 = tpu.memref_slice %arg4[%dma_wait3A_1096, %mul3A_928, %dma_wait3A_1101] : memref<20x4096x32xi32, #tpu.memory_space<hbm>> -> memref<1x128x32xi32, #tpu.memory_space<hbm>>
    %dma_wait3A_1103 = tpu.memref_squeeze %dma_wait3A_1102 : memref<1x128x32xi32, #tpu.memory_space<hbm>> -> memref<128x32xi32, #tpu.memory_space<hbm>>
    %dma_wait3A_1104 = arith.constant 0 : i32
    %dma_wait3A_1105 = tpu.memref_slice %arg4[%dma_wait3A_1096, %mul3A_928, %dma_wait3A_1104] : memref<20x4096x32xi32, #tpu.memory_space<hbm>> -> memref<1x128x32xi32, #tpu.memory_space<hbm>>
    %dma_wait3A_1106 = tpu.memref_squeeze %dma_wait3A_1105 : memref<1x128x32xi32, #tpu.memory_space<hbm>> -> memref<128x32xi32, #tpu.memory_space<hbm>>
    %dma_wait3A_1107 = arith.constant 0 : i32
    %dma_wait3A_1108 = arith.constant 0 : i32
    %dma_wait3A_1109 = tpu.memref_slice %arg6[%dma_wait3A_1095, %dma_wait3A_1107, %dma_wait3A_1108] : memref<6x128x32xi32, #tpu.memory_space<vmem>> -> memref<1x128x32xi32, #tpu.memory_space<vmem>>
    %dma_wait3A_1110 = tpu.memref_squeeze %dma_wait3A_1109 : memref<1x128x32xi32, #tpu.memory_space<vmem>> -> memref<128x32xi32, #tpu.memory_space<vmem>>
    tpu.wait_dma2 semaphore(%arg8 : memref<!tpu.dma_semaphore, #tpu.memory_space<semaphore_mem>>) src(%dma_wait3A_1110 : memref<128x32xi32, #tpu.memory_space<vmem>>) dst(%dma_wait3A_1106 : memref<128x32xi32, #tpu.memory_space<hbm>>)
    %dma_wait3A_1111 = arith.constant 5 : i32
    %dma_wait3A_1112 = arith.constant 17 : i32
    %dma_wait3A_1113 = arith.constant 0 : i32
    %dma_wait3A_1114 = arith.constant 0 : i32
    %dma_wait3A_1115 = tpu.memref_slice %arg6[%dma_wait3A_1111, %dma_wait3A_1113, %dma_wait3A_1114] : memref<6x128x32xi32, #tpu.memory_space<vmem>> -> memref<1x128x32xi32, #tpu.memory_space<vmem>>
    %dma_wait3A_1116 = tpu.memref_squeeze %dma_wait3A_1115 : memref<1x128x32xi32, #tpu.memory_space<vmem>> -> memref<128x32xi32, #tpu.memory_space<vmem>>
    %dma_wait3A_1117 = arith.constant 0 : i32
    %dma_wait3A_1118 = tpu.memref_slice %arg4[%dma_wait3A_1112, %mul3A_986, %dma_wait3A_1117] : memref<20x4096x32xi32, #tpu.memory_space<hbm>> -> memref<1x128x32xi32, #tpu.memory_space<hbm>>
    %dma_wait3A_1119 = tpu.memref_squeeze %dma_wait3A_1118 : memref<1x128x32xi32, #tpu.memory_space<hbm>> -> memref<128x32xi32, #tpu.memory_space<hbm>>
    %dma_wait3A_1120 = arith.constant 0 : i32
    %dma_wait3A_1121 = tpu.memref_slice %arg4[%dma_wait3A_1112, %mul3A_986, %dma_wait3A_1120] : memref<20x4096x32xi32, #tpu.memory_space<hbm>> -> memref<1x128x32xi32, #tpu.memory_space<hbm>>
    %dma_wait3A_1122 = tpu.memref_squeeze %dma_wait3A_1121 : memref<1x128x32xi32, #tpu.memory_space<hbm>> -> memref<128x32xi32, #tpu.memory_space<hbm>>
    %dma_wait3A_1123 = arith.constant 0 : i32
    %dma_wait3A_1124 = arith.constant 0 : i32
    %dma_wait3A_1125 = tpu.memref_slice %arg6[%dma_wait3A_1111, %dma_wait3A_1123, %dma_wait3A_1124] : memref<6x128x32xi32, #tpu.memory_space<vmem>> -> memref<1x128x32xi32, #tpu.memory_space<vmem>>
    %dma_wait3A_1126 = tpu.memref_squeeze %dma_wait3A_1125 : memref<1x128x32xi32, #tpu.memory_space<vmem>> -> memref<128x32xi32, #tpu.memory_space<vmem>>
    tpu.wait_dma2 semaphore(%arg8 : memref<!tpu.dma_semaphore, #tpu.memory_space<semaphore_mem>>) src(%dma_wait3A_1126 : memref<128x32xi32, #tpu.memory_space<vmem>>) dst(%dma_wait3A_1122 : memref<128x32xi32, #tpu.memory_space<hbm>>)
    %dma_wait3A_1127 = arith.constant 0 : i32
    %dma_wait3A_1128 = arith.constant 18 : i32
    %dma_wait3A_1129 = arith.constant 0 : i32
    %dma_wait3A_1130 = arith.constant 0 : i32
    %dma_wait3A_1131 = tpu.memref_slice %arg6[%dma_wait3A_1127, %dma_wait3A_1129, %dma_wait3A_1130] : memref<6x128x32xi32, #tpu.memory_space<vmem>> -> memref<1x128x32xi32, #tpu.memory_space<vmem>>
    %dma_wait3A_1132 = tpu.memref_squeeze %dma_wait3A_1131 : memref<1x128x32xi32, #tpu.memory_space<vmem>> -> memref<128x32xi32, #tpu.memory_space<vmem>>
    %dma_wait3A_1133 = arith.constant 0 : i32
    %dma_wait3A_1134 = tpu.memref_slice %arg4[%dma_wait3A_1128, %mul3A_1016, %dma_wait3A_1133] : memref<20x4096x32xi32, #tpu.memory_space<hbm>> -> memref<1x128x32xi32, #tpu.memory_space<hbm>>
    %dma_wait3A_1135 = tpu.memref_squeeze %dma_wait3A_1134 : memref<1x128x32xi32, #tpu.memory_space<hbm>> -> memref<128x32xi32, #tpu.memory_space<hbm>>
    %dma_wait3A_1136 = arith.constant 0 : i32
    %dma_wait3A_1137 = tpu.memref_slice %arg4[%dma_wait3A_1128, %mul3A_1016, %dma_wait3A_1136] : memref<20x4096x32xi32, #tpu.memory_space<hbm>> -> memref<1x128x32xi32, #tpu.memory_space<hbm>>
    %dma_wait3A_1138 = tpu.memref_squeeze %dma_wait3A_1137 : memref<1x128x32xi32, #tpu.memory_space<hbm>> -> memref<128x32xi32, #tpu.memory_space<hbm>>
    %dma_wait3A_1139 = arith.constant 0 : i32
    %dma_wait3A_1140 = arith.constant 0 : i32
    %dma_wait3A_1141 = tpu.memref_slice %arg6[%dma_wait3A_1127, %dma_wait3A_1139, %dma_wait3A_1140] : memref<6x128x32xi32, #tpu.memory_space<vmem>> -> memref<1x128x32xi32, #tpu.memory_space<vmem>>
    %dma_wait3A_1142 = tpu.memref_squeeze %dma_wait3A_1141 : memref<1x128x32xi32, #tpu.memory_space<vmem>> -> memref<128x32xi32, #tpu.memory_space<vmem>>
    tpu.wait_dma2 semaphore(%arg8 : memref<!tpu.dma_semaphore, #tpu.memory_space<semaphore_mem>>) src(%dma_wait3A_1142 : memref<128x32xi32, #tpu.memory_space<vmem>>) dst(%dma_wait3A_1138 : memref<128x32xi32, #tpu.memory_space<hbm>>)
    %dma_wait3A_1143 = arith.constant 1 : i32
    %dma_wait3A_1144 = arith.constant 19 : i32
    %dma_wait3A_1145 = arith.constant 0 : i32
    %dma_wait3A_1146 = arith.constant 0 : i32
    %dma_wait3A_1147 = tpu.memref_slice %arg6[%dma_wait3A_1143, %dma_wait3A_1145, %dma_wait3A_1146] : memref<6x128x32xi32, #tpu.memory_space<vmem>> -> memref<1x128x32xi32, #tpu.memory_space<vmem>>
    %dma_wait3A_1148 = tpu.memref_squeeze %dma_wait3A_1147 : memref<1x128x32xi32, #tpu.memory_space<vmem>> -> memref<128x32xi32, #tpu.memory_space<vmem>>
    %dma_wait3A_1149 = arith.constant 0 : i32
    %dma_wait3A_1150 = tpu.memref_slice %arg4[%dma_wait3A_1144, %mul3A_1046, %dma_wait3A_1149] : memref<20x4096x32xi32, #tpu.memory_space<hbm>> -> memref<1x128x32xi32, #tpu.memory_space<hbm>>
    %dma_wait3A_1151 = tpu.memref_squeeze %dma_wait3A_1150 : memref<1x128x32xi32, #tpu.memory_space<hbm>> -> memref<128x32xi32, #tpu.memory_space<hbm>>
    %dma_wait3A_1152 = arith.constant 0 : i32
    %dma_wait3A_1153 = tpu.memref_slice %arg4[%dma_wait3A_1144, %mul3A_1046, %dma_wait3A_1152] : memref<20x4096x32xi32, #tpu.memory_space<hbm>> -> memref<1x128x32xi32, #tpu.memory_space<hbm>>
    %dma_wait3A_1154 = tpu.memref_squeeze %dma_wait3A_1153 : memref<1x128x32xi32, #tpu.memory_space<hbm>> -> memref<128x32xi32, #tpu.memory_space<hbm>>
    %dma_wait3A_1155 = arith.constant 0 : i32
    %dma_wait3A_1156 = arith.constant 0 : i32
    %dma_wait3A_1157 = tpu.memref_slice %arg6[%dma_wait3A_1143, %dma_wait3A_1155, %dma_wait3A_1156] : memref<6x128x32xi32, #tpu.memory_space<vmem>> -> memref<1x128x32xi32, #tpu.memory_space<vmem>>
    %dma_wait3A_1158 = tpu.memref_squeeze %dma_wait3A_1157 : memref<1x128x32xi32, #tpu.memory_space<vmem>> -> memref<128x32xi32, #tpu.memory_space<vmem>>
    tpu.wait_dma2 semaphore(%arg8 : memref<!tpu.dma_semaphore, #tpu.memory_space<semaphore_mem>>) src(%dma_wait3A_1158 : memref<128x32xi32, #tpu.memory_space<vmem>>) dst(%dma_wait3A_1154 : memref<128x32xi32, #tpu.memory_space<hbm>>)
    return
  }
}

module attributes {stable_mosaic.version = 14 : i64} {
  func.func @_tr_body(%arg0: i32, %arg1: memref<32x8192xf32, #tpu.memory_space<vmem>>, %arg2: memref<32x8192xf32, #tpu.memory_space<vmem>>, %arg3: memref<32x8192xf32, #tpu.memory_space<vmem>>, %arg4: memref<32x8192xf32, #tpu.memory_space<vmem>>, %arg5: memref<32x8192xf32, #tpu.memory_space<vmem>>, %arg6: memref<32x8192xf32, #tpu.memory_space<vmem>>, %arg7: memref<32x8192xf32, #tpu.memory_space<vmem>>, %arg8: memref<32x8192xf32, #tpu.memory_space<vmem>>, %arg9: memref<8192x128xi32, #tpu.memory_space<vmem>>) attributes {dimension_semantics = [#tpu.dimension_semantics<arbitrary>], iteration_bounds = array<i64: 16>, scalar_prefetch = 0 : i64, scratch_operands = 0 : i64, tpu.core_type = #tpu.core_type<tc>, window_params = [{transform_indices = @transform_0, window_bounds = array<i64: 32, 8192>}, {transform_indices = @transform_1, window_bounds = array<i64: 32, 8192>}, {transform_indices = @transform_2, window_bounds = array<i64: 32, 8192>}, {transform_indices = @transform_3, window_bounds = array<i64: 32, 8192>}, {transform_indices = @transform_4, window_bounds = array<i64: 32, 8192>}, {transform_indices = @transform_5, window_bounds = array<i64: 32, 8192>}, {transform_indices = @transform_6, window_bounds = array<i64: 32, 8192>}, {transform_indices = @transform_7, window_bounds = array<i64: 32, 8192>}, {transform_indices = @transform_8, window_bounds = array<i64: 8192, 128>}]} {
    %get3A = arith.constant 0 : index
    %get3A_0 = arith.constant 0 : index
    %get3A_1 = vector.load %arg1[%get3A, %get3A_0] : memref<32x8192xf32, #tpu.memory_space<vmem>>, vector<32x8192xf32>
    %convert_element_type3A = arith.truncf %get3A_1 : vector<32x8192xf32> to vector<32x8192xbf16>
    %convert_element_type3A_2 = arith.extf %convert_element_type3A : vector<32x8192xbf16> to vector<32x8192xf32>
    %get3A_3 = arith.constant 0 : index
    %get3A_4 = arith.constant 0 : index
    %get3A_5 = vector.load %arg2[%get3A_3, %get3A_4] : memref<32x8192xf32, #tpu.memory_space<vmem>>, vector<32x8192xf32>
    %convert_element_type3A_6 = arith.truncf %get3A_5 : vector<32x8192xf32> to vector<32x8192xbf16>
    %convert_element_type3A_7 = arith.extf %convert_element_type3A_6 : vector<32x8192xbf16> to vector<32x8192xf32>
    %bitcast_convert_type3A = tpu.bitcast %convert_element_type3A_2 : vector<32x8192xf32> -> vector<32x8192xi32>
    %bitcast_convert_type3A_8 = tpu.bitcast %convert_element_type3A_7 : vector<32x8192xf32> -> vector<32x8192xi32>
    %and3A = arith.constant -65536 : i32
    %and3A_9 = vector.broadcast %and3A : i32 to vector<32x8192xi32>
    %and3A_10 = arith.andi %bitcast_convert_type3A_8, %and3A_9 : vector<32x8192xi32>
    %shift_right_arithmetic3A = arith.constant 16 : i32
    %shift_right_arithmetic3A_11 = vector.broadcast %shift_right_arithmetic3A : i32 to vector<32x8192xi32>
    %shift_right_arithmetic3A_12 = arith.shrsi %bitcast_convert_type3A, %shift_right_arithmetic3A_11 : vector<32x8192xi32>
    %and3A_13 = arith.constant 65535 : i32
    %and3A_14 = vector.broadcast %and3A_13 : i32 to vector<32x8192xi32>
    %and3A_15 = arith.andi %shift_right_arithmetic3A_12, %and3A_14 : vector<32x8192xi32>
    %or3A = arith.ori %and3A_10, %and3A_15 : vector<32x8192xi32>
    %slice3A = vector.extract_strided_slice %or3A {offsets = [0, 0], sizes = [32, 2048], strides = [1, 1]} : vector<32x8192xi32> to vector<32x2048xi32>
    %slice3A_16 = vector.extract_strided_slice %or3A {offsets = [0, 2048], sizes = [32, 2048], strides = [1, 1]} : vector<32x8192xi32> to vector<32x2048xi32>
    %slice3A_17 = vector.extract_strided_slice %or3A {offsets = [0, 4096], sizes = [32, 2048], strides = [1, 1]} : vector<32x8192xi32> to vector<32x2048xi32>
    %slice3A_18 = vector.extract_strided_slice %or3A {offsets = [0, 6144], sizes = [32, 2048], strides = [1, 1]} : vector<32x8192xi32> to vector<32x2048xi32>
    %concatenate3A = tpu.concatenate %slice3A, %slice3A_16, %slice3A_17, %slice3A_18 in 0 : vector<32x2048xi32>, vector<32x2048xi32>, vector<32x2048xi32>, vector<32x2048xi32> -> vector<128x2048xi32>
    %transpose3A = tpu.transpose %concatenate3A, [1, 0] : vector<128x2048xi32> -> vector<2048x128xi32>
    %get3A_19 = arith.constant 0 : index
    %get3A_20 = arith.constant 0 : index
    %get3A_21 = vector.load %arg3[%get3A_19, %get3A_20] : memref<32x8192xf32, #tpu.memory_space<vmem>>, vector<32x8192xf32>
    %convert_element_type3A_22 = arith.truncf %get3A_21 : vector<32x8192xf32> to vector<32x8192xbf16>
    %convert_element_type3A_23 = arith.extf %convert_element_type3A_22 : vector<32x8192xbf16> to vector<32x8192xf32>
    %get3A_24 = arith.constant 0 : index
    %get3A_25 = arith.constant 0 : index
    %get3A_26 = vector.load %arg4[%get3A_24, %get3A_25] : memref<32x8192xf32, #tpu.memory_space<vmem>>, vector<32x8192xf32>
    %convert_element_type3A_27 = arith.truncf %get3A_26 : vector<32x8192xf32> to vector<32x8192xbf16>
    %convert_element_type3A_28 = arith.extf %convert_element_type3A_27 : vector<32x8192xbf16> to vector<32x8192xf32>
    %bitcast_convert_type3A_29 = tpu.bitcast %convert_element_type3A_23 : vector<32x8192xf32> -> vector<32x8192xi32>
    %bitcast_convert_type3A_30 = tpu.bitcast %convert_element_type3A_28 : vector<32x8192xf32> -> vector<32x8192xi32>
    %and3A_31 = arith.constant -65536 : i32
    %and3A_32 = vector.broadcast %and3A_31 : i32 to vector<32x8192xi32>
    %and3A_33 = arith.andi %bitcast_convert_type3A_30, %and3A_32 : vector<32x8192xi32>
    %shift_right_arithmetic3A_34 = arith.constant 16 : i32
    %shift_right_arithmetic3A_35 = vector.broadcast %shift_right_arithmetic3A_34 : i32 to vector<32x8192xi32>
    %shift_right_arithmetic3A_36 = arith.shrsi %bitcast_convert_type3A_29, %shift_right_arithmetic3A_35 : vector<32x8192xi32>
    %and3A_37 = arith.constant 65535 : i32
    %and3A_38 = vector.broadcast %and3A_37 : i32 to vector<32x8192xi32>
    %and3A_39 = arith.andi %shift_right_arithmetic3A_36, %and3A_38 : vector<32x8192xi32>
    %or3A_40 = arith.ori %and3A_33, %and3A_39 : vector<32x8192xi32>
    %slice3A_41 = vector.extract_strided_slice %or3A_40 {offsets = [0, 0], sizes = [32, 2048], strides = [1, 1]} : vector<32x8192xi32> to vector<32x2048xi32>
    %slice3A_42 = vector.extract_strided_slice %or3A_40 {offsets = [0, 2048], sizes = [32, 2048], strides = [1, 1]} : vector<32x8192xi32> to vector<32x2048xi32>
    %slice3A_43 = vector.extract_strided_slice %or3A_40 {offsets = [0, 4096], sizes = [32, 2048], strides = [1, 1]} : vector<32x8192xi32> to vector<32x2048xi32>
    %slice3A_44 = vector.extract_strided_slice %or3A_40 {offsets = [0, 6144], sizes = [32, 2048], strides = [1, 1]} : vector<32x8192xi32> to vector<32x2048xi32>
    %concatenate3A_45 = tpu.concatenate %slice3A_41, %slice3A_42, %slice3A_43, %slice3A_44 in 0 : vector<32x2048xi32>, vector<32x2048xi32>, vector<32x2048xi32>, vector<32x2048xi32> -> vector<128x2048xi32>
    %transpose3A_46 = tpu.transpose %concatenate3A_45, [1, 0] : vector<128x2048xi32> -> vector<2048x128xi32>
    %get3A_47 = arith.constant 0 : index
    %get3A_48 = arith.constant 0 : index
    %get3A_49 = vector.load %arg5[%get3A_47, %get3A_48] : memref<32x8192xf32, #tpu.memory_space<vmem>>, vector<32x8192xf32>
    %convert_element_type3A_50 = arith.truncf %get3A_49 : vector<32x8192xf32> to vector<32x8192xbf16>
    %convert_element_type3A_51 = arith.extf %convert_element_type3A_50 : vector<32x8192xbf16> to vector<32x8192xf32>
    %get3A_52 = arith.constant 0 : index
    %get3A_53 = arith.constant 0 : index
    %get3A_54 = vector.load %arg6[%get3A_52, %get3A_53] : memref<32x8192xf32, #tpu.memory_space<vmem>>, vector<32x8192xf32>
    %convert_element_type3A_55 = arith.truncf %get3A_54 : vector<32x8192xf32> to vector<32x8192xbf16>
    %convert_element_type3A_56 = arith.extf %convert_element_type3A_55 : vector<32x8192xbf16> to vector<32x8192xf32>
    %bitcast_convert_type3A_57 = tpu.bitcast %convert_element_type3A_51 : vector<32x8192xf32> -> vector<32x8192xi32>
    %bitcast_convert_type3A_58 = tpu.bitcast %convert_element_type3A_56 : vector<32x8192xf32> -> vector<32x8192xi32>
    %and3A_59 = arith.constant -65536 : i32
    %and3A_60 = vector.broadcast %and3A_59 : i32 to vector<32x8192xi32>
    %and3A_61 = arith.andi %bitcast_convert_type3A_58, %and3A_60 : vector<32x8192xi32>
    %shift_right_arithmetic3A_62 = arith.constant 16 : i32
    %shift_right_arithmetic3A_63 = vector.broadcast %shift_right_arithmetic3A_62 : i32 to vector<32x8192xi32>
    %shift_right_arithmetic3A_64 = arith.shrsi %bitcast_convert_type3A_57, %shift_right_arithmetic3A_63 : vector<32x8192xi32>
    %and3A_65 = arith.constant 65535 : i32
    %and3A_66 = vector.broadcast %and3A_65 : i32 to vector<32x8192xi32>
    %and3A_67 = arith.andi %shift_right_arithmetic3A_64, %and3A_66 : vector<32x8192xi32>
    %or3A_68 = arith.ori %and3A_61, %and3A_67 : vector<32x8192xi32>
    %slice3A_69 = vector.extract_strided_slice %or3A_68 {offsets = [0, 0], sizes = [32, 2048], strides = [1, 1]} : vector<32x8192xi32> to vector<32x2048xi32>
    %slice3A_70 = vector.extract_strided_slice %or3A_68 {offsets = [0, 2048], sizes = [32, 2048], strides = [1, 1]} : vector<32x8192xi32> to vector<32x2048xi32>
    %slice3A_71 = vector.extract_strided_slice %or3A_68 {offsets = [0, 4096], sizes = [32, 2048], strides = [1, 1]} : vector<32x8192xi32> to vector<32x2048xi32>
    %slice3A_72 = vector.extract_strided_slice %or3A_68 {offsets = [0, 6144], sizes = [32, 2048], strides = [1, 1]} : vector<32x8192xi32> to vector<32x2048xi32>
    %concatenate3A_73 = tpu.concatenate %slice3A_69, %slice3A_70, %slice3A_71, %slice3A_72 in 0 : vector<32x2048xi32>, vector<32x2048xi32>, vector<32x2048xi32>, vector<32x2048xi32> -> vector<128x2048xi32>
    %transpose3A_74 = tpu.transpose %concatenate3A_73, [1, 0] : vector<128x2048xi32> -> vector<2048x128xi32>
    %get3A_75 = arith.constant 0 : index
    %get3A_76 = arith.constant 0 : index
    %get3A_77 = vector.load %arg7[%get3A_75, %get3A_76] : memref<32x8192xf32, #tpu.memory_space<vmem>>, vector<32x8192xf32>
    %convert_element_type3A_78 = arith.truncf %get3A_77 : vector<32x8192xf32> to vector<32x8192xbf16>
    %convert_element_type3A_79 = arith.extf %convert_element_type3A_78 : vector<32x8192xbf16> to vector<32x8192xf32>
    %get3A_80 = arith.constant 0 : index
    %get3A_81 = arith.constant 0 : index
    %get3A_82 = vector.load %arg8[%get3A_80, %get3A_81] : memref<32x8192xf32, #tpu.memory_space<vmem>>, vector<32x8192xf32>
    %convert_element_type3A_83 = arith.truncf %get3A_82 : vector<32x8192xf32> to vector<32x8192xbf16>
    %convert_element_type3A_84 = arith.extf %convert_element_type3A_83 : vector<32x8192xbf16> to vector<32x8192xf32>
    %bitcast_convert_type3A_85 = tpu.bitcast %convert_element_type3A_79 : vector<32x8192xf32> -> vector<32x8192xi32>
    %bitcast_convert_type3A_86 = tpu.bitcast %convert_element_type3A_84 : vector<32x8192xf32> -> vector<32x8192xi32>
    %and3A_87 = arith.constant -65536 : i32
    %and3A_88 = vector.broadcast %and3A_87 : i32 to vector<32x8192xi32>
    %and3A_89 = arith.andi %bitcast_convert_type3A_86, %and3A_88 : vector<32x8192xi32>
    %shift_right_arithmetic3A_90 = arith.constant 16 : i32
    %shift_right_arithmetic3A_91 = vector.broadcast %shift_right_arithmetic3A_90 : i32 to vector<32x8192xi32>
    %shift_right_arithmetic3A_92 = arith.shrsi %bitcast_convert_type3A_85, %shift_right_arithmetic3A_91 : vector<32x8192xi32>
    %and3A_93 = arith.constant 65535 : i32
    %and3A_94 = vector.broadcast %and3A_93 : i32 to vector<32x8192xi32>
    %and3A_95 = arith.andi %shift_right_arithmetic3A_92, %and3A_94 : vector<32x8192xi32>
    %or3A_96 = arith.ori %and3A_89, %and3A_95 : vector<32x8192xi32>
    %slice3A_97 = vector.extract_strided_slice %or3A_96 {offsets = [0, 0], sizes = [32, 2048], strides = [1, 1]} : vector<32x8192xi32> to vector<32x2048xi32>
    %slice3A_98 = vector.extract_strided_slice %or3A_96 {offsets = [0, 2048], sizes = [32, 2048], strides = [1, 1]} : vector<32x8192xi32> to vector<32x2048xi32>
    %slice3A_99 = vector.extract_strided_slice %or3A_96 {offsets = [0, 4096], sizes = [32, 2048], strides = [1, 1]} : vector<32x8192xi32> to vector<32x2048xi32>
    %slice3A_100 = vector.extract_strided_slice %or3A_96 {offsets = [0, 6144], sizes = [32, 2048], strides = [1, 1]} : vector<32x8192xi32> to vector<32x2048xi32>
    %concatenate3A_101 = tpu.concatenate %slice3A_97, %slice3A_98, %slice3A_99, %slice3A_100 in 0 : vector<32x2048xi32>, vector<32x2048xi32>, vector<32x2048xi32>, vector<32x2048xi32> -> vector<128x2048xi32>
    %transpose3A_102 = tpu.transpose %concatenate3A_101, [1, 0] : vector<128x2048xi32> -> vector<2048x128xi32>
    %concatenate3A_103 = tpu.concatenate %transpose3A, %transpose3A_46, %transpose3A_74, %transpose3A_102 in 0 : vector<2048x128xi32>, vector<2048x128xi32>, vector<2048x128xi32>, vector<2048x128xi32> -> vector<8192x128xi32>
    %swap3A = arith.constant 0 : index
    %swap3A_104 = arith.constant 0 : index
    %swap3A_105 = vector.load %arg9[%swap3A, %swap3A_104] : memref<8192x128xi32, #tpu.memory_space<vmem>>, vector<8192x128xi32>
    tpu.vector_store %arg9[%swap3A, %swap3A_104], %concatenate3A_103 {strides = array<i32>} : memref<8192x128xi32, #tpu.memory_space<vmem>>, vector<8192x128xi32>,
    return
  }
  func.func @transform_0(%arg0: i32) -> (i32, i32) {
    %add3A = arith.constant 0 : i32
    %add3A_0 = arith.addi %add3A, %arg0 : i32
    %min3A = arith.constant 122 : i32
    %min3A_1 = arith.minsi %add3A_0, %min3A : i32
    %c0_i32 = arith.constant 0 : i32
    %c0_i32_2 = arith.constant 0 : i32
    return %c0_i32, %min3A_1 : i32, i32
  }
  func.func @transform_1(%arg0: i32) -> (i32, i32) {
    %add3A = arith.constant 16 : i32
    %add3A_0 = arith.addi %add3A, %arg0 : i32
    %min3A = arith.constant 122 : i32
    %min3A_1 = arith.minsi %add3A_0, %min3A : i32
    %c0_i32 = arith.constant 0 : i32
    %c0_i32_2 = arith.constant 0 : i32
    return %c0_i32, %min3A_1 : i32, i32
  }
  func.func @transform_2(%arg0: i32) -> (i32, i32) {
    %add3A = arith.constant 32 : i32
    %add3A_0 = arith.addi %add3A, %arg0 : i32
    %min3A = arith.constant 122 : i32
    %min3A_1 = arith.minsi %add3A_0, %min3A : i32
    %c0_i32 = arith.constant 0 : i32
    %c0_i32_2 = arith.constant 0 : i32
    return %c0_i32, %min3A_1 : i32, i32
  }
  func.func @transform_3(%arg0: i32) -> (i32, i32) {
    %add3A = arith.constant 48 : i32
    %add3A_0 = arith.addi %add3A, %arg0 : i32
    %min3A = arith.constant 122 : i32
    %min3A_1 = arith.minsi %add3A_0, %min3A : i32
    %c0_i32 = arith.constant 0 : i32
    %c0_i32_2 = arith.constant 0 : i32
    return %c0_i32, %min3A_1 : i32, i32
  }
  func.func @transform_4(%arg0: i32) -> (i32, i32) {
    %add3A = arith.constant 64 : i32
    %add3A_0 = arith.addi %add3A, %arg0 : i32
    %min3A = arith.constant 122 : i32
    %min3A_1 = arith.minsi %add3A_0, %min3A : i32
    %c0_i32 = arith.constant 0 : i32
    %c0_i32_2 = arith.constant 0 : i32
    return %c0_i32, %min3A_1 : i32, i32
  }
  func.func @transform_5(%arg0: i32) -> (i32, i32) {
    %add3A = arith.constant 80 : i32
    %add3A_0 = arith.addi %add3A, %arg0 : i32
    %min3A = arith.constant 122 : i32
    %min3A_1 = arith.minsi %add3A_0, %min3A : i32
    %c0_i32 = arith.constant 0 : i32
    %c0_i32_2 = arith.constant 0 : i32
    return %c0_i32, %min3A_1 : i32, i32
  }
  func.func @transform_6(%arg0: i32) -> (i32, i32) {
    %add3A = arith.constant 96 : i32
    %add3A_0 = arith.addi %add3A, %arg0 : i32
    %min3A = arith.constant 122 : i32
    %min3A_1 = arith.minsi %add3A_0, %min3A : i32
    %c0_i32 = arith.constant 0 : i32
    %c0_i32_2 = arith.constant 0 : i32
    return %c0_i32, %min3A_1 : i32, i32
  }
  func.func @transform_7(%arg0: i32) -> (i32, i32) {
    %add3A = arith.constant 112 : i32
    %add3A_0 = arith.addi %add3A, %arg0 : i32
    %min3A = arith.constant 122 : i32
    %min3A_1 = arith.minsi %add3A_0, %min3A : i32
    %c0_i32 = arith.constant 0 : i32
    %c0_i32_2 = arith.constant 0 : i32
    return %c0_i32, %min3A_1 : i32, i32
  }
  func.func @transform_8(%arg0: i32) -> (i32, i32) {
    %c0_i32 = arith.constant 0 : i32
    %c0_i32_0 = arith.constant 0 : i32
    return %arg0, %c0_i32 : i32, i32
  }
}

module attributes {stable_mosaic.version = 14 : i64} {
  func.func @_mlp_body(%arg0: i32, %arg1: memref<20x128x128xi32, #tpu.memory_space<vmem>>, %arg2: memref<128x20xi32, #tpu.memory_space<vmem>>, %arg3: memref<20x128x512xbf16, #tpu.memory_space<vmem>>, %arg4: memref<1x512xf32, #tpu.memory_space<vmem>>, %arg5: memref<512x256xbf16, #tpu.memory_space<vmem>>, %arg6: memref<1x256xf32, #tpu.memory_space<vmem>>, %arg7: memref<256x512xbf16, #tpu.memory_space<vmem>>, %arg8: memref<1x512xf32, #tpu.memory_space<vmem>>, %arg9: memref<128x512xf32, #tpu.memory_space<vmem>>) attributes {dimension_semantics = [#tpu.dimension_semantics<arbitrary>], iteration_bounds = array<i64: 8>, scalar_prefetch = 0 : i64, scratch_operands = 0 : i64, tpu.core_type = #tpu.core_type<tc>, window_params = [{transform_indices = @transform_0, window_bounds = array<i64: 20, 128, 128>}, {transform_indices = @transform_1, window_bounds = array<i64: 128, 20>}, {pipeline_mode = #tpu.pipeline_mode<synchronous>, transform_indices = @transform_2, window_bounds = array<i64: 20, 128, 512>}, {pipeline_mode = #tpu.pipeline_mode<synchronous>, transform_indices = @transform_3, window_bounds = array<i64: 1, 512>}, {pipeline_mode = #tpu.pipeline_mode<synchronous>, transform_indices = @transform_4, window_bounds = array<i64: 512, 256>}, {pipeline_mode = #tpu.pipeline_mode<synchronous>, transform_indices = @transform_5, window_bounds = array<i64: 1, 256>}, {pipeline_mode = #tpu.pipeline_mode<synchronous>, transform_indices = @transform_6, window_bounds = array<i64: 256, 512>}, {pipeline_mode = #tpu.pipeline_mode<synchronous>, transform_indices = @transform_7, window_bounds = array<i64: 1, 512>}, {transform_indices = @transform_8, window_bounds = array<i64: 128, 512>}]} {
    %iota3A = tpu.iota {dimensions = array<i32: 1>} : vector<128x128xi32>
    %shift_right_arithmetic3A = arith.constant 5 : i32
    %shift_right_arithmetic3A_0 = vector.broadcast %shift_right_arithmetic3A : i32 to vector<128x128xi32>
    %shift_right_arithmetic3A_1 = arith.shrsi %iota3A, %shift_right_arithmetic3A_0 : vector<128x128xi32>
    %broadcast_in_dim3A = arith.constant 0.000000e+00 : f32
    %broadcast_in_dim3A_2 = vector.broadcast %broadcast_in_dim3A : f32 to vector<128x512xf32>
    %get3A = arith.constant 0 : index
    %get3A_3 = arith.constant 0 : index
    %get3A_4 = arith.constant 0 : index
    %get3A_5 = vector.load %arg1[%get3A, %get3A_3, %get3A_4] : memref<20x128x128xi32, #tpu.memory_space<vmem>>, vector<1x128x128xi32>
    %get3A_6 = vector.shape_cast %get3A_5 : vector<1x128x128xi32> to vector<128x128xi32>
    %get3A_7 = arith.constant 0 : index
    %get3A_8 = arith.constant 0 : index
    %get3A_9 = vector.load %arg2[%get3A_7, %get3A_8] : memref<128x20xi32, #tpu.memory_space<vmem>>, vector<128x1xi32>
    %shift_right_arithmetic3A_10 = vector.broadcast %get3A_9 : vector<128x1xi32> to vector<128x128xi32>
    %shift_right_arithmetic3A_11 = arith.shrsi %shift_right_arithmetic3A_10, %shift_right_arithmetic3A_1 : vector<128x128xi32>
    %and3A = arith.constant 1 : i32
    %and3A_12 = vector.broadcast %and3A : i32 to vector<128x128xi32>
    %and3A_13 = arith.andi %shift_right_arithmetic3A_11, %and3A_12 : vector<128x128xi32>
    %eq3A = arith.constant 1 : i32
    %eq3A_14 = vector.broadcast %eq3A : i32 to vector<128x128xi32>
    %eq3A_15 = arith.cmpi eq, %and3A_13, %eq3A_14 : vector<128x128xi32>
    %and3A_16 = arith.constant -65536 : i32
    %and3A_17 = vector.broadcast %and3A_16 : i32 to vector<128x128xi32>
    %and3A_18 = arith.andi %get3A_6, %and3A_17 : vector<128x128xi32>
    %shift_left3A = arith.constant 16 : i32
    %shift_left3A_19 = vector.broadcast %shift_left3A : i32 to vector<128x128xi32>
    %shift_left3A_20 = arith.shli %get3A_6, %shift_left3A_19 : vector<128x128xi32>
    %select_n3A = arith.select %eq3A_15, %and3A_18, %shift_left3A_20 : vector<128x128xi1>, vector<128x128xi32>
    %bitcast_convert_type3A = tpu.bitcast %select_n3A : vector<128x128xi32> -> vector<128x128xf32>
    %convert_element_type3A = arith.truncf %bitcast_convert_type3A : vector<128x128xf32> to vector<128x128xbf16>
    %get3A_21 = arith.constant 0 : index
    %get3A_22 = arith.constant 0 : index
    %get3A_23 = arith.constant 0 : index
    %get3A_24 = vector.load %arg3[%get3A_21, %get3A_22, %get3A_23] : memref<20x128x512xbf16, #tpu.memory_space<vmem>>, vector<1x128x512xbf16>
    %get3A_25 = vector.shape_cast %get3A_24 : vector<1x128x512xbf16> to vector<128x512xbf16>
    %dot_general3A = arith.constant dense<0.000000e+00> : vector<128x512xf32>
    %dot_general3A_26 = tpu.matmul %convert_element_type3A, %get3A_25, %dot_general3A {dimension_numbers = #tpu.dot_dimension_numbers<[1], [0], [0], [1], [0, 0, 1, 1], [], []>, transpose_lhs_hint = false} : vector<128x128xbf16>, vector<128x512xbf16>, vector<128x512xf32> -> vector<128x512xf32>
    %add3A = arith.addf %broadcast_in_dim3A_2, %dot_general3A_26 : vector<128x512xf32>
    %get3A_27 = arith.constant 1 : index
    %get3A_28 = arith.constant 0 : index
    %get3A_29 = arith.constant 0 : index
    %get3A_30 = vector.load %arg1[%get3A_27, %get3A_28, %get3A_29] : memref<20x128x128xi32, #tpu.memory_space<vmem>>, vector<1x128x128xi32>
    %get3A_31 = vector.shape_cast %get3A_30 : vector<1x128x128xi32> to vector<128x128xi32>
    %get3A_32 = arith.constant 0 : index
    %get3A_33 = arith.constant 1 : index
    %get3A_34 = vector.load %arg2[%get3A_32, %get3A_33] : memref<128x20xi32, #tpu.memory_space<vmem>>, vector<128x1xi32>
    %shift_right_arithmetic3A_35 = vector.broadcast %get3A_34 : vector<128x1xi32> to vector<128x128xi32>
    %shift_right_arithmetic3A_36 = arith.shrsi %shift_right_arithmetic3A_35, %shift_right_arithmetic3A_1 : vector<128x128xi32>
    %and3A_37 = arith.constant 1 : i32
    %and3A_38 = vector.broadcast %and3A_37 : i32 to vector<128x128xi32>
    %and3A_39 = arith.andi %shift_right_arithmetic3A_36, %and3A_38 : vector<128x128xi32>
    %eq3A_40 = arith.constant 1 : i32
    %eq3A_41 = vector.broadcast %eq3A_40 : i32 to vector<128x128xi32>
    %eq3A_42 = arith.cmpi eq, %and3A_39, %eq3A_41 : vector<128x128xi32>
    %and3A_43 = arith.constant -65536 : i32
    %and3A_44 = vector.broadcast %and3A_43 : i32 to vector<128x128xi32>
    %and3A_45 = arith.andi %get3A_31, %and3A_44 : vector<128x128xi32>
    %shift_left3A_46 = arith.constant 16 : i32
    %shift_left3A_47 = vector.broadcast %shift_left3A_46 : i32 to vector<128x128xi32>
    %shift_left3A_48 = arith.shli %get3A_31, %shift_left3A_47 : vector<128x128xi32>
    %select_n3A_49 = arith.select %eq3A_42, %and3A_45, %shift_left3A_48 : vector<128x128xi1>, vector<128x128xi32>
    %bitcast_convert_type3A_50 = tpu.bitcast %select_n3A_49 : vector<128x128xi32> -> vector<128x128xf32>
    %convert_element_type3A_51 = arith.truncf %bitcast_convert_type3A_50 : vector<128x128xf32> to vector<128x128xbf16>
    %get3A_52 = arith.constant 1 : index
    %get3A_53 = arith.constant 0 : index
    %get3A_54 = arith.constant 0 : index
    %get3A_55 = vector.load %arg3[%get3A_52, %get3A_53, %get3A_54] : memref<20x128x512xbf16, #tpu.memory_space<vmem>>, vector<1x128x512xbf16>
    %get3A_56 = vector.shape_cast %get3A_55 : vector<1x128x512xbf16> to vector<128x512xbf16>
    %dot_general3A_57 = arith.constant dense<0.000000e+00> : vector<128x512xf32>
    %dot_general3A_58 = tpu.matmul %convert_element_type3A_51, %get3A_56, %dot_general3A_57 {dimension_numbers = #tpu.dot_dimension_numbers<[1], [0], [0], [1], [0, 0, 1, 1], [], []>, transpose_lhs_hint = false} : vector<128x128xbf16>, vector<128x512xbf16>, vector<128x512xf32> -> vector<128x512xf32>
    %add3A_59 = arith.addf %add3A, %dot_general3A_58 : vector<128x512xf32>
    %get3A_60 = arith.constant 2 : index
    %get3A_61 = arith.constant 0 : index
    %get3A_62 = arith.constant 0 : index
    %get3A_63 = vector.load %arg1[%get3A_60, %get3A_61, %get3A_62] : memref<20x128x128xi32, #tpu.memory_space<vmem>>, vector<1x128x128xi32>
    %get3A_64 = vector.shape_cast %get3A_63 : vector<1x128x128xi32> to vector<128x128xi32>
    %get3A_65 = arith.constant 0 : index
    %get3A_66 = arith.constant 2 : index
    %get3A_67 = vector.load %arg2[%get3A_65, %get3A_66] : memref<128x20xi32, #tpu.memory_space<vmem>>, vector<128x1xi32>
    %shift_right_arithmetic3A_68 = vector.broadcast %get3A_67 : vector<128x1xi32> to vector<128x128xi32>
    %shift_right_arithmetic3A_69 = arith.shrsi %shift_right_arithmetic3A_68, %shift_right_arithmetic3A_1 : vector<128x128xi32>
    %and3A_70 = arith.constant 1 : i32
    %and3A_71 = vector.broadcast %and3A_70 : i32 to vector<128x128xi32>
    %and3A_72 = arith.andi %shift_right_arithmetic3A_69, %and3A_71 : vector<128x128xi32>
    %eq3A_73 = arith.constant 1 : i32
    %eq3A_74 = vector.broadcast %eq3A_73 : i32 to vector<128x128xi32>
    %eq3A_75 = arith.cmpi eq, %and3A_72, %eq3A_74 : vector<128x128xi32>
    %and3A_76 = arith.constant -65536 : i32
    %and3A_77 = vector.broadcast %and3A_76 : i32 to vector<128x128xi32>
    %and3A_78 = arith.andi %get3A_64, %and3A_77 : vector<128x128xi32>
    %shift_left3A_79 = arith.constant 16 : i32
    %shift_left3A_80 = vector.broadcast %shift_left3A_79 : i32 to vector<128x128xi32>
    %shift_left3A_81 = arith.shli %get3A_64, %shift_left3A_80 : vector<128x128xi32>
    %select_n3A_82 = arith.select %eq3A_75, %and3A_78, %shift_left3A_81 : vector<128x128xi1>, vector<128x128xi32>
    %bitcast_convert_type3A_83 = tpu.bitcast %select_n3A_82 : vector<128x128xi32> -> vector<128x128xf32>
    %convert_element_type3A_84 = arith.truncf %bitcast_convert_type3A_83 : vector<128x128xf32> to vector<128x128xbf16>
    %get3A_85 = arith.constant 2 : index
    %get3A_86 = arith.constant 0 : index
    %get3A_87 = arith.constant 0 : index
    %get3A_88 = vector.load %arg3[%get3A_85, %get3A_86, %get3A_87] : memref<20x128x512xbf16, #tpu.memory_space<vmem>>, vector<1x128x512xbf16>
    %get3A_89 = vector.shape_cast %get3A_88 : vector<1x128x512xbf16> to vector<128x512xbf16>
    %dot_general3A_90 = arith.constant dense<0.000000e+00> : vector<128x512xf32>
    %dot_general3A_91 = tpu.matmul %convert_element_type3A_84, %get3A_89, %dot_general3A_90 {dimension_numbers = #tpu.dot_dimension_numbers<[1], [0], [0], [1], [0, 0, 1, 1], [], []>, transpose_lhs_hint = false} : vector<128x128xbf16>, vector<128x512xbf16>, vector<128x512xf32> -> vector<128x512xf32>
    %add3A_92 = arith.addf %add3A_59, %dot_general3A_91 : vector<128x512xf32>
    %get3A_93 = arith.constant 3 : index
    %get3A_94 = arith.constant 0 : index
    %get3A_95 = arith.constant 0 : index
    %get3A_96 = vector.load %arg1[%get3A_93, %get3A_94, %get3A_95] : memref<20x128x128xi32, #tpu.memory_space<vmem>>, vector<1x128x128xi32>
    %get3A_97 = vector.shape_cast %get3A_96 : vector<1x128x128xi32> to vector<128x128xi32>
    %get3A_98 = arith.constant 0 : index
    %get3A_99 = arith.constant 3 : index
    %get3A_100 = vector.load %arg2[%get3A_98, %get3A_99] : memref<128x20xi32, #tpu.memory_space<vmem>>, vector<128x1xi32>
    %shift_right_arithmetic3A_101 = vector.broadcast %get3A_100 : vector<128x1xi32> to vector<128x128xi32>
    %shift_right_arithmetic3A_102 = arith.shrsi %shift_right_arithmetic3A_101, %shift_right_arithmetic3A_1 : vector<128x128xi32>
    %and3A_103 = arith.constant 1 : i32
    %and3A_104 = vector.broadcast %and3A_103 : i32 to vector<128x128xi32>
    %and3A_105 = arith.andi %shift_right_arithmetic3A_102, %and3A_104 : vector<128x128xi32>
    %eq3A_106 = arith.constant 1 : i32
    %eq3A_107 = vector.broadcast %eq3A_106 : i32 to vector<128x128xi32>
    %eq3A_108 = arith.cmpi eq, %and3A_105, %eq3A_107 : vector<128x128xi32>
    %and3A_109 = arith.constant -65536 : i32
    %and3A_110 = vector.broadcast %and3A_109 : i32 to vector<128x128xi32>
    %and3A_111 = arith.andi %get3A_97, %and3A_110 : vector<128x128xi32>
    %shift_left3A_112 = arith.constant 16 : i32
    %shift_left3A_113 = vector.broadcast %shift_left3A_112 : i32 to vector<128x128xi32>
    %shift_left3A_114 = arith.shli %get3A_97, %shift_left3A_113 : vector<128x128xi32>
    %select_n3A_115 = arith.select %eq3A_108, %and3A_111, %shift_left3A_114 : vector<128x128xi1>, vector<128x128xi32>
    %bitcast_convert_type3A_116 = tpu.bitcast %select_n3A_115 : vector<128x128xi32> -> vector<128x128xf32>
    %convert_element_type3A_117 = arith.truncf %bitcast_convert_type3A_116 : vector<128x128xf32> to vector<128x128xbf16>
    %get3A_118 = arith.constant 3 : index
    %get3A_119 = arith.constant 0 : index
    %get3A_120 = arith.constant 0 : index
    %get3A_121 = vector.load %arg3[%get3A_118, %get3A_119, %get3A_120] : memref<20x128x512xbf16, #tpu.memory_space<vmem>>, vector<1x128x512xbf16>
    %get3A_122 = vector.shape_cast %get3A_121 : vector<1x128x512xbf16> to vector<128x512xbf16>
    %dot_general3A_123 = arith.constant dense<0.000000e+00> : vector<128x512xf32>
    %dot_general3A_124 = tpu.matmul %convert_element_type3A_117, %get3A_122, %dot_general3A_123 {dimension_numbers = #tpu.dot_dimension_numbers<[1], [0], [0], [1], [0, 0, 1, 1], [], []>, transpose_lhs_hint = false} : vector<128x128xbf16>, vector<128x512xbf16>, vector<128x512xf32> -> vector<128x512xf32>
    %add3A_125 = arith.addf %add3A_92, %dot_general3A_124 : vector<128x512xf32>
    %get3A_126 = arith.constant 4 : index
    %get3A_127 = arith.constant 0 : index
    %get3A_128 = arith.constant 0 : index
    %get3A_129 = vector.load %arg1[%get3A_126, %get3A_127, %get3A_128] : memref<20x128x128xi32, #tpu.memory_space<vmem>>, vector<1x128x128xi32>
    %get3A_130 = vector.shape_cast %get3A_129 : vector<1x128x128xi32> to vector<128x128xi32>
    %get3A_131 = arith.constant 0 : index
    %get3A_132 = arith.constant 4 : index
    %get3A_133 = vector.load %arg2[%get3A_131, %get3A_132] : memref<128x20xi32, #tpu.memory_space<vmem>>, vector<128x1xi32>
    %shift_right_arithmetic3A_134 = vector.broadcast %get3A_133 : vector<128x1xi32> to vector<128x128xi32>
    %shift_right_arithmetic3A_135 = arith.shrsi %shift_right_arithmetic3A_134, %shift_right_arithmetic3A_1 : vector<128x128xi32>
    %and3A_136 = arith.constant 1 : i32
    %and3A_137 = vector.broadcast %and3A_136 : i32 to vector<128x128xi32>
    %and3A_138 = arith.andi %shift_right_arithmetic3A_135, %and3A_137 : vector<128x128xi32>
    %eq3A_139 = arith.constant 1 : i32
    %eq3A_140 = vector.broadcast %eq3A_139 : i32 to vector<128x128xi32>
    %eq3A_141 = arith.cmpi eq, %and3A_138, %eq3A_140 : vector<128x128xi32>
    %and3A_142 = arith.constant -65536 : i32
    %and3A_143 = vector.broadcast %and3A_142 : i32 to vector<128x128xi32>
    %and3A_144 = arith.andi %get3A_130, %and3A_143 : vector<128x128xi32>
    %shift_left3A_145 = arith.constant 16 : i32
    %shift_left3A_146 = vector.broadcast %shift_left3A_145 : i32 to vector<128x128xi32>
    %shift_left3A_147 = arith.shli %get3A_130, %shift_left3A_146 : vector<128x128xi32>
    %select_n3A_148 = arith.select %eq3A_141, %and3A_144, %shift_left3A_147 : vector<128x128xi1>, vector<128x128xi32>
    %bitcast_convert_type3A_149 = tpu.bitcast %select_n3A_148 : vector<128x128xi32> -> vector<128x128xf32>
    %convert_element_type3A_150 = arith.truncf %bitcast_convert_type3A_149 : vector<128x128xf32> to vector<128x128xbf16>
    %get3A_151 = arith.constant 4 : index
    %get3A_152 = arith.constant 0 : index
    %get3A_153 = arith.constant 0 : index
    %get3A_154 = vector.load %arg3[%get3A_151, %get3A_152, %get3A_153] : memref<20x128x512xbf16, #tpu.memory_space<vmem>>, vector<1x128x512xbf16>
    %get3A_155 = vector.shape_cast %get3A_154 : vector<1x128x512xbf16> to vector<128x512xbf16>
    %dot_general3A_156 = arith.constant dense<0.000000e+00> : vector<128x512xf32>
    %dot_general3A_157 = tpu.matmul %convert_element_type3A_150, %get3A_155, %dot_general3A_156 {dimension_numbers = #tpu.dot_dimension_numbers<[1], [0], [0], [1], [0, 0, 1, 1], [], []>, transpose_lhs_hint = false} : vector<128x128xbf16>, vector<128x512xbf16>, vector<128x512xf32> -> vector<128x512xf32>
    %add3A_158 = arith.addf %add3A_125, %dot_general3A_157 : vector<128x512xf32>
    %get3A_159 = arith.constant 5 : index
    %get3A_160 = arith.constant 0 : index
    %get3A_161 = arith.constant 0 : index
    %get3A_162 = vector.load %arg1[%get3A_159, %get3A_160, %get3A_161] : memref<20x128x128xi32, #tpu.memory_space<vmem>>, vector<1x128x128xi32>
    %get3A_163 = vector.shape_cast %get3A_162 : vector<1x128x128xi32> to vector<128x128xi32>
    %get3A_164 = arith.constant 0 : index
    %get3A_165 = arith.constant 5 : index
    %get3A_166 = vector.load %arg2[%get3A_164, %get3A_165] : memref<128x20xi32, #tpu.memory_space<vmem>>, vector<128x1xi32>
    %shift_right_arithmetic3A_167 = vector.broadcast %get3A_166 : vector<128x1xi32> to vector<128x128xi32>
    %shift_right_arithmetic3A_168 = arith.shrsi %shift_right_arithmetic3A_167, %shift_right_arithmetic3A_1 : vector<128x128xi32>
    %and3A_169 = arith.constant 1 : i32
    %and3A_170 = vector.broadcast %and3A_169 : i32 to vector<128x128xi32>
    %and3A_171 = arith.andi %shift_right_arithmetic3A_168, %and3A_170 : vector<128x128xi32>
    %eq3A_172 = arith.constant 1 : i32
    %eq3A_173 = vector.broadcast %eq3A_172 : i32 to vector<128x128xi32>
    %eq3A_174 = arith.cmpi eq, %and3A_171, %eq3A_173 : vector<128x128xi32>
    %and3A_175 = arith.constant -65536 : i32
    %and3A_176 = vector.broadcast %and3A_175 : i32 to vector<128x128xi32>
    %and3A_177 = arith.andi %get3A_163, %and3A_176 : vector<128x128xi32>
    %shift_left3A_178 = arith.constant 16 : i32
    %shift_left3A_179 = vector.broadcast %shift_left3A_178 : i32 to vector<128x128xi32>
    %shift_left3A_180 = arith.shli %get3A_163, %shift_left3A_179 : vector<128x128xi32>
    %select_n3A_181 = arith.select %eq3A_174, %and3A_177, %shift_left3A_180 : vector<128x128xi1>, vector<128x128xi32>
    %bitcast_convert_type3A_182 = tpu.bitcast %select_n3A_181 : vector<128x128xi32> -> vector<128x128xf32>
    %convert_element_type3A_183 = arith.truncf %bitcast_convert_type3A_182 : vector<128x128xf32> to vector<128x128xbf16>
    %get3A_184 = arith.constant 5 : index
    %get3A_185 = arith.constant 0 : index
    %get3A_186 = arith.constant 0 : index
    %get3A_187 = vector.load %arg3[%get3A_184, %get3A_185, %get3A_186] : memref<20x128x512xbf16, #tpu.memory_space<vmem>>, vector<1x128x512xbf16>
    %get3A_188 = vector.shape_cast %get3A_187 : vector<1x128x512xbf16> to vector<128x512xbf16>
    %dot_general3A_189 = arith.constant dense<0.000000e+00> : vector<128x512xf32>
    %dot_general3A_190 = tpu.matmul %convert_element_type3A_183, %get3A_188, %dot_general3A_189 {dimension_numbers = #tpu.dot_dimension_numbers<[1], [0], [0], [1], [0, 0, 1, 1], [], []>, transpose_lhs_hint = false} : vector<128x128xbf16>, vector<128x512xbf16>, vector<128x512xf32> -> vector<128x512xf32>
    %add3A_191 = arith.addf %add3A_158, %dot_general3A_190 : vector<128x512xf32>
    %get3A_192 = arith.constant 6 : index
    %get3A_193 = arith.constant 0 : index
    %get3A_194 = arith.constant 0 : index
    %get3A_195 = vector.load %arg1[%get3A_192, %get3A_193, %get3A_194] : memref<20x128x128xi32, #tpu.memory_space<vmem>>, vector<1x128x128xi32>
    %get3A_196 = vector.shape_cast %get3A_195 : vector<1x128x128xi32> to vector<128x128xi32>
    %get3A_197 = arith.constant 0 : index
    %get3A_198 = arith.constant 6 : index
    %get3A_199 = vector.load %arg2[%get3A_197, %get3A_198] : memref<128x20xi32, #tpu.memory_space<vmem>>, vector<128x1xi32>
    %shift_right_arithmetic3A_200 = vector.broadcast %get3A_199 : vector<128x1xi32> to vector<128x128xi32>
    %shift_right_arithmetic3A_201 = arith.shrsi %shift_right_arithmetic3A_200, %shift_right_arithmetic3A_1 : vector<128x128xi32>
    %and3A_202 = arith.constant 1 : i32
    %and3A_203 = vector.broadcast %and3A_202 : i32 to vector<128x128xi32>
    %and3A_204 = arith.andi %shift_right_arithmetic3A_201, %and3A_203 : vector<128x128xi32>
    %eq3A_205 = arith.constant 1 : i32
    %eq3A_206 = vector.broadcast %eq3A_205 : i32 to vector<128x128xi32>
    %eq3A_207 = arith.cmpi eq, %and3A_204, %eq3A_206 : vector<128x128xi32>
    %and3A_208 = arith.constant -65536 : i32
    %and3A_209 = vector.broadcast %and3A_208 : i32 to vector<128x128xi32>
    %and3A_210 = arith.andi %get3A_196, %and3A_209 : vector<128x128xi32>
    %shift_left3A_211 = arith.constant 16 : i32
    %shift_left3A_212 = vector.broadcast %shift_left3A_211 : i32 to vector<128x128xi32>
    %shift_left3A_213 = arith.shli %get3A_196, %shift_left3A_212 : vector<128x128xi32>
    %select_n3A_214 = arith.select %eq3A_207, %and3A_210, %shift_left3A_213 : vector<128x128xi1>, vector<128x128xi32>
    %bitcast_convert_type3A_215 = tpu.bitcast %select_n3A_214 : vector<128x128xi32> -> vector<128x128xf32>
    %convert_element_type3A_216 = arith.truncf %bitcast_convert_type3A_215 : vector<128x128xf32> to vector<128x128xbf16>
    %get3A_217 = arith.constant 6 : index
    %get3A_218 = arith.constant 0 : index
    %get3A_219 = arith.constant 0 : index
    %get3A_220 = vector.load %arg3[%get3A_217, %get3A_218, %get3A_219] : memref<20x128x512xbf16, #tpu.memory_space<vmem>>, vector<1x128x512xbf16>
    %get3A_221 = vector.shape_cast %get3A_220 : vector<1x128x512xbf16> to vector<128x512xbf16>
    %dot_general3A_222 = arith.constant dense<0.000000e+00> : vector<128x512xf32>
    %dot_general3A_223 = tpu.matmul %convert_element_type3A_216, %get3A_221, %dot_general3A_222 {dimension_numbers = #tpu.dot_dimension_numbers<[1], [0], [0], [1], [0, 0, 1, 1], [], []>, transpose_lhs_hint = false} : vector<128x128xbf16>, vector<128x512xbf16>, vector<128x512xf32> -> vector<128x512xf32>
    %add3A_224 = arith.addf %add3A_191, %dot_general3A_223 : vector<128x512xf32>
    %get3A_225 = arith.constant 7 : index
    %get3A_226 = arith.constant 0 : index
    %get3A_227 = arith.constant 0 : index
    %get3A_228 = vector.load %arg1[%get3A_225, %get3A_226, %get3A_227] : memref<20x128x128xi32, #tpu.memory_space<vmem>>, vector<1x128x128xi32>
    %get3A_229 = vector.shape_cast %get3A_228 : vector<1x128x128xi32> to vector<128x128xi32>
    %get3A_230 = arith.constant 0 : index
    %get3A_231 = arith.constant 7 : index
    %get3A_232 = vector.load %arg2[%get3A_230, %get3A_231] : memref<128x20xi32, #tpu.memory_space<vmem>>, vector<128x1xi32>
    %shift_right_arithmetic3A_233 = vector.broadcast %get3A_232 : vector<128x1xi32> to vector<128x128xi32>
    %shift_right_arithmetic3A_234 = arith.shrsi %shift_right_arithmetic3A_233, %shift_right_arithmetic3A_1 : vector<128x128xi32>
    %and3A_235 = arith.constant 1 : i32
    %and3A_236 = vector.broadcast %and3A_235 : i32 to vector<128x128xi32>
    %and3A_237 = arith.andi %shift_right_arithmetic3A_234, %and3A_236 : vector<128x128xi32>
    %eq3A_238 = arith.constant 1 : i32
    %eq3A_239 = vector.broadcast %eq3A_238 : i32 to vector<128x128xi32>
    %eq3A_240 = arith.cmpi eq, %and3A_237, %eq3A_239 : vector<128x128xi32>
    %and3A_241 = arith.constant -65536 : i32
    %and3A_242 = vector.broadcast %and3A_241 : i32 to vector<128x128xi32>
    %and3A_243 = arith.andi %get3A_229, %and3A_242 : vector<128x128xi32>
    %shift_left3A_244 = arith.constant 16 : i32
    %shift_left3A_245 = vector.broadcast %shift_left3A_244 : i32 to vector<128x128xi32>
    %shift_left3A_246 = arith.shli %get3A_229, %shift_left3A_245 : vector<128x128xi32>
    %select_n3A_247 = arith.select %eq3A_240, %and3A_243, %shift_left3A_246 : vector<128x128xi1>, vector<128x128xi32>
    %bitcast_convert_type3A_248 = tpu.bitcast %select_n3A_247 : vector<128x128xi32> -> vector<128x128xf32>
    %convert_element_type3A_249 = arith.truncf %bitcast_convert_type3A_248 : vector<128x128xf32> to vector<128x128xbf16>
    %get3A_250 = arith.constant 7 : index
    %get3A_251 = arith.constant 0 : index
    %get3A_252 = arith.constant 0 : index
    %get3A_253 = vector.load %arg3[%get3A_250, %get3A_251, %get3A_252] : memref<20x128x512xbf16, #tpu.memory_space<vmem>>, vector<1x128x512xbf16>
    %get3A_254 = vector.shape_cast %get3A_253 : vector<1x128x512xbf16> to vector<128x512xbf16>
    %dot_general3A_255 = arith.constant dense<0.000000e+00> : vector<128x512xf32>
    %dot_general3A_256 = tpu.matmul %convert_element_type3A_249, %get3A_254, %dot_general3A_255 {dimension_numbers = #tpu.dot_dimension_numbers<[1], [0], [0], [1], [0, 0, 1, 1], [], []>, transpose_lhs_hint = false} : vector<128x128xbf16>, vector<128x512xbf16>, vector<128x512xf32> -> vector<128x512xf32>
    %add3A_257 = arith.addf %add3A_224, %dot_general3A_256 : vector<128x512xf32>
    %get3A_258 = arith.constant 8 : index
    %get3A_259 = arith.constant 0 : index
    %get3A_260 = arith.constant 0 : index
    %get3A_261 = vector.load %arg1[%get3A_258, %get3A_259, %get3A_260] : memref<20x128x128xi32, #tpu.memory_space<vmem>>, vector<1x128x128xi32>
    %get3A_262 = vector.shape_cast %get3A_261 : vector<1x128x128xi32> to vector<128x128xi32>
    %get3A_263 = arith.constant 0 : index
    %get3A_264 = arith.constant 8 : index
    %get3A_265 = vector.load %arg2[%get3A_263, %get3A_264] : memref<128x20xi32, #tpu.memory_space<vmem>>, vector<128x1xi32>
    %shift_right_arithmetic3A_266 = vector.broadcast %get3A_265 : vector<128x1xi32> to vector<128x128xi32>
    %shift_right_arithmetic3A_267 = arith.shrsi %shift_right_arithmetic3A_266, %shift_right_arithmetic3A_1 : vector<128x128xi32>
    %and3A_268 = arith.constant 1 : i32
    %and3A_269 = vector.broadcast %and3A_268 : i32 to vector<128x128xi32>
    %and3A_270 = arith.andi %shift_right_arithmetic3A_267, %and3A_269 : vector<128x128xi32>
    %eq3A_271 = arith.constant 1 : i32
    %eq3A_272 = vector.broadcast %eq3A_271 : i32 to vector<128x128xi32>
    %eq3A_273 = arith.cmpi eq, %and3A_270, %eq3A_272 : vector<128x128xi32>
    %and3A_274 = arith.constant -65536 : i32
    %and3A_275 = vector.broadcast %and3A_274 : i32 to vector<128x128xi32>
    %and3A_276 = arith.andi %get3A_262, %and3A_275 : vector<128x128xi32>
    %shift_left3A_277 = arith.constant 16 : i32
    %shift_left3A_278 = vector.broadcast %shift_left3A_277 : i32 to vector<128x128xi32>
    %shift_left3A_279 = arith.shli %get3A_262, %shift_left3A_278 : vector<128x128xi32>
    %select_n3A_280 = arith.select %eq3A_273, %and3A_276, %shift_left3A_279 : vector<128x128xi1>, vector<128x128xi32>
    %bitcast_convert_type3A_281 = tpu.bitcast %select_n3A_280 : vector<128x128xi32> -> vector<128x128xf32>
    %convert_element_type3A_282 = arith.truncf %bitcast_convert_type3A_281 : vector<128x128xf32> to vector<128x128xbf16>
    %get3A_283 = arith.constant 8 : index
    %get3A_284 = arith.constant 0 : index
    %get3A_285 = arith.constant 0 : index
    %get3A_286 = vector.load %arg3[%get3A_283, %get3A_284, %get3A_285] : memref<20x128x512xbf16, #tpu.memory_space<vmem>>, vector<1x128x512xbf16>
    %get3A_287 = vector.shape_cast %get3A_286 : vector<1x128x512xbf16> to vector<128x512xbf16>
    %dot_general3A_288 = arith.constant dense<0.000000e+00> : vector<128x512xf32>
    %dot_general3A_289 = tpu.matmul %convert_element_type3A_282, %get3A_287, %dot_general3A_288 {dimension_numbers = #tpu.dot_dimension_numbers<[1], [0], [0], [1], [0, 0, 1, 1], [], []>, transpose_lhs_hint = false} : vector<128x128xbf16>, vector<128x512xbf16>, vector<128x512xf32> -> vector<128x512xf32>
    %add3A_290 = arith.addf %add3A_257, %dot_general3A_289 : vector<128x512xf32>
    %get3A_291 = arith.constant 9 : index
    %get3A_292 = arith.constant 0 : index
    %get3A_293 = arith.constant 0 : index
    %get3A_294 = vector.load %arg1[%get3A_291, %get3A_292, %get3A_293] : memref<20x128x128xi32, #tpu.memory_space<vmem>>, vector<1x128x128xi32>
    %get3A_295 = vector.shape_cast %get3A_294 : vector<1x128x128xi32> to vector<128x128xi32>
    %get3A_296 = arith.constant 0 : index
    %get3A_297 = arith.constant 9 : index
    %get3A_298 = vector.load %arg2[%get3A_296, %get3A_297] : memref<128x20xi32, #tpu.memory_space<vmem>>, vector<128x1xi32>
    %shift_right_arithmetic3A_299 = vector.broadcast %get3A_298 : vector<128x1xi32> to vector<128x128xi32>
    %shift_right_arithmetic3A_300 = arith.shrsi %shift_right_arithmetic3A_299, %shift_right_arithmetic3A_1 : vector<128x128xi32>
    %and3A_301 = arith.constant 1 : i32
    %and3A_302 = vector.broadcast %and3A_301 : i32 to vector<128x128xi32>
    %and3A_303 = arith.andi %shift_right_arithmetic3A_300, %and3A_302 : vector<128x128xi32>
    %eq3A_304 = arith.constant 1 : i32
    %eq3A_305 = vector.broadcast %eq3A_304 : i32 to vector<128x128xi32>
    %eq3A_306 = arith.cmpi eq, %and3A_303, %eq3A_305 : vector<128x128xi32>
    %and3A_307 = arith.constant -65536 : i32
    %and3A_308 = vector.broadcast %and3A_307 : i32 to vector<128x128xi32>
    %and3A_309 = arith.andi %get3A_295, %and3A_308 : vector<128x128xi32>
    %shift_left3A_310 = arith.constant 16 : i32
    %shift_left3A_311 = vector.broadcast %shift_left3A_310 : i32 to vector<128x128xi32>
    %shift_left3A_312 = arith.shli %get3A_295, %shift_left3A_311 : vector<128x128xi32>
    %select_n3A_313 = arith.select %eq3A_306, %and3A_309, %shift_left3A_312 : vector<128x128xi1>, vector<128x128xi32>
    %bitcast_convert_type3A_314 = tpu.bitcast %select_n3A_313 : vector<128x128xi32> -> vector<128x128xf32>
    %convert_element_type3A_315 = arith.truncf %bitcast_convert_type3A_314 : vector<128x128xf32> to vector<128x128xbf16>
    %get3A_316 = arith.constant 9 : index
    %get3A_317 = arith.constant 0 : index
    %get3A_318 = arith.constant 0 : index
    %get3A_319 = vector.load %arg3[%get3A_316, %get3A_317, %get3A_318] : memref<20x128x512xbf16, #tpu.memory_space<vmem>>, vector<1x128x512xbf16>
    %get3A_320 = vector.shape_cast %get3A_319 : vector<1x128x512xbf16> to vector<128x512xbf16>
    %dot_general3A_321 = arith.constant dense<0.000000e+00> : vector<128x512xf32>
    %dot_general3A_322 = tpu.matmul %convert_element_type3A_315, %get3A_320, %dot_general3A_321 {dimension_numbers = #tpu.dot_dimension_numbers<[1], [0], [0], [1], [0, 0, 1, 1], [], []>, transpose_lhs_hint = false} : vector<128x128xbf16>, vector<128x512xbf16>, vector<128x512xf32> -> vector<128x512xf32>
    %add3A_323 = arith.addf %add3A_290, %dot_general3A_322 : vector<128x512xf32>
    %get3A_324 = arith.constant 10 : index
    %get3A_325 = arith.constant 0 : index
    %get3A_326 = arith.constant 0 : index
    %get3A_327 = vector.load %arg1[%get3A_324, %get3A_325, %get3A_326] : memref<20x128x128xi32, #tpu.memory_space<vmem>>, vector<1x128x128xi32>
    %get3A_328 = vector.shape_cast %get3A_327 : vector<1x128x128xi32> to vector<128x128xi32>
    %get3A_329 = arith.constant 0 : index
    %get3A_330 = arith.constant 10 : index
    %get3A_331 = vector.load %arg2[%get3A_329, %get3A_330] : memref<128x20xi32, #tpu.memory_space<vmem>>, vector<128x1xi32>
    %shift_right_arithmetic3A_332 = vector.broadcast %get3A_331 : vector<128x1xi32> to vector<128x128xi32>
    %shift_right_arithmetic3A_333 = arith.shrsi %shift_right_arithmetic3A_332, %shift_right_arithmetic3A_1 : vector<128x128xi32>
    %and3A_334 = arith.constant 1 : i32
    %and3A_335 = vector.broadcast %and3A_334 : i32 to vector<128x128xi32>
    %and3A_336 = arith.andi %shift_right_arithmetic3A_333, %and3A_335 : vector<128x128xi32>
    %eq3A_337 = arith.constant 1 : i32
    %eq3A_338 = vector.broadcast %eq3A_337 : i32 to vector<128x128xi32>
    %eq3A_339 = arith.cmpi eq, %and3A_336, %eq3A_338 : vector<128x128xi32>
    %and3A_340 = arith.constant -65536 : i32
    %and3A_341 = vector.broadcast %and3A_340 : i32 to vector<128x128xi32>
    %and3A_342 = arith.andi %get3A_328, %and3A_341 : vector<128x128xi32>
    %shift_left3A_343 = arith.constant 16 : i32
    %shift_left3A_344 = vector.broadcast %shift_left3A_343 : i32 to vector<128x128xi32>
    %shift_left3A_345 = arith.shli %get3A_328, %shift_left3A_344 : vector<128x128xi32>
    %select_n3A_346 = arith.select %eq3A_339, %and3A_342, %shift_left3A_345 : vector<128x128xi1>, vector<128x128xi32>
    %bitcast_convert_type3A_347 = tpu.bitcast %select_n3A_346 : vector<128x128xi32> -> vector<128x128xf32>
    %convert_element_type3A_348 = arith.truncf %bitcast_convert_type3A_347 : vector<128x128xf32> to vector<128x128xbf16>
    %get3A_349 = arith.constant 10 : index
    %get3A_350 = arith.constant 0 : index
    %get3A_351 = arith.constant 0 : index
    %get3A_352 = vector.load %arg3[%get3A_349, %get3A_350, %get3A_351] : memref<20x128x512xbf16, #tpu.memory_space<vmem>>, vector<1x128x512xbf16>
    %get3A_353 = vector.shape_cast %get3A_352 : vector<1x128x512xbf16> to vector<128x512xbf16>
    %dot_general3A_354 = arith.constant dense<0.000000e+00> : vector<128x512xf32>
    %dot_general3A_355 = tpu.matmul %convert_element_type3A_348, %get3A_353, %dot_general3A_354 {dimension_numbers = #tpu.dot_dimension_numbers<[1], [0], [0], [1], [0, 0, 1, 1], [], []>, transpose_lhs_hint = false} : vector<128x128xbf16>, vector<128x512xbf16>, vector<128x512xf32> -> vector<128x512xf32>
    %add3A_356 = arith.addf %add3A_323, %dot_general3A_355 : vector<128x512xf32>
    %get3A_357 = arith.constant 11 : index
    %get3A_358 = arith.constant 0 : index
    %get3A_359 = arith.constant 0 : index
    %get3A_360 = vector.load %arg1[%get3A_357, %get3A_358, %get3A_359] : memref<20x128x128xi32, #tpu.memory_space<vmem>>, vector<1x128x128xi32>
    %get3A_361 = vector.shape_cast %get3A_360 : vector<1x128x128xi32> to vector<128x128xi32>
    %get3A_362 = arith.constant 0 : index
    %get3A_363 = arith.constant 11 : index
    %get3A_364 = vector.load %arg2[%get3A_362, %get3A_363] : memref<128x20xi32, #tpu.memory_space<vmem>>, vector<128x1xi32>
    %shift_right_arithmetic3A_365 = vector.broadcast %get3A_364 : vector<128x1xi32> to vector<128x128xi32>
    %shift_right_arithmetic3A_366 = arith.shrsi %shift_right_arithmetic3A_365, %shift_right_arithmetic3A_1 : vector<128x128xi32>
    %and3A_367 = arith.constant 1 : i32
    %and3A_368 = vector.broadcast %and3A_367 : i32 to vector<128x128xi32>
    %and3A_369 = arith.andi %shift_right_arithmetic3A_366, %and3A_368 : vector<128x128xi32>
    %eq3A_370 = arith.constant 1 : i32
    %eq3A_371 = vector.broadcast %eq3A_370 : i32 to vector<128x128xi32>
    %eq3A_372 = arith.cmpi eq, %and3A_369, %eq3A_371 : vector<128x128xi32>
    %and3A_373 = arith.constant -65536 : i32
    %and3A_374 = vector.broadcast %and3A_373 : i32 to vector<128x128xi32>
    %and3A_375 = arith.andi %get3A_361, %and3A_374 : vector<128x128xi32>
    %shift_left3A_376 = arith.constant 16 : i32
    %shift_left3A_377 = vector.broadcast %shift_left3A_376 : i32 to vector<128x128xi32>
    %shift_left3A_378 = arith.shli %get3A_361, %shift_left3A_377 : vector<128x128xi32>
    %select_n3A_379 = arith.select %eq3A_372, %and3A_375, %shift_left3A_378 : vector<128x128xi1>, vector<128x128xi32>
    %bitcast_convert_type3A_380 = tpu.bitcast %select_n3A_379 : vector<128x128xi32> -> vector<128x128xf32>
    %convert_element_type3A_381 = arith.truncf %bitcast_convert_type3A_380 : vector<128x128xf32> to vector<128x128xbf16>
    %get3A_382 = arith.constant 11 : index
    %get3A_383 = arith.constant 0 : index
    %get3A_384 = arith.constant 0 : index
    %get3A_385 = vector.load %arg3[%get3A_382, %get3A_383, %get3A_384] : memref<20x128x512xbf16, #tpu.memory_space<vmem>>, vector<1x128x512xbf16>
    %get3A_386 = vector.shape_cast %get3A_385 : vector<1x128x512xbf16> to vector<128x512xbf16>
    %dot_general3A_387 = arith.constant dense<0.000000e+00> : vector<128x512xf32>
    %dot_general3A_388 = tpu.matmul %convert_element_type3A_381, %get3A_386, %dot_general3A_387 {dimension_numbers = #tpu.dot_dimension_numbers<[1], [0], [0], [1], [0, 0, 1, 1], [], []>, transpose_lhs_hint = false} : vector<128x128xbf16>, vector<128x512xbf16>, vector<128x512xf32> -> vector<128x512xf32>
    %add3A_389 = arith.addf %add3A_356, %dot_general3A_388 : vector<128x512xf32>
    %get3A_390 = arith.constant 12 : index
    %get3A_391 = arith.constant 0 : index
    %get3A_392 = arith.constant 0 : index
    %get3A_393 = vector.load %arg1[%get3A_390, %get3A_391, %get3A_392] : memref<20x128x128xi32, #tpu.memory_space<vmem>>, vector<1x128x128xi32>
    %get3A_394 = vector.shape_cast %get3A_393 : vector<1x128x128xi32> to vector<128x128xi32>
    %get3A_395 = arith.constant 0 : index
    %get3A_396 = arith.constant 12 : index
    %get3A_397 = vector.load %arg2[%get3A_395, %get3A_396] : memref<128x20xi32, #tpu.memory_space<vmem>>, vector<128x1xi32>
    %shift_right_arithmetic3A_398 = vector.broadcast %get3A_397 : vector<128x1xi32> to vector<128x128xi32>
    %shift_right_arithmetic3A_399 = arith.shrsi %shift_right_arithmetic3A_398, %shift_right_arithmetic3A_1 : vector<128x128xi32>
    %and3A_400 = arith.constant 1 : i32
    %and3A_401 = vector.broadcast %and3A_400 : i32 to vector<128x128xi32>
    %and3A_402 = arith.andi %shift_right_arithmetic3A_399, %and3A_401 : vector<128x128xi32>
    %eq3A_403 = arith.constant 1 : i32
    %eq3A_404 = vector.broadcast %eq3A_403 : i32 to vector<128x128xi32>
    %eq3A_405 = arith.cmpi eq, %and3A_402, %eq3A_404 : vector<128x128xi32>
    %and3A_406 = arith.constant -65536 : i32
    %and3A_407 = vector.broadcast %and3A_406 : i32 to vector<128x128xi32>
    %and3A_408 = arith.andi %get3A_394, %and3A_407 : vector<128x128xi32>
    %shift_left3A_409 = arith.constant 16 : i32
    %shift_left3A_410 = vector.broadcast %shift_left3A_409 : i32 to vector<128x128xi32>
    %shift_left3A_411 = arith.shli %get3A_394, %shift_left3A_410 : vector<128x128xi32>
    %select_n3A_412 = arith.select %eq3A_405, %and3A_408, %shift_left3A_411 : vector<128x128xi1>, vector<128x128xi32>
    %bitcast_convert_type3A_413 = tpu.bitcast %select_n3A_412 : vector<128x128xi32> -> vector<128x128xf32>
    %convert_element_type3A_414 = arith.truncf %bitcast_convert_type3A_413 : vector<128x128xf32> to vector<128x128xbf16>
    %get3A_415 = arith.constant 12 : index
    %get3A_416 = arith.constant 0 : index
    %get3A_417 = arith.constant 0 : index
    %get3A_418 = vector.load %arg3[%get3A_415, %get3A_416, %get3A_417] : memref<20x128x512xbf16, #tpu.memory_space<vmem>>, vector<1x128x512xbf16>
    %get3A_419 = vector.shape_cast %get3A_418 : vector<1x128x512xbf16> to vector<128x512xbf16>
    %dot_general3A_420 = arith.constant dense<0.000000e+00> : vector<128x512xf32>
    %dot_general3A_421 = tpu.matmul %convert_element_type3A_414, %get3A_419, %dot_general3A_420 {dimension_numbers = #tpu.dot_dimension_numbers<[1], [0], [0], [1], [0, 0, 1, 1], [], []>, transpose_lhs_hint = false} : vector<128x128xbf16>, vector<128x512xbf16>, vector<128x512xf32> -> vector<128x512xf32>
    %add3A_422 = arith.addf %add3A_389, %dot_general3A_421 : vector<128x512xf32>
    %get3A_423 = arith.constant 13 : index
    %get3A_424 = arith.constant 0 : index
    %get3A_425 = arith.constant 0 : index
    %get3A_426 = vector.load %arg1[%get3A_423, %get3A_424, %get3A_425] : memref<20x128x128xi32, #tpu.memory_space<vmem>>, vector<1x128x128xi32>
    %get3A_427 = vector.shape_cast %get3A_426 : vector<1x128x128xi32> to vector<128x128xi32>
    %get3A_428 = arith.constant 0 : index
    %get3A_429 = arith.constant 13 : index
    %get3A_430 = vector.load %arg2[%get3A_428, %get3A_429] : memref<128x20xi32, #tpu.memory_space<vmem>>, vector<128x1xi32>
    %shift_right_arithmetic3A_431 = vector.broadcast %get3A_430 : vector<128x1xi32> to vector<128x128xi32>
    %shift_right_arithmetic3A_432 = arith.shrsi %shift_right_arithmetic3A_431, %shift_right_arithmetic3A_1 : vector<128x128xi32>
    %and3A_433 = arith.constant 1 : i32
    %and3A_434 = vector.broadcast %and3A_433 : i32 to vector<128x128xi32>
    %and3A_435 = arith.andi %shift_right_arithmetic3A_432, %and3A_434 : vector<128x128xi32>
    %eq3A_436 = arith.constant 1 : i32
    %eq3A_437 = vector.broadcast %eq3A_436 : i32 to vector<128x128xi32>
    %eq3A_438 = arith.cmpi eq, %and3A_435, %eq3A_437 : vector<128x128xi32>
    %and3A_439 = arith.constant -65536 : i32
    %and3A_440 = vector.broadcast %and3A_439 : i32 to vector<128x128xi32>
    %and3A_441 = arith.andi %get3A_427, %and3A_440 : vector<128x128xi32>
    %shift_left3A_442 = arith.constant 16 : i32
    %shift_left3A_443 = vector.broadcast %shift_left3A_442 : i32 to vector<128x128xi32>
    %shift_left3A_444 = arith.shli %get3A_427, %shift_left3A_443 : vector<128x128xi32>
    %select_n3A_445 = arith.select %eq3A_438, %and3A_441, %shift_left3A_444 : vector<128x128xi1>, vector<128x128xi32>
    %bitcast_convert_type3A_446 = tpu.bitcast %select_n3A_445 : vector<128x128xi32> -> vector<128x128xf32>
    %convert_element_type3A_447 = arith.truncf %bitcast_convert_type3A_446 : vector<128x128xf32> to vector<128x128xbf16>
    %get3A_448 = arith.constant 13 : index
    %get3A_449 = arith.constant 0 : index
    %get3A_450 = arith.constant 0 : index
    %get3A_451 = vector.load %arg3[%get3A_448, %get3A_449, %get3A_450] : memref<20x128x512xbf16, #tpu.memory_space<vmem>>, vector<1x128x512xbf16>
    %get3A_452 = vector.shape_cast %get3A_451 : vector<1x128x512xbf16> to vector<128x512xbf16>
    %dot_general3A_453 = arith.constant dense<0.000000e+00> : vector<128x512xf32>
    %dot_general3A_454 = tpu.matmul %convert_element_type3A_447, %get3A_452, %dot_general3A_453 {dimension_numbers = #tpu.dot_dimension_numbers<[1], [0], [0], [1], [0, 0, 1, 1], [], []>, transpose_lhs_hint = false} : vector<128x128xbf16>, vector<128x512xbf16>, vector<128x512xf32> -> vector<128x512xf32>
    %add3A_455 = arith.addf %add3A_422, %dot_general3A_454 : vector<128x512xf32>
    %get3A_456 = arith.constant 14 : index
    %get3A_457 = arith.constant 0 : index
    %get3A_458 = arith.constant 0 : index
    %get3A_459 = vector.load %arg1[%get3A_456, %get3A_457, %get3A_458] : memref<20x128x128xi32, #tpu.memory_space<vmem>>, vector<1x128x128xi32>
    %get3A_460 = vector.shape_cast %get3A_459 : vector<1x128x128xi32> to vector<128x128xi32>
    %get3A_461 = arith.constant 0 : index
    %get3A_462 = arith.constant 14 : index
    %get3A_463 = vector.load %arg2[%get3A_461, %get3A_462] : memref<128x20xi32, #tpu.memory_space<vmem>>, vector<128x1xi32>
    %shift_right_arithmetic3A_464 = vector.broadcast %get3A_463 : vector<128x1xi32> to vector<128x128xi32>
    %shift_right_arithmetic3A_465 = arith.shrsi %shift_right_arithmetic3A_464, %shift_right_arithmetic3A_1 : vector<128x128xi32>
    %and3A_466 = arith.constant 1 : i32
    %and3A_467 = vector.broadcast %and3A_466 : i32 to vector<128x128xi32>
    %and3A_468 = arith.andi %shift_right_arithmetic3A_465, %and3A_467 : vector<128x128xi32>
    %eq3A_469 = arith.constant 1 : i32
    %eq3A_470 = vector.broadcast %eq3A_469 : i32 to vector<128x128xi32>
    %eq3A_471 = arith.cmpi eq, %and3A_468, %eq3A_470 : vector<128x128xi32>
    %and3A_472 = arith.constant -65536 : i32
    %and3A_473 = vector.broadcast %and3A_472 : i32 to vector<128x128xi32>
    %and3A_474 = arith.andi %get3A_460, %and3A_473 : vector<128x128xi32>
    %shift_left3A_475 = arith.constant 16 : i32
    %shift_left3A_476 = vector.broadcast %shift_left3A_475 : i32 to vector<128x128xi32>
    %shift_left3A_477 = arith.shli %get3A_460, %shift_left3A_476 : vector<128x128xi32>
    %select_n3A_478 = arith.select %eq3A_471, %and3A_474, %shift_left3A_477 : vector<128x128xi1>, vector<128x128xi32>
    %bitcast_convert_type3A_479 = tpu.bitcast %select_n3A_478 : vector<128x128xi32> -> vector<128x128xf32>
    %convert_element_type3A_480 = arith.truncf %bitcast_convert_type3A_479 : vector<128x128xf32> to vector<128x128xbf16>
    %get3A_481 = arith.constant 14 : index
    %get3A_482 = arith.constant 0 : index
    %get3A_483 = arith.constant 0 : index
    %get3A_484 = vector.load %arg3[%get3A_481, %get3A_482, %get3A_483] : memref<20x128x512xbf16, #tpu.memory_space<vmem>>, vector<1x128x512xbf16>
    %get3A_485 = vector.shape_cast %get3A_484 : vector<1x128x512xbf16> to vector<128x512xbf16>
    %dot_general3A_486 = arith.constant dense<0.000000e+00> : vector<128x512xf32>
    %dot_general3A_487 = tpu.matmul %convert_element_type3A_480, %get3A_485, %dot_general3A_486 {dimension_numbers = #tpu.dot_dimension_numbers<[1], [0], [0], [1], [0, 0, 1, 1], [], []>, transpose_lhs_hint = false} : vector<128x128xbf16>, vector<128x512xbf16>, vector<128x512xf32> -> vector<128x512xf32>
    %add3A_488 = arith.addf %add3A_455, %dot_general3A_487 : vector<128x512xf32>
    %get3A_489 = arith.constant 15 : index
    %get3A_490 = arith.constant 0 : index
    %get3A_491 = arith.constant 0 : index
    %get3A_492 = vector.load %arg1[%get3A_489, %get3A_490, %get3A_491] : memref<20x128x128xi32, #tpu.memory_space<vmem>>, vector<1x128x128xi32>
    %get3A_493 = vector.shape_cast %get3A_492 : vector<1x128x128xi32> to vector<128x128xi32>
    %get3A_494 = arith.constant 0 : index
    %get3A_495 = arith.constant 15 : index
    %get3A_496 = vector.load %arg2[%get3A_494, %get3A_495] : memref<128x20xi32, #tpu.memory_space<vmem>>, vector<128x1xi32>
    %shift_right_arithmetic3A_497 = vector.broadcast %get3A_496 : vector<128x1xi32> to vector<128x128xi32>
    %shift_right_arithmetic3A_498 = arith.shrsi %shift_right_arithmetic3A_497, %shift_right_arithmetic3A_1 : vector<128x128xi32>
    %and3A_499 = arith.constant 1 : i32
    %and3A_500 = vector.broadcast %and3A_499 : i32 to vector<128x128xi32>
    %and3A_501 = arith.andi %shift_right_arithmetic3A_498, %and3A_500 : vector<128x128xi32>
    %eq3A_502 = arith.constant 1 : i32
    %eq3A_503 = vector.broadcast %eq3A_502 : i32 to vector<128x128xi32>
    %eq3A_504 = arith.cmpi eq, %and3A_501, %eq3A_503 : vector<128x128xi32>
    %and3A_505 = arith.constant -65536 : i32
    %and3A_506 = vector.broadcast %and3A_505 : i32 to vector<128x128xi32>
    %and3A_507 = arith.andi %get3A_493, %and3A_506 : vector<128x128xi32>
    %shift_left3A_508 = arith.constant 16 : i32
    %shift_left3A_509 = vector.broadcast %shift_left3A_508 : i32 to vector<128x128xi32>
    %shift_left3A_510 = arith.shli %get3A_493, %shift_left3A_509 : vector<128x128xi32>
    %select_n3A_511 = arith.select %eq3A_504, %and3A_507, %shift_left3A_510 : vector<128x128xi1>, vector<128x128xi32>
    %bitcast_convert_type3A_512 = tpu.bitcast %select_n3A_511 : vector<128x128xi32> -> vector<128x128xf32>
    %convert_element_type3A_513 = arith.truncf %bitcast_convert_type3A_512 : vector<128x128xf32> to vector<128x128xbf16>
    %get3A_514 = arith.constant 15 : index
    %get3A_515 = arith.constant 0 : index
    %get3A_516 = arith.constant 0 : index
    %get3A_517 = vector.load %arg3[%get3A_514, %get3A_515, %get3A_516] : memref<20x128x512xbf16, #tpu.memory_space<vmem>>, vector<1x128x512xbf16>
    %get3A_518 = vector.shape_cast %get3A_517 : vector<1x128x512xbf16> to vector<128x512xbf16>
    %dot_general3A_519 = arith.constant dense<0.000000e+00> : vector<128x512xf32>
    %dot_general3A_520 = tpu.matmul %convert_element_type3A_513, %get3A_518, %dot_general3A_519 {dimension_numbers = #tpu.dot_dimension_numbers<[1], [0], [0], [1], [0, 0, 1, 1], [], []>, transpose_lhs_hint = false} : vector<128x128xbf16>, vector<128x512xbf16>, vector<128x512xf32> -> vector<128x512xf32>
    %add3A_521 = arith.addf %add3A_488, %dot_general3A_520 : vector<128x512xf32>
    %get3A_522 = arith.constant 16 : index
    %get3A_523 = arith.constant 0 : index
    %get3A_524 = arith.constant 0 : index
    %get3A_525 = vector.load %arg1[%get3A_522, %get3A_523, %get3A_524] : memref<20x128x128xi32, #tpu.memory_space<vmem>>, vector<1x128x128xi32>
    %get3A_526 = vector.shape_cast %get3A_525 : vector<1x128x128xi32> to vector<128x128xi32>
    %get3A_527 = arith.constant 0 : index
    %get3A_528 = arith.constant 16 : index
    %get3A_529 = vector.load %arg2[%get3A_527, %get3A_528] : memref<128x20xi32, #tpu.memory_space<vmem>>, vector<128x1xi32>
    %shift_right_arithmetic3A_530 = vector.broadcast %get3A_529 : vector<128x1xi32> to vector<128x128xi32>
    %shift_right_arithmetic3A_531 = arith.shrsi %shift_right_arithmetic3A_530, %shift_right_arithmetic3A_1 : vector<128x128xi32>
    %and3A_532 = arith.constant 1 : i32
    %and3A_533 = vector.broadcast %and3A_532 : i32 to vector<128x128xi32>
    %and3A_534 = arith.andi %shift_right_arithmetic3A_531, %and3A_533 : vector<128x128xi32>
    %eq3A_535 = arith.constant 1 : i32
    %eq3A_536 = vector.broadcast %eq3A_535 : i32 to vector<128x128xi32>
    %eq3A_537 = arith.cmpi eq, %and3A_534, %eq3A_536 : vector<128x128xi32>
    %and3A_538 = arith.constant -65536 : i32
    %and3A_539 = vector.broadcast %and3A_538 : i32 to vector<128x128xi32>
    %and3A_540 = arith.andi %get3A_526, %and3A_539 : vector<128x128xi32>
    %shift_left3A_541 = arith.constant 16 : i32
    %shift_left3A_542 = vector.broadcast %shift_left3A_541 : i32 to vector<128x128xi32>
    %shift_left3A_543 = arith.shli %get3A_526, %shift_left3A_542 : vector<128x128xi32>
    %select_n3A_544 = arith.select %eq3A_537, %and3A_540, %shift_left3A_543 : vector<128x128xi1>, vector<128x128xi32>
    %bitcast_convert_type3A_545 = tpu.bitcast %select_n3A_544 : vector<128x128xi32> -> vector<128x128xf32>
    %convert_element_type3A_546 = arith.truncf %bitcast_convert_type3A_545 : vector<128x128xf32> to vector<128x128xbf16>
    %get3A_547 = arith.constant 16 : index
    %get3A_548 = arith.constant 0 : index
    %get3A_549 = arith.constant 0 : index
    %get3A_550 = vector.load %arg3[%get3A_547, %get3A_548, %get3A_549] : memref<20x128x512xbf16, #tpu.memory_space<vmem>>, vector<1x128x512xbf16>
    %get3A_551 = vector.shape_cast %get3A_550 : vector<1x128x512xbf16> to vector<128x512xbf16>
    %dot_general3A_552 = arith.constant dense<0.000000e+00> : vector<128x512xf32>
    %dot_general3A_553 = tpu.matmul %convert_element_type3A_546, %get3A_551, %dot_general3A_552 {dimension_numbers = #tpu.dot_dimension_numbers<[1], [0], [0], [1], [0, 0, 1, 1], [], []>, transpose_lhs_hint = false} : vector<128x128xbf16>, vector<128x512xbf16>, vector<128x512xf32> -> vector<128x512xf32>
    %add3A_554 = arith.addf %add3A_521, %dot_general3A_553 : vector<128x512xf32>
    %get3A_555 = arith.constant 17 : index
    %get3A_556 = arith.constant 0 : index
    %get3A_557 = arith.constant 0 : index
    %get3A_558 = vector.load %arg1[%get3A_555, %get3A_556, %get3A_557] : memref<20x128x128xi32, #tpu.memory_space<vmem>>, vector<1x128x128xi32>
    %get3A_559 = vector.shape_cast %get3A_558 : vector<1x128x128xi32> to vector<128x128xi32>
    %get3A_560 = arith.constant 0 : index
    %get3A_561 = arith.constant 17 : index
    %get3A_562 = vector.load %arg2[%get3A_560, %get3A_561] : memref<128x20xi32, #tpu.memory_space<vmem>>, vector<128x1xi32>
    %shift_right_arithmetic3A_563 = vector.broadcast %get3A_562 : vector<128x1xi32> to vector<128x128xi32>
    %shift_right_arithmetic3A_564 = arith.shrsi %shift_right_arithmetic3A_563, %shift_right_arithmetic3A_1 : vector<128x128xi32>
    %and3A_565 = arith.constant 1 : i32
    %and3A_566 = vector.broadcast %and3A_565 : i32 to vector<128x128xi32>
    %and3A_567 = arith.andi %shift_right_arithmetic3A_564, %and3A_566 : vector<128x128xi32>
    %eq3A_568 = arith.constant 1 : i32
    %eq3A_569 = vector.broadcast %eq3A_568 : i32 to vector<128x128xi32>
    %eq3A_570 = arith.cmpi eq, %and3A_567, %eq3A_569 : vector<128x128xi32>
    %and3A_571 = arith.constant -65536 : i32
    %and3A_572 = vector.broadcast %and3A_571 : i32 to vector<128x128xi32>
    %and3A_573 = arith.andi %get3A_559, %and3A_572 : vector<128x128xi32>
    %shift_left3A_574 = arith.constant 16 : i32
    %shift_left3A_575 = vector.broadcast %shift_left3A_574 : i32 to vector<128x128xi32>
    %shift_left3A_576 = arith.shli %get3A_559, %shift_left3A_575 : vector<128x128xi32>
    %select_n3A_577 = arith.select %eq3A_570, %and3A_573, %shift_left3A_576 : vector<128x128xi1>, vector<128x128xi32>
    %bitcast_convert_type3A_578 = tpu.bitcast %select_n3A_577 : vector<128x128xi32> -> vector<128x128xf32>
    %convert_element_type3A_579 = arith.truncf %bitcast_convert_type3A_578 : vector<128x128xf32> to vector<128x128xbf16>
    %get3A_580 = arith.constant 17 : index
    %get3A_581 = arith.constant 0 : index
    %get3A_582 = arith.constant 0 : index
    %get3A_583 = vector.load %arg3[%get3A_580, %get3A_581, %get3A_582] : memref<20x128x512xbf16, #tpu.memory_space<vmem>>, vector<1x128x512xbf16>
    %get3A_584 = vector.shape_cast %get3A_583 : vector<1x128x512xbf16> to vector<128x512xbf16>
    %dot_general3A_585 = arith.constant dense<0.000000e+00> : vector<128x512xf32>
    %dot_general3A_586 = tpu.matmul %convert_element_type3A_579, %get3A_584, %dot_general3A_585 {dimension_numbers = #tpu.dot_dimension_numbers<[1], [0], [0], [1], [0, 0, 1, 1], [], []>, transpose_lhs_hint = false} : vector<128x128xbf16>, vector<128x512xbf16>, vector<128x512xf32> -> vector<128x512xf32>
    %add3A_587 = arith.addf %add3A_554, %dot_general3A_586 : vector<128x512xf32>
    %get3A_588 = arith.constant 18 : index
    %get3A_589 = arith.constant 0 : index
    %get3A_590 = arith.constant 0 : index
    %get3A_591 = vector.load %arg1[%get3A_588, %get3A_589, %get3A_590] : memref<20x128x128xi32, #tpu.memory_space<vmem>>, vector<1x128x128xi32>
    %get3A_592 = vector.shape_cast %get3A_591 : vector<1x128x128xi32> to vector<128x128xi32>
    %get3A_593 = arith.constant 0 : index
    %get3A_594 = arith.constant 18 : index
    %get3A_595 = vector.load %arg2[%get3A_593, %get3A_594] : memref<128x20xi32, #tpu.memory_space<vmem>>, vector<128x1xi32>
    %shift_right_arithmetic3A_596 = vector.broadcast %get3A_595 : vector<128x1xi32> to vector<128x128xi32>
    %shift_right_arithmetic3A_597 = arith.shrsi %shift_right_arithmetic3A_596, %shift_right_arithmetic3A_1 : vector<128x128xi32>
    %and3A_598 = arith.constant 1 : i32
    %and3A_599 = vector.broadcast %and3A_598 : i32 to vector<128x128xi32>
    %and3A_600 = arith.andi %shift_right_arithmetic3A_597, %and3A_599 : vector<128x128xi32>
    %eq3A_601 = arith.constant 1 : i32
    %eq3A_602 = vector.broadcast %eq3A_601 : i32 to vector<128x128xi32>
    %eq3A_603 = arith.cmpi eq, %and3A_600, %eq3A_602 : vector<128x128xi32>
    %and3A_604 = arith.constant -65536 : i32
    %and3A_605 = vector.broadcast %and3A_604 : i32 to vector<128x128xi32>
    %and3A_606 = arith.andi %get3A_592, %and3A_605 : vector<128x128xi32>
    %shift_left3A_607 = arith.constant 16 : i32
    %shift_left3A_608 = vector.broadcast %shift_left3A_607 : i32 to vector<128x128xi32>
    %shift_left3A_609 = arith.shli %get3A_592, %shift_left3A_608 : vector<128x128xi32>
    %select_n3A_610 = arith.select %eq3A_603, %and3A_606, %shift_left3A_609 : vector<128x128xi1>, vector<128x128xi32>
    %bitcast_convert_type3A_611 = tpu.bitcast %select_n3A_610 : vector<128x128xi32> -> vector<128x128xf32>
    %convert_element_type3A_612 = arith.truncf %bitcast_convert_type3A_611 : vector<128x128xf32> to vector<128x128xbf16>
    %get3A_613 = arith.constant 18 : index
    %get3A_614 = arith.constant 0 : index
    %get3A_615 = arith.constant 0 : index
    %get3A_616 = vector.load %arg3[%get3A_613, %get3A_614, %get3A_615] : memref<20x128x512xbf16, #tpu.memory_space<vmem>>, vector<1x128x512xbf16>
    %get3A_617 = vector.shape_cast %get3A_616 : vector<1x128x512xbf16> to vector<128x512xbf16>
    %dot_general3A_618 = arith.constant dense<0.000000e+00> : vector<128x512xf32>
    %dot_general3A_619 = tpu.matmul %convert_element_type3A_612, %get3A_617, %dot_general3A_618 {dimension_numbers = #tpu.dot_dimension_numbers<[1], [0], [0], [1], [0, 0, 1, 1], [], []>, transpose_lhs_hint = false} : vector<128x128xbf16>, vector<128x512xbf16>, vector<128x512xf32> -> vector<128x512xf32>
    %add3A_620 = arith.addf %add3A_587, %dot_general3A_619 : vector<128x512xf32>
    %get3A_621 = arith.constant 19 : index
    %get3A_622 = arith.constant 0 : index
    %get3A_623 = arith.constant 0 : index
    %get3A_624 = vector.load %arg1[%get3A_621, %get3A_622, %get3A_623] : memref<20x128x128xi32, #tpu.memory_space<vmem>>, vector<1x128x128xi32>
    %get3A_625 = vector.shape_cast %get3A_624 : vector<1x128x128xi32> to vector<128x128xi32>
    %get3A_626 = arith.constant 0 : index
    %get3A_627 = arith.constant 19 : index
    %get3A_628 = vector.load %arg2[%get3A_626, %get3A_627] : memref<128x20xi32, #tpu.memory_space<vmem>>, vector<128x1xi32>
    %shift_right_arithmetic3A_629 = vector.broadcast %get3A_628 : vector<128x1xi32> to vector<128x128xi32>
    %shift_right_arithmetic3A_630 = arith.shrsi %shift_right_arithmetic3A_629, %shift_right_arithmetic3A_1 : vector<128x128xi32>
    %and3A_631 = arith.constant 1 : i32
    %and3A_632 = vector.broadcast %and3A_631 : i32 to vector<128x128xi32>
    %and3A_633 = arith.andi %shift_right_arithmetic3A_630, %and3A_632 : vector<128x128xi32>
    %eq3A_634 = arith.constant 1 : i32
    %eq3A_635 = vector.broadcast %eq3A_634 : i32 to vector<128x128xi32>
    %eq3A_636 = arith.cmpi eq, %and3A_633, %eq3A_635 : vector<128x128xi32>
    %and3A_637 = arith.constant -65536 : i32
    %and3A_638 = vector.broadcast %and3A_637 : i32 to vector<128x128xi32>
    %and3A_639 = arith.andi %get3A_625, %and3A_638 : vector<128x128xi32>
    %shift_left3A_640 = arith.constant 16 : i32
    %shift_left3A_641 = vector.broadcast %shift_left3A_640 : i32 to vector<128x128xi32>
    %shift_left3A_642 = arith.shli %get3A_625, %shift_left3A_641 : vector<128x128xi32>
    %select_n3A_643 = arith.select %eq3A_636, %and3A_639, %shift_left3A_642 : vector<128x128xi1>, vector<128x128xi32>
    %bitcast_convert_type3A_644 = tpu.bitcast %select_n3A_643 : vector<128x128xi32> -> vector<128x128xf32>
    %convert_element_type3A_645 = arith.truncf %bitcast_convert_type3A_644 : vector<128x128xf32> to vector<128x128xbf16>
    %get3A_646 = arith.constant 19 : index
    %get3A_647 = arith.constant 0 : index
    %get3A_648 = arith.constant 0 : index
    %get3A_649 = vector.load %arg3[%get3A_646, %get3A_647, %get3A_648] : memref<20x128x512xbf16, #tpu.memory_space<vmem>>, vector<1x128x512xbf16>
    %get3A_650 = vector.shape_cast %get3A_649 : vector<1x128x512xbf16> to vector<128x512xbf16>
    %dot_general3A_651 = arith.constant dense<0.000000e+00> : vector<128x512xf32>
    %dot_general3A_652 = tpu.matmul %convert_element_type3A_645, %get3A_650, %dot_general3A_651 {dimension_numbers = #tpu.dot_dimension_numbers<[1], [0], [0], [1], [0, 0, 1, 1], [], []>, transpose_lhs_hint = false} : vector<128x128xbf16>, vector<128x512xbf16>, vector<128x512xf32> -> vector<128x512xf32>
    %add3A_653 = arith.addf %add3A_620, %dot_general3A_652 : vector<128x512xf32>
    %get3A_654 = arith.constant 0 : index
    %get3A_655 = arith.constant 0 : index
    %get3A_656 = vector.load %arg4[%get3A_654, %get3A_655] : memref<1x512xf32, #tpu.memory_space<vmem>>, vector<1x512xf32>
    %add3A_657 = vector.broadcast %get3A_656 : vector<1x512xf32> to vector<128x512xf32>
    %add3A_658 = arith.addf %add3A_653, %add3A_657 : vector<128x512xf32>
    %max3A = arith.constant 0.000000e+00 : f32
    %max3A_659 = vector.broadcast %max3A : f32 to vector<128x512xf32>
    %max3A_660 = arith.maximumf %add3A_658, %max3A_659 : vector<128x512xf32>
    %convert_element_type3A_661 = arith.truncf %max3A_660 : vector<128x512xf32> to vector<128x512xbf16>
    %get3A_662 = arith.constant 0 : index
    %get3A_663 = arith.constant 0 : index
    %get3A_664 = vector.load %arg5[%get3A_662, %get3A_663] : memref<512x256xbf16, #tpu.memory_space<vmem>>, vector<512x256xbf16>
    %dot_general3A_665 = arith.constant dense<0.000000e+00> : vector<128x256xf32>
    %dot_general3A_666 = tpu.matmul %convert_element_type3A_661, %get3A_664, %dot_general3A_665 {dimension_numbers = #tpu.dot_dimension_numbers<[1], [0], [0], [1], [0, 0, 1, 1], [], []>, transpose_lhs_hint = false} : vector<128x512xbf16>, vector<512x256xbf16>, vector<128x256xf32> -> vector<128x256xf32>
    %get3A_667 = arith.constant 0 : index
    %get3A_668 = arith.constant 0 : index
    %get3A_669 = vector.load %arg6[%get3A_667, %get3A_668] : memref<1x256xf32, #tpu.memory_space<vmem>>, vector<1x256xf32>
    %add3A_670 = vector.broadcast %get3A_669 : vector<1x256xf32> to vector<128x256xf32>
    %add3A_671 = arith.addf %dot_general3A_666, %add3A_670 : vector<128x256xf32>
    %max3A_672 = arith.constant 0.000000e+00 : f32
    %max3A_673 = vector.broadcast %max3A_672 : f32 to vector<128x256xf32>
    %max3A_674 = arith.maximumf %add3A_671, %max3A_673 : vector<128x256xf32>
    %convert_element_type3A_675 = arith.truncf %max3A_674 : vector<128x256xf32> to vector<128x256xbf16>
    %get3A_676 = arith.constant 0 : index
    %get3A_677 = arith.constant 0 : index
    %get3A_678 = vector.load %arg7[%get3A_676, %get3A_677] : memref<256x512xbf16, #tpu.memory_space<vmem>>, vector<256x512xbf16>
    %dot_general3A_679 = arith.constant dense<0.000000e+00> : vector<128x512xf32>
    %dot_general3A_680 = tpu.matmul %convert_element_type3A_675, %get3A_678, %dot_general3A_679 {dimension_numbers = #tpu.dot_dimension_numbers<[1], [0], [0], [1], [0, 0, 1, 1], [], []>, transpose_lhs_hint = false} : vector<128x256xbf16>, vector<256x512xbf16>, vector<128x512xf32> -> vector<128x512xf32>
    %get3A_681 = arith.constant 0 : index
    %get3A_682 = arith.constant 0 : index
    %get3A_683 = vector.load %arg8[%get3A_681, %get3A_682] : memref<1x512xf32, #tpu.memory_space<vmem>>, vector<1x512xf32>
    %add3A_684 = vector.broadcast %get3A_683 : vector<1x512xf32> to vector<128x512xf32>
    %add3A_685 = arith.addf %dot_general3A_680, %add3A_684 : vector<128x512xf32>
    %swap3A = arith.constant 0 : index
    %swap3A_686 = arith.constant 0 : index
    %swap3A_687 = vector.load %arg9[%swap3A, %swap3A_686] : memref<128x512xf32, #tpu.memory_space<vmem>>, vector<128x512xf32>
    tpu.vector_store %arg9[%swap3A, %swap3A_686], %add3A_685 {strides = array<i32>} : memref<128x512xf32, #tpu.memory_space<vmem>>, vector<128x512xf32>,
    return
  }
  func.func @transform_0(%arg0: i32) -> (i32, i32, i32) {
    %c0_i32 = arith.constant 0 : i32
    %c0_i32_0 = arith.constant 0 : i32
    %c0_i32_1 = arith.constant 0 : i32
    return %c0_i32, %arg0, %c0_i32_0 : i32, i32, i32
  }
  func.func @transform_1(%arg0: i32) -> (i32, i32) {
    %c0_i32 = arith.constant 0 : i32
    %c0_i32_0 = arith.constant 0 : i32
    return %arg0, %c0_i32 : i32, i32
  }
  func.func @transform_2(%arg0: i32) -> (i32, i32, i32) {
    %c0_i32 = arith.constant 0 : i32
    %c0_i32_0 = arith.constant 0 : i32
    %c0_i32_1 = arith.constant 0 : i32
    %c0_i32_2 = arith.constant 0 : i32
    return %c0_i32, %c0_i32_0, %c0_i32_1 : i32, i32, i32
  }
  func.func @transform_3(%arg0: i32) -> (i32, i32) {
    %c0_i32 = arith.constant 0 : i32
    %c0_i32_0 = arith.constant 0 : i32
    %c0_i32_1 = arith.constant 0 : i32
    return %c0_i32, %c0_i32_0 : i32, i32
  }
  func.func @transform_4(%arg0: i32) -> (i32, i32) {
    %c0_i32 = arith.constant 0 : i32
    %c0_i32_0 = arith.constant 0 : i32
    %c0_i32_1 = arith.constant 0 : i32
    return %c0_i32, %c0_i32_0 : i32, i32
  }
  func.func @transform_5(%arg0: i32) -> (i32, i32) {
    %c0_i32 = arith.constant 0 : i32
    %c0_i32_0 = arith.constant 0 : i32
    %c0_i32_1 = arith.constant 0 : i32
    return %c0_i32, %c0_i32_0 : i32, i32
  }
  func.func @transform_6(%arg0: i32) -> (i32, i32) {
    %c0_i32 = arith.constant 0 : i32
    %c0_i32_0 = arith.constant 0 : i32
    %c0_i32_1 = arith.constant 0 : i32
    return %c0_i32, %c0_i32_0 : i32, i32
  }
  func.func @transform_7(%arg0: i32) -> (i32, i32) {
    %c0_i32 = arith.constant 0 : i32
    %c0_i32_0 = arith.constant 0 : i32
    %c0_i32_1 = arith.constant 0 : i32
    return %c0_i32, %c0_i32_0 : i32, i32
  }
  func.func @transform_8(%arg0: i32) -> (i32, i32) {
    %c0_i32 = arith.constant 0 : i32
    %c0_i32_0 = arith.constant 0 : i32
    return %arg0, %c0_i32 : i32, i32
  }
}

</mosaic_0001>

<sc_bundles>
// kernel: kernel.5.cloned.1.call-start
scs
__scs_entry_jumppad:
0x0: {  	(pc) =	sbr.rel $0x88, $3  }
0x1: {  	(tag) =	ssettag $0x0;
	lr =	simm.s32 $0x1  }
0x2: {  	[smem:$0x3F99] =	sst lr;
	_ =	strace $0xD0000000  }
0x3: {  	_ = 	snop  }
0x4: {  	_ = 	snop  }
0x5: {  	_ = 	snop  }
0x6: {  	_ = 	snop  }
0x7: {  	_ = 	snop  }
__scs_overlays_trampoline_lowered:
0x8: {  	[smem:$0x3FA8] =	sst s0  }
0x9: {  	[smem:$0x3FA9] =	sst s1  }
0xa: {  	[smem:$0x3FAA] =	sst s2  }
0xb: {  	[smem:$0x3FAB] =	sst s3  }
0xc: {  	[smem:$0x3FAC] =	sst s4  }
0xd: {  	[smem:$0x3FAD] =	sst s5  }
0xe: {  	[smem:$0x3FAE] =	sst s6  }
0xf: {  	[smem:$0x3FAF] =	sst s7  }
0x10: {  	[smem:$0x3FB0] =	sst s8  }
0x11: {  	[smem:$0x3FB1] =	sst s9;
	s0 =	simm.s32 @!p0 $0x0  }
0x12: {  	s1 =	sld [smem:$0x3F97];
	s0 =	simm.s32 @p0 $0x1  }
0x13: {  	[smem:$0x3FB2] =	sst s0;
	s0 =	simm.s32 @!p1 $0x0  }
0x14: {  	s2 =	sld [smem:$0x3F96];
	s0 =	simm.s32 @p1 $0x1  }
0x15: {  	[smem:$0x3FB3] =	sst s0;
	s0 =	simm.s32 @!p2 $0x0  }
0x16: {  	s3 =	sld [smem:$0x3FDB];
	s0 =	simm.s32 @p2 $0x1  }
0x17: {  	s4 =	simm.s32 $0x1BF5;
	[smem:$0x3FB5] =	sst s0  }
0x18: {  	s0 =	sld [smem:$0x3F98];
	_ =	swait.ge [sflag:s4], $0x0  }
0x19: {  	s7 =	sld [smem:$0x3F99]  }
0x1a: {  	s8 =	sadd.s32 $0xFFFFE003, lr  }
0x1b: {  	s9 =	sadd.s32 $0xFFFFFEF7, lr;
	s5 =	simm.s32 $0xFFFFFFFF;
	p2 =	slt.u32 s8, $0xFFFFF086  }
0x1c: {  	p1 =	slt.u32 s9, $0xF7A;
	s5 =	simm.s32 @!p2 $0x0  }
0x1d: {  	s5 =	simm.s32 @p1 $0x1;
	p0 =	seq.s32 s7, s2  }
0x1e: {  	s7 =	smul.u32 @!p0 $0xF7A, s2;
	p2 =	seq.s32 @!p0 s5, $0x0  }
0x1f: {  	s9 =	smul.u32 $0xF7A, s1;
	s8 =	simm.s32 @!p0 $0x1BF5;
	p2 =	por !p2, p0  }
0x20: {  	[sflag:s8] =	ssyncset.s32 @!p0 $0xFFFFF086;
	s6 =	sadd.s32 @!p0 s3, s7;
	s7 =	simm.s32 @!p0 $0x108  }
0x21: {  	s3 =	sadd.s32 s3, s9;
	s6 =	sadd.s32 @!p0 $0x88, s6;
	s7 =	simm.s32 @p2 $0x1082  }
0x22: {  	[simem:s7], [sflag:s8] =	dma.local @!p0 [hbm:s6], $0xF7A  }
0x23: {  	s9 =	sor.u32 $0xD0000000, s2;
	s6 =	simm.s32 $0x108;
	_ =	swait.ge @!p0 [sflag:s8], $0x0  }
0x24: {  	s3 =	sadd.s32 $0x88, s3;
	s6 =	simm.s32 @!p1 $0x1082;
	[sflag:s4] =	ssyncset.s32 $0xFFFFF086  }
0x25: {  	[simem:s6], [sflag:s4] =	dma.local [hbm:s3], $0xF7A  }
0x26: {  	[smem:$0x3F99] =	sst s1;
	(tag) =	ssettag s2;
	_ =	strace s9  }
0x27: {  	s1 =	sld [smem:$0x3FA9]  }
0x28: {  	s2 =	sld [smem:$0x3FAA]  }
0x29: {  	s4 =	sld [smem:$0x3FAC]  }
0x2a: {  	p0 =	seq.s32 s5, $0x0;
	s5 =	sld [smem:$0x3FAD]  }
0x2b: {  	s6 =	sld [smem:$0x3FAE]  }
0x2c: {  	s7 =	sld [smem:$0x3FAF]  }
0x2d: {  	s3 =	simm.s32 $0x108;
	s8 =	sld [smem:$0x3FB0]  }
0x2e: {  	s3 =	simm.s32 @!p0 $0x1082;
	s9 =	sld [smem:$0x3FB1]  }
0x2f: {  	lr =	sadd.s32 s0, s3;
	s0 =	sld [smem:$0x3FA8]  }
0x30: {  	s3 =	sld [smem:$0x3FAB]  }
0x31: {  	[smem:$0x3FB4] =	sst s10  }
0x32: {  	s10 =	sld [smem:$0x3FB2];
	_ =	sdelay $0x3  }
0x33: {  	p0 =	seq.s32 s10, $0x1;
	s10 =	sld [smem:$0x3FB4];
	_ =	sdelay $0x3  }
0x34: {  	[smem:$0x3FB4] =	sst s10  }
0x35: {  	s10 =	sld [smem:$0x3FB3];
	_ =	sdelay $0x3  }
0x36: {  	p1 =	seq.s32 s10, $0x1;
	s10 =	sld [smem:$0x3FB4];
	_ =	sdelay $0x3  }
0x37: {  	[smem:$0x3FB4] =	sst s10  }
0x38: {  	s10 =	sld [smem:$0x3FB5]  }
0x39: {  	_ = 	snop;
	(pc) =	sbr.ind lr, $3  }
0x3a: {  	_ = 	snop  }
0x3b: {  	_ = 	snop  }
0x3c: {  	p2 =	seq.s32 s10, $0x1;
	s10 =	sld [smem:$0x3FB4]  }
0x3d: {  	_ =	shalt  }
0x3e: {  	_ =	shalt  }
0x3f: {  	_ =	shalt  }
0x40: {  	_ =	shalt  }
0x41: {  	_ =	shalt  }
0x42: {  	_ =	shalt  }
0x43: {  	_ =	shalt  }
0x44: {  	_ =	shalt  }
0x45: {  	_ =	shalt  }
0x46: {  	_ =	shalt  }
0x47: {  	_ =	shalt  }
0x48: {  	_ =	shalt  }
0x49: {  	_ =	shalt  }
0x4a: {  	_ =	shalt  }
0x4b: {  	_ =	shalt  }
0x4c: {  	_ =	shalt  }
0x4d: {  	_ =	shalt  }
0x4e: {  	_ =	shalt  }
0x4f: {  	_ =	shalt  }
0x50: {  	_ =	shalt  }
0x51: {  	_ =	shalt  }
0x52: {  	_ =	shalt  }
0x53: {  	_ =	shalt  }
0x54: {  	_ =	shalt  }
0x55: {  	_ =	shalt  }
0x56: {  	_ =	shalt  }
0x57: {  	_ =	shalt  }
0x58: {  	_ =	shalt  }
0x59: {  	_ =	shalt  }
0x5a: {  	_ =	shalt  }
0x5b: {  	_ =	shalt  }
0x5c: {  	_ =	shalt  }
0x5d: {  	_ =	shalt  }
0x5e: {  	_ =	shalt  }
0x5f: {  	_ =	shalt  }
0x60: {  	_ =	shalt  }
0x61: {  	_ =	shalt  }
0x62: {  	_ =	shalt  }
0x63: {  	_ =	shalt  }
0x64: {  	_ =	shalt  }
0x65: {  	_ =	shalt  }
0x66: {  	_ =	shalt  }
0x67: {  	_ =	shalt  }
0x68: {  	_ =	shalt  }
0x69: {  	_ =	shalt  }
0x6a: {  	_ =	shalt  }
0x6b: {  	_ =	shalt  }
0x6c: {  	_ =	shalt  }
0x6d: {  	_ =	shalt  }
0x6e: {  	_ =	shalt  }
0x6f: {  	_ =	shalt  }
0x70: {  	_ =	shalt  }
0x71: {  	_ =	shalt  }
0x72: {  	_ =	shalt  }
0x73: {  	_ =	shalt  }
0x74: {  	_ =	shalt  }
0x75: {  	_ =	shalt  }
0x76: {  	_ =	shalt  }
0x77: {  	_ =	shalt  }
0x78: {  	_ =	shalt  }
0x79: {  	_ =	shalt  }
0x7a: {  	_ =	shalt  }
0x7b: {  	_ =	shalt  }
0x7c: {  	_ =	shalt  }
0x7d: {  	_ =	shalt  }
0x7e: {  	_ =	shalt  }
0x7f: {  	_ =	shalt  }
0x80: {  	_ =	shalt  }
0x81: {  	_ =	shalt  }
0x82: {  	_ =	shalt  }
0x83: {  	_ =	shalt  }
0x84: {  	_ =	shalt  }
0x85: {  	_ =	shalt  }
0x86: {  	_ =	shalt  }
0x87: {  	_ =	shalt  }
.Lfunc_end0:
.L_simem_size_0:
called_computation_lowered:
.L_overlay_start_0:
0x88: {  	s2 =	sld [smem:$0x3FD9]  }
0x89: {  	s3 =	sld [smem:$0x3FFE];
	_ =	sdelay $0x1  }
0x8a: {  	s1 =	srdreg.scid  }
0x8b: {  	s0 =	sand.u32 $0x1, s1  }
0x8c: {  	s16 =	sshll.u32 s0, $0xA;
	s2 =	sadd.s32 s3, s2  }
0x8d: {  	s2 =	sadd.s32 s2, s16  }
0x8e: {  	[smem:$0x3FC0] =	sst s2  }
0x8f: {  	_ = 	snop  }
0x90: {  	(tm) =	ssettm $0x1  }
0x91: {  	s17 =	sld [smem:$0x3FFB];
	_ =	sdelay $0x3  }
0x92: {  	_ =	strace s17  }
0x93: {  	s2 =	sld [smem:$0x3FFC];
	_ =	sdelay $0x3  }
0x94: {  	_ =	strace s2  }
0x95: {  	s2 =	sld [smem:$0x3FFD];
	_ =	sdelay $0x3  }
0x96: {  	_ =	strace s2  }
0x97: {  	_ =	strace $0x8FFFFFFF  }
0x98: {  	s18 =	sld [smem:$0x3FDB];
	_ =	sdelay $0x1  }
0x99: {  	s19 =	simm.s32 $_scs_section_size  }
0x9a: {  	s4 =	simm.s32 $_size__tile_overlayer_lowered;
	s5 =	simm.s32 $_tile_overlayer_lowered  }
0x9b: {  	s22 =	simm.s32 $0x1BFF;
	s21 =	sshll.u32 s5, $0x1;
	s2 =	sadd.s32 s19, s18  }
0x9c: {  	s6 =	simm.s32 $0x0;
	s20 =	sshll.u32 s4, $0x1;
	s4 =	sadd.s32 s21, s2  }
0x9d: {  	[timem:s6], [sflag:s22] =	dma.local [hbm:s4], s20  }
0x9e: {  	_ =	swait.ge [sflag:s22], s20  }
0x9f: {  	s3 =	ssub.s32 $0x0, s20;
	[sflag:s22] =	ssyncset.done $0x0  }
0xa0: {  	[sflag:s22] =	ssyncadd.s32 s3;
	_ =	sdelay $0x1  }
0xa1: {  	s23 =	simm.s32 $0x1B8B  }
0xa2: {  	_ =	swait.ge [sflag:s23], $0x1  }
0xa3: {  	[sflag:s23] =	ssyncset.done $0x0  }
0xa4: {  	s25 =	simm.s32 $0x1B8E;
	s24 =	sld [smem:$0x3FFE];
	[sflag:s23] =	ssyncadd.s32 $0xFFFFFFFF  }
0xa5: {  	s26 =	simm.s32 $execute0_lowered;
	[smem:$0x3FD2] =	sst s25  }
0xa6: {  	s4 =	sshll.u32 s26, $0x1;
	_ =	strace $0x80000046;
	[dreg:$0x1] =	wrdreg $0xFFFFFFFF  }
0xa7: {  	s28 =	simm.s32 $_size_execute0_lowered;
	s2 =	sadd.s32 s2, s4;
	[dreg:$0x0] =	wrdreg $0x0  }
0xa8: {  	s4 =	sshll.u32 s28, $0x1;
	[dreg:$0x2] =	wrdreg s2  }
0xa9: {  	[dreg:$0x3] =	wrdreg s4  }
0xaa: {  	[dreg:$0x4] =	wrdreg $0xC0  }
0xab: {  	_ =	task [dreg:s6], $0x5FFFF  }
0xac: {  	[dreg:$0x1] =	wrdreg $0xFFFFFFFF  }
0xad: {  	[dreg:$0x0] =	wrdreg $0x60  }
0xae: {  	[dreg:$0x2] =	wrdreg s24  }
0xaf: {  	[dreg:$0x3] =	wrdreg $0x9  }
0xb0: {  	_ =	task.clear_ibuf [dreg:s6], $0x4FFFF;
	_ =	strace $0x90000046  }
0xb1: {  	s29 =	simm.s32 $0x9;
	_ =	strace $0x80000048  }
0xb2: {  	_ =	swait.ge [sflag:s29], $0x1  }
0xb3: {  	[sflag:s29] =	ssyncadd.s32 $0xFFFFFFFF  }
0xb4: {  	_ =	strace $0x90000048  }
0xb5: {  	_ =	sfence  }
0xb6: {  	s30 =	sld [smem:$0x0];
	_ =	sdelay $0x2  }
0xb7: {  	s31 =	sshll.u32 s1, $0xD;
	s1 =	sshrl.u32 s1, $0x2  }
0xb8: {  	s3 =	sand.u32 $0x4000, s31;
	s1 =	sadd.s32 s1, s30  }
0xb9: {  	s0 =	sor.u32 s3, s0;
	s1 =	sshll.u32 s1, $0x11  }
0xba: {  	s0 =	sor.u32 s1, s0  }
0xbb: {  	s0 =	sadd.s32 $0x8F2B, s0  }
0xbc: {  	[sflag:s0] =	ssyncadd.remote.s32 $0x1  }
0xbd: {  	_ =	sfence.sel $0xFFFF  }
0xbe: {  	[dreg:$0x0] =	wrdreg $0xFFFFFFFF;
	(pc) =	sbr.abs _section_cstart, $3  }
0xbf: {  	[dreg:$0x1] =	wrdreg $0xFFFFFFFF  }
0xc0: {  	_ =	task.clear_ibuf [dreg:s6], $0x2FFFF;
	_ =	strace $0x9FFFFFFF  }
0xc1: {  	(tm) =	ssettm $0x7FFFFFFF  }
tec
execute0_lowered:
.L_overlay_start_1:
0x0: {  	(tag) =	ssettag $0x1  }
0x1: {  	s0 =	srdreg.scid;
	s1 =	stileid.u32  }
0x2: {  	s0 =	sand.u32 $0x1, s0;
	s1 =	sshll.u32 s1, $0x1  }
0x3: {  	s3 =	rddreg [dreg:$0x0];
	s1 =	sor.u32 s0, s1  }
0x4: {  	s2 =	simm.s32 $0x0;
	s4 =	smul.u32 $0x140, s1;
	s1 =	sshll.u32 s1, $0x9  }
0x5: {  	s26 =	simm.s32 $0x100;
	[smem:$0x7FF] =	sst s2;
	s1 =	sadd.s32 s1, s3  }
0x6: {  	_ =	strace $0x80000047;
	[dreg:$0x17] =	wrdreg s26;
	s7 =	sadd.s32 $0x203A00, s1  }
0x7: {  	s8 =	sadd.s32 $0x207A00, s1;
	[dreg:$0x3] =	wrdreg s7  }
0x8: {  	s9 =	sadd.s32 $0x20BA00, s1;
	[dreg:$0x4] =	wrdreg s8  }
0x9: {  	s10 =	sadd.s32 $0x20FA00, s1;
	[dreg:$0x5] =	wrdreg s9  }
0xa: {  	s11 =	sadd.s32 $0x213A00, s1;
	[dreg:$0x6] =	wrdreg s10  }
0xb: {  	s12 =	sadd.s32 $0x217A00, s1;
	[dreg:$0x7] =	wrdreg s11  }
0xc: {  	s31 =	simm.s32 $0x3;
	s13 =	sadd.s32 $0x21BA00, s1;
	[dreg:$0x8] =	wrdreg s12  }
0xd: {  	s6 =	simm.s32 $0x1;
	s14 =	sadd.s32 $0x21FA00, s1;
	[dreg:$0x9] =	wrdreg s13  }
0xe: {  	s30 =	simm.s32 $0x180;
	s15 =	sadd.s32 $0x223A00, s1;
	[dreg:$0xa] =	wrdreg s14  }
0xf: {  	s29 =	simm.s32 $0x200;
	s16 =	sadd.s32 $0x227A00, s1;
	[dreg:$0xb] =	wrdreg s15  }
0x10: {  	s28 =	simm.s32 $0x280;
	s17 =	sadd.s32 $0x22BA00, s1;
	[dreg:$0xc] =	wrdreg s16  }
0x11: {  	p0 =	por $0x0, $0x0;
	s18 =	sadd.s32 $0x22FA00, s1;
	[dreg:$0xd] =	wrdreg s17  }
0x12: {  	s0 =	ssub.s32 $0x2, s0;
	s19 =	sadd.s32 $0x233A00, s1;
	[dreg:$0xe] =	wrdreg s18  }
0x13: {  	s26 =	simm.s32 $0x300;
	s20 =	sadd.s32 $0x237A00, s1;
	[dreg:$0xf] =	wrdreg s19  }
0x14: {  	s5 =	sshrl.u32 s0, $0x1;
	s21 =	sadd.s32 $0x23BA00, s1;
	[dreg:$0x10] =	wrdreg s20  }
0x15: {  	s0 =	ssub.s32 s0, s5;
	s22 =	sadd.s32 $0x23FA00, s1;
	[dreg:$0x11] =	wrdreg s21  }
0x16: {  	s5 =	simm.s32 $0xA00;
	s23 =	sadd.s32 $0x243A00, s1;
	[dreg:$0x12] =	wrdreg s22  }
0x17: {  	s4 =	sadd.s32 s4, s3;
	s24 =	sadd.s32 $0x247A00, s1;
	[dreg:$0x13] =	wrdreg s23  }
0x18: {  	s25 =	sadd.s32 $0x24BA00, s1;
	s1 =	sadd.s32 $0x24FA00, s1;
	[dreg:$0x14] =	wrdreg s24  }
0x19: {  	s0 =	smax.u32 s0, $0x1;
	s4 =	sadd.s32 $0x201200, s4;
	[dreg:$0x15] =	wrdreg s25  }
0x1a: {  	s7 =	sadd.s32 $0x1200, s3;
	[dreg:$0x16] =	wrdreg s1;
	s8 =	simm.s32 $0x80  }
0x1b: {  	s12 =	simm.s32 $0x2A00;
	s11 =	simm.s32 $0x3A00;
	s10 =	simm.s32 $0x4A00  }
0x1c: {  	s9 =	simm.s32 $0x5A00;
	s3 =	simm.s32 $0x2;
	s25 =	simm.s32 $0x380  }
0x1d: {  	s24 =	simm.s32 $0x400;
	s23 =	simm.s32 $0x480;
	p1 =	sne.s32 s0, $0x1  }
.Ltmp0:
0x1e: {  	s22 =	simm.s32 $0x500;
	s21 =	simm.s32 $0x580;
	(pc) =	sbr.rel @!p1 .LBB2_3-.Ltmp0, $4  }
0x1f: {  	s20 =	simm.s32 $0x600;
	s19 =	simm.s32 $0x680;
	s1 =	sadd.s32 $0xFFFFFFFF, s0  }
0x20: {  	s18 =	simm.s32 $0x700;
	s17 =	simm.s32 $0x780;
	s16 =	simm.s32 $0x800  }
0x21: {  	s15 =	simm.s32 $0x880;
	s14 =	simm.s32 $0x900;
	[dreg:$0x2] =	wrdreg s4  }
0x22: {  	s13 =	simm.s32 $0x980;
	s4 =	simm.s32 $0x1A00;
	s0 =	rddreg [dreg:$0x2]  }
0x23: {  	[tilespmem:s2], [sflag:$0x3] =	stream.linear.gather [hbm4b:s0+s2], $0xA00, $0x38;
	[tilespmem:$0x6A00] =	vst v63  }
0x24: {  	_ =	swait.ge [sflag:s31], $0xA00  }
0x25: {  	[sflag:s31] =	ssyncset.done $0x0  }
0x26: {  	[sflag:s31] =	ssyncadd.s32 $0xFFFFF600  }
0x27: {  	[tilespmem:s5], [sflag:$0x1] =	stream.indirect.gather [hbm4b:s7+s8], $0x20, s2, s8, $0xb8;
	[tilespmem:$0x6A00] =	vst v63  }
0x28: {  	_ = 	snop  }
0x29: {  	[tilespmem:s4], [sflag:$0x1] =	stream.indirect.gather [hbm4b:s7+s8], $0x20, s8, s8, $0xb8;
	[tilespmem:$0x6A00] =	vst v63  }
0x2a: {  	s0 =	rddreg [dreg:$0x17]  }
0x2b: {  	[tilespmem:s12], [sflag:$0x1] =	stream.indirect.gather [hbm4b:s7+s8], $0x20, s0, s8, $0xb8;
	[tilespmem:$0x6A00] =	vst v63  }
0x2c: {  	_ =	swait.ge [sflag:s6], $0x1000  }
0x2d: {  	[sflag:s6] =	ssyncset.done $0x0  }
0x2e: {  	s0 =	rddreg [dreg:$0x3];
	[sflag:s6] =	ssyncadd.s32 $0xFFFFF000  }
0x2f: {  	[hbm4b:s0+s2] =	stream.linear.scatter [tilespmem:s5], [sflag:$0x2], $0x1000, $0x38;
	[tilespmem:$0x6A00] =	vst v63  }
0x30: {  	_ = 	snop  }
0x31: {  	[tilespmem:s11], [sflag:$0x1] =	stream.indirect.gather [hbm4b:s7+s8], $0x20, s30, s8, $0xb8;
	[tilespmem:$0x6A00] =	vst v63  }
0x32: {  	_ =	swait.ge [sflag:s6], $0x1000  }
0x33: {  	[sflag:s6] =	ssyncset.done $0x0  }
0x34: {  	s0 =	rddreg [dreg:$0x4];
	[sflag:s6] =	ssyncadd.s32 $0xFFFFF000  }
0x35: {  	[hbm4b:s0+s2] =	stream.linear.scatter [tilespmem:s4], [sflag:$0x2], $0x1000, $0x38;
	[tilespmem:$0x6A00] =	vst v63  }
0x36: {  	_ = 	snop  }
0x37: {  	[tilespmem:s10], [sflag:$0x1] =	stream.indirect.gather [hbm4b:s7+s8], $0x20, s29, s8, $0xb8;
	[tilespmem:$0x6A00] =	vst v63  }
0x38: {  	_ =	swait.ge [sflag:s6], $0x1000  }
0x39: {  	[sflag:s6] =	ssyncset.done $0x0  }
0x3a: {  	s0 =	rddreg [dreg:$0x5];
	[sflag:s6] =	ssyncadd.s32 $0xFFFFF000  }
0x3b: {  	[hbm4b:s0+s2] =	stream.linear.scatter [tilespmem:s12], [sflag:$0x2], $0x1000, $0x38;
	[tilespmem:$0x6A00] =	vst v63  }
0x3c: {  	_ = 	snop  }
0x3d: {  	[tilespmem:s9], [sflag:$0x1] =	stream.indirect.gather [hbm4b:s7+s8], $0x20, s28, s8, $0xb8;
	[tilespmem:$0x6A00] =	vst v63  }
0x3e: {  	_ =	swait.ge [sflag:s6], $0x1000  }
0x3f: {  	[sflag:s6] =	ssyncset.done $0x0  }
0x40: {  	s0 =	rddreg [dreg:$0x6];
	[sflag:s6] =	ssyncadd.s32 $0xFFFFF000  }
0x41: {  	[hbm4b:s0+s2] =	stream.linear.scatter [tilespmem:s11], [sflag:$0x2], $0x1000, $0x38;
	[tilespmem:$0x6A00] =	vst v63  }
0x42: {  	_ =	swait.ge [sflag:s3], $0x1000  }
0x43: {  	[sflag:s3] =	ssyncset.done $0x0  }
0x44: {  	[sflag:s3] =	ssyncadd.s32 $0xFFFFF000  }
0x45: {  	[tilespmem:s5], [sflag:$0x1] =	stream.indirect.gather [hbm4b:s7+s8], $0x20, s26, s8, $0xb8;
	[tilespmem:$0x6A00] =	vst v63  }
0x46: {  	_ =	swait.ge [sflag:s6], $0x1000  }
0x47: {  	[sflag:s6] =	ssyncset.done $0x0  }
0x48: {  	s0 =	rddreg [dreg:$0x7];
	[sflag:s6] =	ssyncadd.s32 $0xFFFFF000  }
0x49: {  	[hbm4b:s0+s2] =	stream.linear.scatter [tilespmem:s10], [sflag:$0x2], $0x1000, $0x38;
	[tilespmem:$0x6A00] =	vst v63  }
0x4a: {  	_ =	swait.ge [sflag:s3], $0x1000  }
0x4b: {  	[sflag:s3] =	ssyncset.done $0x0  }
0x4c: {  	[sflag:s3] =	ssyncadd.s32 $0xFFFFF000  }
0x4d: {  	[tilespmem:s4], [sflag:$0x1] =	stream.indirect.gather [hbm4b:s7+s8], $0x20, s25, s8, $0xb8;
	[tilespmem:$0x6A00] =	vst v63  }
0x4e: {  	_ =	swait.ge [sflag:s6], $0x1000  }
0x4f: {  	[sflag:s6] =	ssyncset.done $0x0  }
0x50: {  	s0 =	rddreg [dreg:$0x8];
	[sflag:s6] =	ssyncadd.s32 $0xFFFFF000  }
0x51: {  	[hbm4b:s0+s2] =	stream.linear.scatter [tilespmem:s9], [sflag:$0x2], $0x1000, $0x38;
	[tilespmem:$0x6A00] =	vst v63  }
0x52: {  	_ =	swait.ge [sflag:s3], $0x1000  }
0x53: {  	[sflag:s3] =	ssyncset.done $0x0  }
0x54: {  	[sflag:s3] =	ssyncadd.s32 $0xFFFFF000  }
0x55: {  	[tilespmem:s12], [sflag:$0x1] =	stream.indirect.gather [hbm4b:s7+s8], $0x20, s24, s8, $0xb8;
	[tilespmem:$0x6A00] =	vst v63  }
0x56: {  	_ =	swait.ge [sflag:s6], $0x1000  }
0x57: {  	[sflag:s6] =	ssyncset.done $0x0  }
0x58: {  	s0 =	rddreg [dreg:$0x9];
	[sflag:s6] =	ssyncadd.s32 $0xFFFFF000  }
0x59: {  	[hbm4b:s0+s2] =	stream.linear.scatter [tilespmem:s5], [sflag:$0x2], $0x1000, $0x38;
	[tilespmem:$0x6A00] =	vst v63  }
0x5a: {  	_ =	swait.ge [sflag:s3], $0x1000  }
0x5b: {  	[sflag:s3] =	ssyncset.done $0x0  }
0x5c: {  	[sflag:s3] =	ssyncadd.s32 $0xFFFFF000  }
0x5d: {  	[tilespmem:s11], [sflag:$0x1] =	stream.indirect.gather [hbm4b:s7+s8], $0x20, s23, s8, $0xb8;
	[tilespmem:$0x6A00] =	vst v63  }
0x5e: {  	_ =	swait.ge [sflag:s6], $0x1000  }
0x5f: {  	[sflag:s6] =	ssyncset.done $0x0  }
0x60: {  	s0 =	rddreg [dreg:$0xa];
	[sflag:s6] =	ssyncadd.s32 $0xFFFFF000  }
0x61: {  	[hbm4b:s0+s2] =	stream.linear.scatter [tilespmem:s4], [sflag:$0x2], $0x1000, $0x38;
	[tilespmem:$0x6A00] =	vst v63  }
0x62: {  	_ =	swait.ge [sflag:s3], $0x1000  }
0x63: {  	[sflag:s3] =	ssyncset.done $0x0  }
0x64: {  	[sflag:s3] =	ssyncadd.s32 $0xFFFFF000  }
0x65: {  	[tilespmem:s10], [sflag:$0x1] =	stream.indirect.gather [hbm4b:s7+s8], $0x20, s22, s8, $0xb8;
	[tilespmem:$0x6A00] =	vst v63  }
0x66: {  	_ =	swait.ge [sflag:s6], $0x1000  }
0x67: {  	[sflag:s6] =	ssyncset.done $0x0  }
0x68: {  	s0 =	rddreg [dreg:$0xb];
	[sflag:s6] =	ssyncadd.s32 $0xFFFFF000  }
0x69: {  	[hbm4b:s0+s2] =	stream.linear.scatter [tilespmem:s12], [sflag:$0x2], $0x1000, $0x38;
	[tilespmem:$0x6A00] =	vst v63  }
0x6a: {  	_ =	swait.ge [sflag:s3], $0x1000  }
0x6b: {  	[sflag:s3] =	ssyncset.done $0x0  }
0x6c: {  	[sflag:s3] =	ssyncadd.s32 $0xFFFFF000  }
0x6d: {  	[tilespmem:s9], [sflag:$0x1] =	stream.indirect.gather [hbm4b:s7+s8], $0x20, s21, s8, $0xb8;
	[tilespmem:$0x6A00] =	vst v63  }
0x6e: {  	_ =	swait.ge [sflag:s6], $0x1000  }
0x6f: {  	[sflag:s6] =	ssyncset.done $0x0  }
0x70: {  	s0 =	rddreg [dreg:$0xc];
	[sflag:s6] =	ssyncadd.s32 $0xFFFFF000  }
0x71: {  	[hbm4b:s0+s2] =	stream.linear.scatter [tilespmem:s11], [sflag:$0x2], $0x1000, $0x38;
	[tilespmem:$0x6A00] =	vst v63  }
0x72: {  	_ =	swait.ge [sflag:s3], $0x1000  }
0x73: {  	[sflag:s3] =	ssyncset.done $0x0  }
0x74: {  	[sflag:s3] =	ssyncadd.s32 $0xFFFFF000  }
0x75: {  	[tilespmem:s5], [sflag:$0x1] =	stream.indirect.gather [hbm4b:s7+s8], $0x20, s20, s8, $0xb8;
	[tilespmem:$0x6A00] =	vst v63  }
0x76: {  	_ =	swait.ge [sflag:s6], $0x1000  }
0x77: {  	[sflag:s6] =	ssyncset.done $0x0  }
0x78: {  	s0 =	rddreg [dreg:$0xd];
	[sflag:s6] =	ssyncadd.s32 $0xFFFFF000  }
0x79: {  	[hbm4b:s0+s2] =	stream.linear.scatter [tilespmem:s10], [sflag:$0x2], $0x1000, $0x38;
	[tilespmem:$0x6A00] =	vst v63  }
0x7a: {  	_ =	swait.ge [sflag:s3], $0x1000  }
0x7b: {  	[sflag:s3] =	ssyncset.done $0x0  }
0x7c: {  	[sflag:s3] =	ssyncadd.s32 $0xFFFFF000  }
0x7d: {  	[tilespmem:s4], [sflag:$0x1] =	stream.indirect.gather [hbm4b:s7+s8], $0x20, s19, s8, $0xb8;
	[tilespmem:$0x6A00] =	vst v63  }
0x7e: {  	_ =	swait.ge [sflag:s6], $0x1000  }
0x7f: {  	[sflag:s6] =	ssyncset.done $0x0  }
0x80: {  	s0 =	rddreg [dreg:$0xe];
	[sflag:s6] =	ssyncadd.s32 $0xFFFFF000  }
0x81: {  	[hbm4b:s0+s2] =	stream.linear.scatter [tilespmem:s9], [sflag:$0x2], $0x1000, $0x38;
	[tilespmem:$0x6A00] =	vst v63  }
0x82: {  	_ =	swait.ge [sflag:s3], $0x1000  }
0x83: {  	[sflag:s3] =	ssyncset.done $0x0  }
0x84: {  	[sflag:s3] =	ssyncadd.s32 $0xFFFFF000  }
0x85: {  	[tilespmem:s12], [sflag:$0x1] =	stream.indirect.gather [hbm4b:s7+s8], $0x20, s18, s8, $0xb8;
	[tilespmem:$0x6A00] =	vst v63  }
0x86: {  	_ =	swait.ge [sflag:s6], $0x1000  }
0x87: {  	[sflag:s6] =	ssyncset.done $0x0  }
0x88: {  	s0 =	rddreg [dreg:$0xf];
	[sflag:s6] =	ssyncadd.s32 $0xFFFFF000  }
0x89: {  	[hbm4b:s0+s2] =	stream.linear.scatter [tilespmem:s5], [sflag:$0x2], $0x1000, $0x38;
	[tilespmem:$0x6A00] =	vst v63  }
0x8a: {  	_ =	swait.ge [sflag:s3], $0x1000  }
0x8b: {  	[sflag:s3] =	ssyncset.done $0x0  }
0x8c: {  	[sflag:s3] =	ssyncadd.s32 $0xFFFFF000  }
0x8d: {  	[tilespmem:s11], [sflag:$0x1] =	stream.indirect.gather [hbm4b:s7+s8], $0x20, s17, s8, $0xb8;
	[tilespmem:$0x6A00] =	vst v63  }
0x8e: {  	_ =	swait.ge [sflag:s6], $0x1000  }
0x8f: {  	[sflag:s6] =	ssyncset.done $0x0  }
0x90: {  	s0 =	rddreg [dreg:$0x10];
	[sflag:s6] =	ssyncadd.s32 $0xFFFFF000  }
0x91: {  	[hbm4b:s0+s2] =	stream.linear.scatter [tilespmem:s4], [sflag:$0x2], $0x1000, $0x38;
	[tilespmem:$0x6A00] =	vst v63  }
0x92: {  	_ =	swait.ge [sflag:s3], $0x1000  }
0x93: {  	[sflag:s3] =	ssyncset.done $0x0  }
0x94: {  	[sflag:s3] =	ssyncadd.s32 $0xFFFFF000  }
0x95: {  	[tilespmem:s10], [sflag:$0x1] =	stream.indirect.gather [hbm4b:s7+s8], $0x20, s16, s8, $0xb8;
	[tilespmem:$0x6A00] =	vst v63  }
0x96: {  	_ =	swait.ge [sflag:s6], $0x1000  }
0x97: {  	[sflag:s6] =	ssyncset.done $0x0  }
0x98: {  	s0 =	rddreg [dreg:$0x11];
	[sflag:s6] =	ssyncadd.s32 $0xFFFFF000  }
0x99: {  	[hbm4b:s0+s2] =	stream.linear.scatter [tilespmem:s12], [sflag:$0x2], $0x1000, $0x38;
	[tilespmem:$0x6A00] =	vst v63  }
0x9a: {  	_ =	swait.ge [sflag:s3], $0x1000  }
0x9b: {  	[sflag:s3] =	ssyncset.done $0x0  }
0x9c: {  	[sflag:s3] =	ssyncadd.s32 $0xFFFFF000  }
0x9d: {  	[tilespmem:s9], [sflag:$0x1] =	stream.indirect.gather [hbm4b:s7+s8], $0x20, s15, s8, $0xb8;
	[tilespmem:$0x6A00] =	vst v63  }
0x9e: {  	_ =	swait.ge [sflag:s6], $0x1000  }
0x9f: {  	[sflag:s6] =	ssyncset.done $0x0  }
0xa0: {  	s0 =	rddreg [dreg:$0x12];
	[sflag:s6] =	ssyncadd.s32 $0xFFFFF000  }
0xa1: {  	[hbm4b:s0+s2] =	stream.linear.scatter [tilespmem:s11], [sflag:$0x2], $0x1000, $0x38;
	[tilespmem:$0x6A00] =	vst v63  }
0xa2: {  	_ =	swait.ge [sflag:s3], $0x1000  }
0xa3: {  	[sflag:s3] =	ssyncset.done $0x0  }
0xa4: {  	[sflag:s3] =	ssyncadd.s32 $0xFFFFF000  }
0xa5: {  	[tilespmem:s5], [sflag:$0x1] =	stream.indirect.gather [hbm4b:s7+s8], $0x20, s14, s8, $0xb8;
	[tilespmem:$0x6A00] =	vst v63  }
0xa6: {  	_ =	swait.ge [sflag:s6], $0x1000  }
0xa7: {  	[sflag:s6] =	ssyncset.done $0x0  }
0xa8: {  	s0 =	rddreg [dreg:$0x13];
	[sflag:s6] =	ssyncadd.s32 $0xFFFFF000  }
0xa9: {  	[hbm4b:s0+s2] =	stream.linear.scatter [tilespmem:s10], [sflag:$0x2], $0x1000, $0x38;
	[tilespmem:$0x6A00] =	vst v63  }
0xaa: {  	_ =	swait.ge [sflag:s3], $0x1000  }
0xab: {  	[sflag:s3] =	ssyncset.done $0x0  }
0xac: {  	[sflag:s3] =	ssyncadd.s32 $0xFFFFF000  }
0xad: {  	[tilespmem:s4], [sflag:$0x1] =	stream.indirect.gather [hbm4b:s7+s8], $0x20, s13, s8, $0xb8;
	[tilespmem:$0x6A00] =	vst v63  }
0xae: {  	_ =	swait.ge [sflag:s6], $0x1000  }
0xaf: {  	[sflag:s6] =	ssyncset.done $0x0  }
0xb0: {  	s0 =	rddreg [dreg:$0x14];
	[sflag:s6] =	ssyncadd.s32 $0xFFFFF000  }
0xb1: {  	[hbm4b:s0+s2] =	stream.linear.scatter [tilespmem:s9], [sflag:$0x2], $0x1000, $0x38;
	[tilespmem:$0x6A00] =	vst v63  }
0xb2: {  	_ =	swait.ge [sflag:s6], $0x1000  }
0xb3: {  	[sflag:s6] =	ssyncset.done $0x0  }
0xb4: {  	s0 =	rddreg [dreg:$0x15];
	[sflag:s6] =	ssyncadd.s32 $0xFFFFF000  }
0xb5: {  	[hbm4b:s0+s2] =	stream.linear.scatter [tilespmem:s5], [sflag:$0x2], $0x1000, $0x38;
	[tilespmem:$0x6A00] =	vst v63  }
0xb6: {  	_ =	swait.ge [sflag:s6], $0x1000  }
0xb7: {  	[sflag:s6] =	ssyncset.done $0x0  }
0xb8: {  	s0 =	rddreg [dreg:$0x16];
	[sflag:s6] =	ssyncadd.s32 $0xFFFFF000  }
0xb9: {  	[hbm4b:s0+s2] =	stream.linear.scatter [tilespmem:s4], [sflag:$0x2], $0x1000, $0x38;
	[tilespmem:$0x6A00] =	vst v63  }
0xba: {  	_ =	swait.ge [sflag:s3], $0x1000  }
0xbb: {  	[sflag:s3] =	ssyncset.done $0x0  }
0xbc: {  	[sflag:s3] =	ssyncadd.s32 $0xFFFFF000  }
0xbd: {  	_ =	swait.ge [sflag:s3], $0x1000  }
0xbe: {  	[sflag:s3] =	ssyncset.done $0x0  }
0xbf: {  	[sflag:s3] =	ssyncadd.s32 $0xFFFFF000  }
0xc0: {  	_ =	swait.ge [sflag:s3], $0x1000  }
0xc1: {  	[sflag:s3] =	ssyncset.done $0x0  }
0xc2: {  	[sflag:s3] =	ssyncadd.s32 $0xFFFFF000  }
0xc3: {  	_ =	swait.ge [sflag:s3], $0x1000  }
0xc4: {  	[sflag:s3] =	ssyncset.done $0x0  }
0xc5: {  	p1 =	sne.s32 s1, $0x1;
	[sflag:s3] =	ssyncadd.s32 $0xFFFFF000  }
.Ltmp1:
0xc6: {  	_ =	swait.ge [sflag:s3], $0x1000;
	(pc) =	sbr.rel @!p1 .LBB2_3-.Ltmp1, $4  }
0xc7: {  	[sflag:s3] =	ssyncset.done $0x0  }
0xc8: {  	[sflag:s3] =	ssyncadd.s32 $0xFFFFF000  }
0xc9: {  	s1 =	sadd.s32 $0xFFFFFFFF, s1;
	_ =	swait.ge [sflag:s3], $0x1000  }
0xca: {  	p0 =	por $0x1, $0x1;
	s0 =	rddreg [dreg:$0x2];
	[sflag:s3] =	ssyncset.done $0x0  }
.LBB2_2:
0xcb: {  	[sflag:s3] =	ssyncadd.s32 $0xFFFFF000  }
0xcc: {  	[tilespmem:s2], [sflag:$0x3] =	stream.linear.gather [hbm4b:s0+s2], $0xA00, $0x38;
	[tilespmem:$0x6A00] =	vst v63  }
0xcd: {  	_ =	swait.ge [sflag:s31], $0xA00  }
0xce: {  	[sflag:s31] =	ssyncset.done $0x0  }
0xcf: {  	[sflag:s31] =	ssyncadd.s32 $0xFFFFF600  }
0xd0: {  	[tilespmem:s5], [sflag:$0x1] =	stream.indirect.gather [hbm4b:s7+s8], $0x20, s2, s8, $0xb8;
	[tilespmem:$0x6A00] =	vst v63  }
0xd1: {  	_ = 	snop  }
0xd2: {  	[tilespmem:s4], [sflag:$0x1] =	stream.indirect.gather [hbm4b:s7+s8], $0x20, s8, s8, $0xb8;
	[tilespmem:$0x6A00] =	vst v63  }
0xd3: {  	s0 =	rddreg [dreg:$0x17]  }
0xd4: {  	[tilespmem:s12], [sflag:$0x1] =	stream.indirect.gather [hbm4b:s7+s8], $0x20, s0, s8, $0xb8;
	[tilespmem:$0x6A00] =	vst v63  }
0xd5: {  	_ =	swait.ge [sflag:s6], $0x1000  }
0xd6: {  	[sflag:s6] =	ssyncset.done $0x0  }
0xd7: {  	s0 =	rddreg [dreg:$0x3];
	[sflag:s6] =	ssyncadd.s32 $0xFFFFF000  }
0xd8: {  	[hbm4b:s0+s2] =	stream.linear.scatter [tilespmem:s5], [sflag:$0x2], $0x1000, $0x38;
	[tilespmem:$0x6A00] =	vst v63  }
0xd9: {  	_ = 	snop  }
0xda: {  	[tilespmem:s11], [sflag:$0x1] =	stream.indirect.gather [hbm4b:s7+s8], $0x20, s30, s8, $0xb8;
	[tilespmem:$0x6A00] =	vst v63  }
0xdb: {  	_ =	swait.ge [sflag:s6], $0x1000  }
0xdc: {  	[sflag:s6] =	ssyncset.done $0x0  }
0xdd: {  	s0 =	rddreg [dreg:$0x4];
	[sflag:s6] =	ssyncadd.s32 $0xFFFFF000  }
0xde: {  	[hbm4b:s0+s2] =	stream.linear.scatter [tilespmem:s4], [sflag:$0x2], $0x1000, $0x38;
	[tilespmem:$0x6A00] =	vst v63  }
0xdf: {  	_ = 	snop  }
0xe0: {  	[tilespmem:s10], [sflag:$0x1] =	stream.indirect.gather [hbm4b:s7+s8], $0x20, s29, s8, $0xb8;
	[tilespmem:$0x6A00] =	vst v63  }
0xe1: {  	_ =	swait.ge [sflag:s6], $0x1000  }
0xe2: {  	[sflag:s6] =	ssyncset.done $0x0  }
0xe3: {  	s0 =	rddreg [dreg:$0x5];
	[sflag:s6] =	ssyncadd.s32 $0xFFFFF000  }
0xe4: {  	[hbm4b:s0+s2] =	stream.linear.scatter [tilespmem:s12], [sflag:$0x2], $0x1000, $0x38;
	[tilespmem:$0x6A00] =	vst v63  }
0xe5: {  	_ = 	snop  }
0xe6: {  	[tilespmem:s9], [sflag:$0x1] =	stream.indirect.gather [hbm4b:s7+s8], $0x20, s28, s8, $0xb8;
	[tilespmem:$0x6A00] =	vst v63  }
0xe7: {  	_ =	swait.ge [sflag:s6], $0x1000  }
0xe8: {  	[sflag:s6] =	ssyncset.done $0x0  }
0xe9: {  	s0 =	rddreg [dreg:$0x6];
	[sflag:s6] =	ssyncadd.s32 $0xFFFFF000  }
0xea: {  	[hbm4b:s0+s2] =	stream.linear.scatter [tilespmem:s11], [sflag:$0x2], $0x1000, $0x38;
	[tilespmem:$0x6A00] =	vst v63  }
0xeb: {  	_ =	swait.ge [sflag:s3], $0x1000  }
0xec: {  	[sflag:s3] =	ssyncset.done $0x0  }
0xed: {  	[sflag:s3] =	ssyncadd.s32 $0xFFFFF000  }
0xee: {  	[tilespmem:s5], [sflag:$0x1] =	stream.indirect.gather [hbm4b:s7+s8], $0x20, s26, s8, $0xb8;
	[tilespmem:$0x6A00] =	vst v63  }
0xef: {  	_ =	swait.ge [sflag:s6], $0x1000  }
0xf0: {  	[sflag:s6] =	ssyncset.done $0x0  }
0xf1: {  	s0 =	rddreg [dreg:$0x7];
	[sflag:s6] =	ssyncadd.s32 $0xFFFFF000  }
0xf2: {  	[hbm4b:s0+s2] =	stream.linear.scatter [tilespmem:s10], [sflag:$0x2], $0x1000, $0x38;
	[tilespmem:$0x6A00] =	vst v63  }
0xf3: {  	_ =	swait.ge [sflag:s3], $0x1000  }
0xf4: {  	[sflag:s3] =	ssyncset.done $0x0  }
0xf5: {  	[sflag:s3] =	ssyncadd.s32 $0xFFFFF000  }
0xf6: {  	[tilespmem:s4], [sflag:$0x1] =	stream.indirect.gather [hbm4b:s7+s8], $0x20, s25, s8, $0xb8;
	[tilespmem:$0x6A00] =	vst v63  }
0xf7: {  	_ =	swait.ge [sflag:s6], $0x1000  }
0xf8: {  	[sflag:s6] =	ssyncset.done $0x0  }
0xf9: {  	s0 =	rddreg [dreg:$0x8];
	[sflag:s6] =	ssyncadd.s32 $0xFFFFF000  }
0xfa: {  	[hbm4b:s0+s2] =	stream.linear.scatter [tilespmem:s9], [sflag:$0x2], $0x1000, $0x38;
	[tilespmem:$0x6A00] =	vst v63  }
0xfb: {  	_ =	swait.ge [sflag:s3], $0x1000  }
0xfc: {  	[sflag:s3] =	ssyncset.done $0x0  }
0xfd: {  	[sflag:s3] =	ssyncadd.s32 $0xFFFFF000  }
0xfe: {  	[tilespmem:s12], [sflag:$0x1] =	stream.indirect.gather [hbm4b:s7+s8], $0x20, s24, s8, $0xb8;
	[tilespmem:$0x6A00] =	vst v63  }
0xff: {  	_ =	swait.ge [sflag:s6], $0x1000  }
0x100: {  	[sflag:s6] =	ssyncset.done $0x0  }
0x101: {  	s0 =	rddreg [dreg:$0x9];
	[sflag:s6] =	ssyncadd.s32 $0xFFFFF000  }
0x102: {  	[hbm4b:s0+s2] =	stream.linear.scatter [tilespmem:s5], [sflag:$0x2], $0x1000, $0x38;
	[tilespmem:$0x6A00] =	vst v63  }
0x103: {  	_ =	swait.ge [sflag:s3], $0x1000  }
0x104: {  	[sflag:s3] =	ssyncset.done $0x0  }
0x105: {  	[sflag:s3] =	ssyncadd.s32 $0xFFFFF000  }
0x106: {  	[tilespmem:s11], [sflag:$0x1] =	stream.indirect.gather [hbm4b:s7+s8], $0x20, s23, s8, $0xb8;
	[tilespmem:$0x6A00] =	vst v63  }
0x107: {  	_ =	swait.ge [sflag:s6], $0x1000  }
0x108: {  	[sflag:s6] =	ssyncset.done $0x0  }
0x109: {  	s0 =	rddreg [dreg:$0xa];
	[sflag:s6] =	ssyncadd.s32 $0xFFFFF000  }
0x10a: {  	[hbm4b:s0+s2] =	stream.linear.scatter [tilespmem:s4], [sflag:$0x2], $0x1000, $0x38;
	[tilespmem:$0x6A00] =	vst v63  }
0x10b: {  	_ =	swait.ge [sflag:s3], $0x1000  }
0x10c: {  	[sflag:s3] =	ssyncset.done $0x0  }
0x10d: {  	[sflag:s3] =	ssyncadd.s32 $0xFFFFF000  }
0x10e: {  	[tilespmem:s10], [sflag:$0x1] =	stream.indirect.gather [hbm4b:s7+s8], $0x20, s22, s8, $0xb8;
	[tilespmem:$0x6A00] =	vst v63  }
0x10f: {  	_ =	swait.ge [sflag:s6], $0x1000  }
0x110: {  	[sflag:s6] =	ssyncset.done $0x0  }
0x111: {  	s0 =	rddreg [dreg:$0xb];
	[sflag:s6] =	ssyncadd.s32 $0xFFFFF000  }
0x112: {  	[hbm4b:s0+s2] =	stream.linear.scatter [tilespmem:s12], [sflag:$0x2], $0x1000, $0x38;
	[tilespmem:$0x6A00] =	vst v63  }
0x113: {  	_ =	swait.ge [sflag:s3], $0x1000  }
0x114: {  	[sflag:s3] =	ssyncset.done $0x0  }
0x115: {  	[sflag:s3] =	ssyncadd.s32 $0xFFFFF000  }
0x116: {  	[tilespmem:s9], [sflag:$0x1] =	stream.indirect.gather [hbm4b:s7+s8], $0x20, s21, s8, $0xb8;
	[tilespmem:$0x6A00] =	vst v63  }
0x117: {  	_ =	swait.ge [sflag:s6], $0x1000  }
0x118: {  	[sflag:s6] =	ssyncset.done $0x0  }
0x119: {  	s0 =	rddreg [dreg:$0xc];
	[sflag:s6] =	ssyncadd.s32 $0xFFFFF000  }
0x11a: {  	[hbm4b:s0+s2] =	stream.linear.scatter [tilespmem:s11], [sflag:$0x2], $0x1000, $0x38;
	[tilespmem:$0x6A00] =	vst v63  }
0x11b: {  	_ =	swait.ge [sflag:s3], $0x1000  }
0x11c: {  	[sflag:s3] =	ssyncset.done $0x0  }
0x11d: {  	[sflag:s3] =	ssyncadd.s32 $0xFFFFF000  }
0x11e: {  	[tilespmem:s5], [sflag:$0x1] =	stream.indirect.gather [hbm4b:s7+s8], $0x20, s20, s8, $0xb8;
	[tilespmem:$0x6A00] =	vst v63  }
0x11f: {  	_ =	swait.ge [sflag:s6], $0x1000  }
0x120: {  	[sflag:s6] =	ssyncset.done $0x0  }
0x121: {  	s0 =	rddreg [dreg:$0xd];
	[sflag:s6] =	ssyncadd.s32 $0xFFFFF000  }
0x122: {  	[hbm4b:s0+s2] =	stream.linear.scatter [tilespmem:s10], [sflag:$0x2], $0x1000, $0x38;
	[tilespmem:$0x6A00] =	vst v63  }
0x123: {  	_ =	swait.ge [sflag:s3], $0x1000  }
0x124: {  	[sflag:s3] =	ssyncset.done $0x0  }
0x125: {  	[sflag:s3] =	ssyncadd.s32 $0xFFFFF000  }
0x126: {  	[tilespmem:s4], [sflag:$0x1] =	stream.indirect.gather [hbm4b:s7+s8], $0x20, s19, s8, $0xb8;
	[tilespmem:$0x6A00] =	vst v63  }
0x127: {  	_ =	swait.ge [sflag:s6], $0x1000  }
0x128: {  	[sflag:s6] =	ssyncset.done $0x0  }
0x129: {  	s0 =	rddreg [dreg:$0xe];
	[sflag:s6] =	ssyncadd.s32 $0xFFFFF000  }
0x12a: {  	[hbm4b:s0+s2] =	stream.linear.scatter [tilespmem:s9], [sflag:$0x2], $0x1000, $0x38;
	[tilespmem:$0x6A00] =	vst v63  }
0x12b: {  	_ =	swait.ge [sflag:s3], $0x1000  }
0x12c: {  	[sflag:s3] =	ssyncset.done $0x0  }
0x12d: {  	[sflag:s3] =	ssyncadd.s32 $0xFFFFF000  }
0x12e: {  	[tilespmem:s12], [sflag:$0x1] =	stream.indirect.gather [hbm4b:s7+s8], $0x20, s18, s8, $0xb8;
	[tilespmem:$0x6A00] =	vst v63  }
0x12f: {  	_ =	swait.ge [sflag:s6], $0x1000  }
0x130: {  	[sflag:s6] =	ssyncset.done $0x0  }
0x131: {  	s0 =	rddreg [dreg:$0xf];
	[sflag:s6] =	ssyncadd.s32 $0xFFFFF000  }
0x132: {  	[hbm4b:s0+s2] =	stream.linear.scatter [tilespmem:s5], [sflag:$0x2], $0x1000, $0x38;
	[tilespmem:$0x6A00] =	vst v63  }
0x133: {  	_ =	swait.ge [sflag:s3], $0x1000  }
0x134: {  	[sflag:s3] =	ssyncset.done $0x0  }
0x135: {  	[sflag:s3] =	ssyncadd.s32 $0xFFFFF000  }
0x136: {  	[tilespmem:s11], [sflag:$0x1] =	stream.indirect.gather [hbm4b:s7+s8], $0x20, s17, s8, $0xb8;
	[tilespmem:$0x6A00] =	vst v63  }
0x137: {  	_ =	swait.ge [sflag:s6], $0x1000  }
0x138: {  	[sflag:s6] =	ssyncset.done $0x0  }
0x139: {  	s0 =	rddreg [dreg:$0x10];
	[sflag:s6] =	ssyncadd.s32 $0xFFFFF000  }
0x13a: {  	[hbm4b:s0+s2] =	stream.linear.scatter [tilespmem:s4], [sflag:$0x2], $0x1000, $0x38;
	[tilespmem:$0x6A00] =	vst v63  }
0x13b: {  	_ =	swait.ge [sflag:s3], $0x1000  }
0x13c: {  	[sflag:s3] =	ssyncset.done $0x0  }
0x13d: {  	[sflag:s3] =	ssyncadd.s32 $0xFFFFF000  }
0x13e: {  	[tilespmem:s10], [sflag:$0x1] =	stream.indirect.gather [hbm4b:s7+s8], $0x20, s16, s8, $0xb8;
	[tilespmem:$0x6A00] =	vst v63  }
0x13f: {  	_ =	swait.ge [sflag:s6], $0x1000  }
0x140: {  	[sflag:s6] =	ssyncset.done $0x0  }
0x141: {  	s0 =	rddreg [dreg:$0x11];
	[sflag:s6] =	ssyncadd.s32 $0xFFFFF000  }
0x142: {  	[hbm4b:s0+s2] =	stream.linear.scatter [tilespmem:s12], [sflag:$0x2], $0x1000, $0x38;
	[tilespmem:$0x6A00] =	vst v63  }
0x143: {  	_ =	swait.ge [sflag:s3], $0x1000  }
0x144: {  	[sflag:s3] =	ssyncset.done $0x0  }
0x145: {  	[sflag:s3] =	ssyncadd.s32 $0xFFFFF000  }
0x146: {  	[tilespmem:s9], [sflag:$0x1] =	stream.indirect.gather [hbm4b:s7+s8], $0x20, s15, s8, $0xb8;
	[tilespmem:$0x6A00] =	vst v63  }
0x147: {  	_ =	swait.ge [sflag:s6], $0x1000  }
0x148: {  	[sflag:s6] =	ssyncset.done $0x0  }
0x149: {  	s0 =	rddreg [dreg:$0x12];
	[sflag:s6] =	ssyncadd.s32 $0xFFFFF000  }
0x14a: {  	[hbm4b:s0+s2] =	stream.linear.scatter [tilespmem:s11], [sflag:$0x2], $0x1000, $0x38;
	[tilespmem:$0x6A00] =	vst v63  }
0x14b: {  	_ =	swait.ge [sflag:s3], $0x1000  }
0x14c: {  	[sflag:s3] =	ssyncset.done $0x0  }
0x14d: {  	[sflag:s3] =	ssyncadd.s32 $0xFFFFF000  }
0x14e: {  	[tilespmem:s5], [sflag:$0x1] =	stream.indirect.gather [hbm4b:s7+s8], $0x20, s14, s8, $0xb8;
	[tilespmem:$0x6A00] =	vst v63  }
0x14f: {  	_ =	swait.ge [sflag:s6], $0x1000  }
0x150: {  	[sflag:s6] =	ssyncset.done $0x0  }
0x151: {  	s0 =	rddreg [dreg:$0x13];
	[sflag:s6] =	ssyncadd.s32 $0xFFFFF000  }
0x152: {  	[hbm4b:s0+s2] =	stream.linear.scatter [tilespmem:s10], [sflag:$0x2], $0x1000, $0x38;
	[tilespmem:$0x6A00] =	vst v63  }
0x153: {  	_ =	swait.ge [sflag:s3], $0x1000  }
0x154: {  	[sflag:s3] =	ssyncset.done $0x0  }
0x155: {  	[sflag:s3] =	ssyncadd.s32 $0xFFFFF000  }
0x156: {  	[tilespmem:s4], [sflag:$0x1] =	stream.indirect.gather [hbm4b:s7+s8], $0x20, s13, s8, $0xb8;
	[tilespmem:$0x6A00] =	vst v63  }
0x157: {  	_ =	swait.ge [sflag:s6], $0x1000  }
0x158: {  	[sflag:s6] =	ssyncset.done $0x0  }
0x159: {  	s0 =	rddreg [dreg:$0x14];
	[sflag:s6] =	ssyncadd.s32 $0xFFFFF000  }
0x15a: {  	[hbm4b:s0+s2] =	stream.linear.scatter [tilespmem:s9], [sflag:$0x2], $0x1000, $0x38;
	[tilespmem:$0x6A00] =	vst v63  }
0x15b: {  	_ =	swait.ge [sflag:s6], $0x1000  }
0x15c: {  	[sflag:s6] =	ssyncset.done $0x0  }
0x15d: {  	s0 =	rddreg [dreg:$0x15];
	[sflag:s6] =	ssyncadd.s32 $0xFFFFF000  }
0x15e: {  	[hbm4b:s0+s2] =	stream.linear.scatter [tilespmem:s5], [sflag:$0x2], $0x1000, $0x38;
	[tilespmem:$0x6A00] =	vst v63  }
0x15f: {  	_ =	swait.ge [sflag:s6], $0x1000  }
0x160: {  	[sflag:s6] =	ssyncset.done $0x0  }
0x161: {  	s0 =	rddreg [dreg:$0x16];
	[sflag:s6] =	ssyncadd.s32 $0xFFFFF000  }
0x162: {  	[hbm4b:s0+s2] =	stream.linear.scatter [tilespmem:s4], [sflag:$0x2], $0x1000, $0x38;
	[tilespmem:$0x6A00] =	vst v63  }
0x163: {  	_ =	swait.ge [sflag:s3], $0x1000  }
0x164: {  	[sflag:s3] =	ssyncset.done $0x0  }
0x165: {  	[sflag:s3] =	ssyncadd.s32 $0xFFFFF000  }
0x166: {  	_ =	swait.ge [sflag:s3], $0x1000  }
0x167: {  	[sflag:s3] =	ssyncset.done $0x0  }
0x168: {  	[sflag:s3] =	ssyncadd.s32 $0xFFFFF000  }
0x169: {  	_ =	swait.ge [sflag:s3], $0x1000  }
0x16a: {  	[sflag:s3] =	ssyncset.done $0x0  }
0x16b: {  	[sflag:s3] =	ssyncadd.s32 $0xFFFFF000  }
0x16c: {  	_ =	swait.ge [sflag:s3], $0x1000  }
0x16d: {  	[sflag:s3] =	ssyncset.done $0x0  }
0x16e: {  	p1 =	sne.s32 s1, $0x1;
	[sflag:s3] =	ssyncadd.s32 $0xFFFFF000  }
.Ltmp2:
0x16f: {  	_ =	swait.ge [sflag:s3], $0x1000;
	(pc) =	sbr.rel @p1 .LBB2_2-.Ltmp2, $4  }
0x170: {  	[sflag:s3] =	ssyncset.done $0x0  }
0x171: {  	[sflag:s3] =	ssyncadd.s32 $0xFFFFF000  }
0x172: {  	_ =	swait.ge [sflag:s3], $0x1000  }
0x173: {  	s1 =	sadd.s32 $0xFFFFFFFF, s1;
	s0 =	rddreg [dreg:$0x2];
	[sflag:s3] =	ssyncset.done $0x0  }
.LBB2_3:
0x174: {  	[sflag:s3] =	ssyncadd.s32 @p0 $0xFFFFF000  }
0x175: {  	[tilespmem:s2], [sflag:$0x3] =	stream.linear.gather [hbm4b:s0+s2], $0xA00, $0x38;
	[tilespmem:$0x6A00] =	vst v63  }
0x176: {  	_ =	swait.ge [sflag:s31], $0xA00  }
0x177: {  	[sflag:s31] =	ssyncset.done $0x0  }
0x178: {  	[sflag:s31] =	ssyncadd.s32 $0xFFFFF600  }
0x179: {  	[tilespmem:s5], [sflag:$0x1] =	stream.indirect.gather [hbm4b:s7+s8], $0x20, s2, s8, $0xb8;
	[tilespmem:$0x6A00] =	vst v63  }
0x17a: {  	_ = 	snop  }
0x17b: {  	[tilespmem:s4], [sflag:$0x1] =	stream.indirect.gather [hbm4b:s7+s8], $0x20, s8, s8, $0xb8;
	[tilespmem:$0x6A00] =	vst v63  }
0x17c: {  	s31 =	rddreg [dreg:$0x17]  }
0x17d: {  	[tilespmem:s12], [sflag:$0x1] =	stream.indirect.gather [hbm4b:s7+s8], $0x20, s31, s8, $0xb8;
	[tilespmem:$0x6A00] =	vst v63  }
0x17e: {  	_ =	swait.ge [sflag:s6], $0x1000  }
0x17f: {  	[sflag:s6] =	ssyncset.done $0x0  }
0x180: {  	s1 =	rddreg [dreg:$0x3];
	[sflag:s6] =	ssyncadd.s32 $0xFFFFF000  }
0x181: {  	[hbm4b:s1+s2] =	stream.linear.scatter [tilespmem:s5], [sflag:$0x2], $0x1000, $0x38;
	[tilespmem:$0x6A00] =	vst v63  }
0x182: {  	_ = 	snop  }
0x183: {  	[tilespmem:s11], [sflag:$0x1] =	stream.indirect.gather [hbm4b:s7+s8], $0x20, s30, s8, $0xb8;
	[tilespmem:$0x6A00] =	vst v63  }
0x184: {  	_ =	swait.ge [sflag:s6], $0x1000  }
0x185: {  	[sflag:s6] =	ssyncset.done $0x0  }
0x186: {  	s30 =	rddreg [dreg:$0x4];
	[sflag:s6] =	ssyncadd.s32 $0xFFFFF000  }
0x187: {  	[hbm4b:s30+s2] =	stream.linear.scatter [tilespmem:s4], [sflag:$0x2], $0x1000, $0x38;
	[tilespmem:$0x6A00] =	vst v63  }
0x188: {  	_ = 	snop  }
0x189: {  	[tilespmem:s10], [sflag:$0x1] =	stream.indirect.gather [hbm4b:s7+s8], $0x20, s29, s8, $0xb8;
	[tilespmem:$0x6A00] =	vst v63  }
0x18a: {  	_ =	swait.ge [sflag:s6], $0x1000  }
0x18b: {  	[sflag:s6] =	ssyncset.done $0x0  }
0x18c: {  	s31 =	rddreg [dreg:$0x5];
	[sflag:s6] =	ssyncadd.s32 $0xFFFFF000  }
0x18d: {  	[hbm4b:s31+s2] =	stream.linear.scatter [tilespmem:s12], [sflag:$0x2], $0x1000, $0x38;
	[tilespmem:$0x6A00] =	vst v63  }
0x18e: {  	_ = 	snop  }
0x18f: {  	[tilespmem:s9], [sflag:$0x1] =	stream.indirect.gather [hbm4b:s7+s8], $0x20, s28, s8, $0xb8;
	[tilespmem:$0x6A00] =	vst v63  }
0x190: {  	_ =	swait.ge [sflag:s6], $0x1000  }
0x191: {  	[sflag:s6] =	ssyncset.done $0x0  }
0x192: {  	s1 =	rddreg [dreg:$0x6];
	[sflag:s6] =	ssyncadd.s32 $0xFFFFF000  }
0x193: {  	[hbm4b:s1+s2] =	stream.linear.scatter [tilespmem:s11], [sflag:$0x2], $0x1000, $0x38;
	[tilespmem:$0x6A00] =	vst v63  }
0x194: {  	_ =	swait.ge [sflag:s3], $0x1000  }
0x195: {  	[sflag:s3] =	ssyncset.done $0x0  }
0x196: {  	[sflag:s3] =	ssyncadd.s32 $0xFFFFF000  }
0x197: {  	[tilespmem:s5], [sflag:$0x1] =	stream.indirect.gather [hbm4b:s7+s8], $0x20, s26, s8, $0xb8;
	[tilespmem:$0x6A00] =	vst v63  }
0x198: {  	_ =	swait.ge [sflag:s6], $0x1000  }
0x199: {  	[sflag:s6] =	ssyncset.done $0x0  }
0x19a: {  	s26 =	rddreg [dreg:$0x7];
	[sflag:s6] =	ssyncadd.s32 $0xFFFFF000  }
0x19b: {  	[hbm4b:s26+s2] =	stream.linear.scatter [tilespmem:s10], [sflag:$0x2], $0x1000, $0x38;
	[tilespmem:$0x6A00] =	vst v63  }
0x19c: {  	_ =	swait.ge [sflag:s3], $0x1000  }
0x19d: {  	[sflag:s3] =	ssyncset.done $0x0  }
0x19e: {  	[sflag:s3] =	ssyncadd.s32 $0xFFFFF000  }
0x19f: {  	[tilespmem:s4], [sflag:$0x1] =	stream.indirect.gather [hbm4b:s7+s8], $0x20, s25, s8, $0xb8;
	[tilespmem:$0x6A00] =	vst v63  }
0x1a0: {  	_ =	swait.ge [sflag:s6], $0x1000  }
0x1a1: {  	[sflag:s6] =	ssyncset.done $0x0  }
0x1a2: {  	s28 =	rddreg [dreg:$0x8];
	[sflag:s6] =	ssyncadd.s32 $0xFFFFF000  }
0x1a3: {  	[hbm4b:s28+s2] =	stream.linear.scatter [tilespmem:s9], [sflag:$0x2], $0x1000, $0x38;
	[tilespmem:$0x6A00] =	vst v63  }
0x1a4: {  	_ =	swait.ge [sflag:s3], $0x1000  }
0x1a5: {  	[sflag:s3] =	ssyncset.done $0x0  }
0x1a6: {  	[sflag:s3] =	ssyncadd.s32 $0xFFFFF000  }
0x1a7: {  	[tilespmem:s12], [sflag:$0x1] =	stream.indirect.gather [hbm4b:s7+s8], $0x20, s24, s8, $0xb8;
	[tilespmem:$0x6A00] =	vst v63  }
0x1a8: {  	_ =	swait.ge [sflag:s6], $0x1000  }
0x1a9: {  	[sflag:s6] =	ssyncset.done $0x0  }
0x1aa: {  	s29 =	rddreg [dreg:$0x9];
	[sflag:s6] =	ssyncadd.s32 $0xFFFFF000  }
0x1ab: {  	[hbm4b:s29+s2] =	stream.linear.scatter [tilespmem:s5], [sflag:$0x2], $0x1000, $0x38;
	[tilespmem:$0x6A00] =	vst v63  }
0x1ac: {  	_ =	swait.ge [sflag:s3], $0x1000  }
0x1ad: {  	[sflag:s3] =	ssyncset.done $0x0  }
0x1ae: {  	[sflag:s3] =	ssyncadd.s32 $0xFFFFF000  }
0x1af: {  	[tilespmem:s11], [sflag:$0x1] =	stream.indirect.gather [hbm4b:s7+s8], $0x20, s23, s8, $0xb8;
	[tilespmem:$0x6A00] =	vst v63  }
0x1b0: {  	_ =	swait.ge [sflag:s6], $0x1000  }
0x1b1: {  	[sflag:s6] =	ssyncset.done $0x0  }
0x1b2: {  	s30 =	rddreg [dreg:$0xa];
	[sflag:s6] =	ssyncadd.s32 $0xFFFFF000  }
0x1b3: {  	[hbm4b:s30+s2] =	stream.linear.scatter [tilespmem:s4], [sflag:$0x2], $0x1000, $0x38;
	[tilespmem:$0x6A00] =	vst v63  }
0x1b4: {  	_ =	swait.ge [sflag:s3], $0x1000  }
0x1b5: {  	[sflag:s3] =	ssyncset.done $0x0  }
0x1b6: {  	[sflag:s3] =	ssyncadd.s32 $0xFFFFF000  }
0x1b7: {  	[tilespmem:s10], [sflag:$0x1] =	stream.indirect.gather [hbm4b:s7+s8], $0x20, s22, s8, $0xb8;
	[tilespmem:$0x6A00] =	vst v63  }
0x1b8: {  	_ =	swait.ge [sflag:s6], $0x1000  }
0x1b9: {  	[sflag:s6] =	ssyncset.done $0x0  }
0x1ba: {  	s31 =	rddreg [dreg:$0xb];
	[sflag:s6] =	ssyncadd.s32 $0xFFFFF000  }
0x1bb: {  	[hbm4b:s31+s2] =	stream.linear.scatter [tilespmem:s12], [sflag:$0x2], $0x1000, $0x38;
	[tilespmem:$0x6A00] =	vst v63  }
0x1bc: {  	_ =	swait.ge [sflag:s3], $0x1000  }
0x1bd: {  	[sflag:s3] =	ssyncset.done $0x0  }
0x1be: {  	[sflag:s3] =	ssyncadd.s32 $0xFFFFF000  }
0x1bf: {  	[tilespmem:s9], [sflag:$0x1] =	stream.indirect.gather [hbm4b:s7+s8], $0x20, s21, s8, $0xb8;
	[tilespmem:$0x6A00] =	vst v63  }
0x1c0: {  	_ =	swait.ge [sflag:s6], $0x1000  }
0x1c1: {  	[sflag:s6] =	ssyncset.done $0x0  }
0x1c2: {  	s1 =	rddreg [dreg:$0xc];
	[sflag:s6] =	ssyncadd.s32 $0xFFFFF000  }
0x1c3: {  	[hbm4b:s1+s2] =	stream.linear.scatter [tilespmem:s11], [sflag:$0x2], $0x1000, $0x38;
	[tilespmem:$0x6A00] =	vst v63  }
0x1c4: {  	_ =	swait.ge [sflag:s3], $0x1000  }
0x1c5: {  	[sflag:s3] =	ssyncset.done $0x0  }
0x1c6: {  	[sflag:s3] =	ssyncadd.s32 $0xFFFFF000  }
0x1c7: {  	[tilespmem:s5], [sflag:$0x1] =	stream.indirect.gather [hbm4b:s7+s8], $0x20, s20, s8, $0xb8;
	[tilespmem:$0x6A00] =	vst v63  }
0x1c8: {  	_ =	swait.ge [sflag:s6], $0x1000  }
0x1c9: {  	[sflag:s6] =	ssyncset.done $0x0  }
0x1ca: {  	s20 =	rddreg [dreg:$0xd];
	[sflag:s6] =	ssyncadd.s32 $0xFFFFF000  }
0x1cb: {  	[hbm4b:s20+s2] =	stream.linear.scatter [tilespmem:s10], [sflag:$0x2], $0x1000, $0x38;
	[tilespmem:$0x6A00] =	vst v63  }
0x1cc: {  	_ =	swait.ge [sflag:s3], $0x1000  }
0x1cd: {  	[sflag:s3] =	ssyncset.done $0x0  }
0x1ce: {  	[sflag:s3] =	ssyncadd.s32 $0xFFFFF000  }
0x1cf: {  	[tilespmem:s4], [sflag:$0x1] =	stream.indirect.gather [hbm4b:s7+s8], $0x20, s19, s8, $0xb8;
	[tilespmem:$0x6A00] =	vst v63  }
0x1d0: {  	_ =	swait.ge [sflag:s6], $0x1000  }
0x1d1: {  	[sflag:s6] =	ssyncset.done $0x0  }
0x1d2: {  	s21 =	rddreg [dreg:$0xe];
	[sflag:s6] =	ssyncadd.s32 $0xFFFFF000  }
0x1d3: {  	[hbm4b:s21+s2] =	stream.linear.scatter [tilespmem:s9], [sflag:$0x2], $0x1000, $0x38;
	[tilespmem:$0x6A00] =	vst v63  }
0x1d4: {  	_ =	swait.ge [sflag:s3], $0x1000  }
0x1d5: {  	[sflag:s3] =	ssyncset.done $0x0  }
0x1d6: {  	[sflag:s3] =	ssyncadd.s32 $0xFFFFF000  }
0x1d7: {  	[tilespmem:s12], [sflag:$0x1] =	stream.indirect.gather [hbm4b:s7+s8], $0x20, s18, s8, $0xb8;
	[tilespmem:$0x6A00] =	vst v63  }
0x1d8: {  	_ =	swait.ge [sflag:s6], $0x1000  }
0x1d9: {  	[sflag:s6] =	ssyncset.done $0x0  }
0x1da: {  	s22 =	rddreg [dreg:$0xf];
	[sflag:s6] =	ssyncadd.s32 $0xFFFFF000  }
0x1db: {  	[hbm4b:s22+s2] =	stream.linear.scatter [tilespmem:s5], [sflag:$0x2], $0x1000, $0x38;
	[tilespmem:$0x6A00] =	vst v63  }
0x1dc: {  	_ =	swait.ge [sflag:s3], $0x1000  }
0x1dd: {  	[sflag:s3] =	ssyncset.done $0x0  }
0x1de: {  	[sflag:s3] =	ssyncadd.s32 $0xFFFFF000  }
0x1df: {  	[tilespmem:s11], [sflag:$0x1] =	stream.indirect.gather [hbm4b:s7+s8], $0x20, s17, s8, $0xb8;
	[tilespmem:$0x6A00] =	vst v63  }
0x1e0: {  	_ =	swait.ge [sflag:s6], $0x1000  }
0x1e1: {  	[sflag:s6] =	ssyncset.done $0x0  }
0x1e2: {  	s23 =	rddreg [dreg:$0x10];
	[sflag:s6] =	ssyncadd.s32 $0xFFFFF000  }
0x1e3: {  	[hbm4b:s23+s2] =	stream.linear.scatter [tilespmem:s4], [sflag:$0x2], $0x1000, $0x38;
	[tilespmem:$0x6A00] =	vst v63  }
0x1e4: {  	_ =	swait.ge [sflag:s3], $0x1000  }
0x1e5: {  	[sflag:s3] =	ssyncset.done $0x0  }
0x1e6: {  	[sflag:s3] =	ssyncadd.s32 $0xFFFFF000  }
0x1e7: {  	[tilespmem:s10], [sflag:$0x1] =	stream.indirect.gather [hbm4b:s7+s8], $0x20, s16, s8, $0xb8;
	[tilespmem:$0x6A00] =	vst v63  }
0x1e8: {  	_ =	swait.ge [sflag:s6], $0x1000  }
0x1e9: {  	[sflag:s6] =	ssyncset.done $0x0  }
0x1ea: {  	s24 =	rddreg [dreg:$0x11];
	[sflag:s6] =	ssyncadd.s32 $0xFFFFF000  }
0x1eb: {  	[hbm4b:s24+s2] =	stream.linear.scatter [tilespmem:s12], [sflag:$0x2], $0x1000, $0x38;
	[tilespmem:$0x6A00] =	vst v63  }
0x1ec: {  	_ =	swait.ge [sflag:s3], $0x1000  }
0x1ed: {  	[sflag:s3] =	ssyncset.done $0x0  }
0x1ee: {  	[sflag:s3] =	ssyncadd.s32 $0xFFFFF000  }
0x1ef: {  	[tilespmem:s9], [sflag:$0x1] =	stream.indirect.gather [hbm4b:s7+s8], $0x20, s15, s8, $0xb8;
	[tilespmem:$0x6A00] =	vst v63  }
0x1f0: {  	_ =	swait.ge [sflag:s6], $0x1000  }
0x1f1: {  	[sflag:s6] =	ssyncset.done $0x0  }
0x1f2: {  	s25 =	rddreg [dreg:$0x12];
	[sflag:s6] =	ssyncadd.s32 $0xFFFFF000  }
0x1f3: {  	[hbm4b:s25+s2] =	stream.linear.scatter [tilespmem:s11], [sflag:$0x2], $0x1000, $0x38;
	[tilespmem:$0x6A00] =	vst v63  }
0x1f4: {  	_ =	swait.ge [sflag:s3], $0x1000  }
0x1f5: {  	[sflag:s3] =	ssyncset.done $0x0  }
0x1f6: {  	[sflag:s3] =	ssyncadd.s32 $0xFFFFF000  }
0x1f7: {  	[tilespmem:s5], [sflag:$0x1] =	stream.indirect.gather [hbm4b:s7+s8], $0x20, s14, s8, $0xb8;
	[tilespmem:$0x6A00] =	vst v63  }
0x1f8: {  	_ =	swait.ge [sflag:s6], $0x1000  }
0x1f9: {  	[sflag:s6] =	ssyncset.done $0x0  }
0x1fa: {  	s26 =	rddreg [dreg:$0x13];
	[sflag:s6] =	ssyncadd.s32 $0xFFFFF000  }
0x1fb: {  	[hbm4b:s26+s2] =	stream.linear.scatter [tilespmem:s10], [sflag:$0x2], $0x1000, $0x38;
	[tilespmem:$0x6A00] =	vst v63  }
0x1fc: {  	_ =	swait.ge [sflag:s3], $0x1000  }
0x1fd: {  	[sflag:s3] =	ssyncset.done $0x0  }
0x1fe: {  	[sflag:s3] =	ssyncadd.s32 $0xFFFFF000  }
0x1ff: {  	[tilespmem:s4], [sflag:$0x1] =	stream.indirect.gather [hbm4b:s7+s8], $0x20, s13, s8, $0xb8;
	[tilespmem:$0x6A00] =	vst v63  }
0x200: {  	_ =	swait.ge [sflag:s6], $0x1000  }
0x201: {  	[sflag:s6] =	ssyncset.done $0x0  }
0x202: {  	s28 =	rddreg [dreg:$0x14];
	[sflag:s6] =	ssyncadd.s32 $0xFFFFF000  }
0x203: {  	[hbm4b:s28+s2] =	stream.linear.scatter [tilespmem:s9], [sflag:$0x2], $0x1000, $0x38;
	[tilespmem:$0x6A00] =	vst v63  }
0x204: {  	_ =	swait.ge [sflag:s6], $0x1000  }
0x205: {  	[sflag:s6] =	ssyncset.done $0x0  }
0x206: {  	s29 =	rddreg [dreg:$0x15];
	[sflag:s6] =	ssyncadd.s32 $0xFFFFF000  }
0x207: {  	[hbm4b:s29+s2] =	stream.linear.scatter [tilespmem:s5], [sflag:$0x2], $0x1000, $0x38;
	[tilespmem:$0x6A00] =	vst v63  }
0x208: {  	_ =	swait.ge [sflag:s6], $0x1000  }
0x209: {  	[sflag:s6] =	ssyncset.done $0x0  }
0x20a: {  	s30 =	rddreg [dreg:$0x16];
	[sflag:s6] =	ssyncadd.s32 $0xFFFFF000  }
0x20b: {  	[hbm4b:s30+s2] =	stream.linear.scatter [tilespmem:s4], [sflag:$0x2], $0x1000, $0x38;
	[tilespmem:$0x6A00] =	vst v63  }
0x20c: {  	_ =	swait.ge [sflag:s3], $0x1000  }
0x20d: {  	[sflag:s3] =	ssyncset.done $0x0  }
0x20e: {  	[sflag:s3] =	ssyncadd.s32 $0xFFFFF000  }
0x20f: {  	_ =	swait.ge [sflag:s3], $0x1000  }
0x210: {  	[sflag:s3] =	ssyncset.done $0x0  }
0x211: {  	[sflag:s3] =	ssyncadd.s32 $0xFFFFF000  }
0x212: {  	_ =	swait.ge [sflag:s3], $0x1000  }
0x213: {  	[sflag:s3] =	ssyncset.done $0x0  }
0x214: {  	[sflag:s3] =	ssyncadd.s32 $0xFFFFF000  }
0x215: {  	_ =	swait.ge [sflag:s3], $0x1000  }
0x216: {  	[sflag:s3] =	ssyncset.done $0x0  }
0x217: {  	[sflag:s3] =	ssyncadd.s32 $0xFFFFF000  }
0x218: {  	_ =	swait.ge [sflag:s3], $0x1000  }
0x219: {  	[sflag:s3] =	ssyncset.done $0x0  }
0x21a: {  	[sflag:s3] =	ssyncadd.s32 $0xFFFFF000  }
0x21b: {  	_ =	swait.ge [sflag:s3], $0x1000  }
0x21c: {  	[sflag:s3] =	ssyncset.done $0x0  }
0x21d: {  	[sflag:s3] =	ssyncadd.s32 $0xFFFFF000  }
0x21e: {  	_ =	sfence.sel $0x180000  }
0x21f: {  	[bflag:$0x0] =	sbarrier.arrive $0xFFFF  }
0x220: {  	_ =	strace $0x90000047  }
0x221: {  	s31 =	stileid.u32;
	[bflag:$0x2] =	sbarrier.arrive $0xFFFF  }
0x222: {  	p0 =	sne.s32 s31, $0x0;
	s0 =	rddreg [dreg:$0x1]  }
0x223: {  	s0 =	sadd.s32 @!p0 $0x100000, s0  }
0x224: {  	[sflag:s0] =	ssyncadd.tile.s32 @!p0 $0x1;
	_ =	shalt  }
.Lfunc_end2:
_tile_overlayer_lowered:
.L_overlay_start_2:
0x225: {  	(tag) =	ssettag $0x2  }
0x226: {  	s0 =	rddreg [dreg:$0x0];
	s2 =	stileid.u32  }
0x227: {  	s1 =	rddreg [dreg:$0x1];
	p0 =	sne.s32 s2, $0x0  }
0x228: {  	s3 =	rddreg [dreg:$0x2];
	[bflag:$0x3] =	sbarrier.arrive $0xFFFF;
	s2 =	simm.s32 @!p0 $0x1C03  }
0x229: {  	[timem:s3], [sflag:s2] =	dma.local @!p0 [hbm:s0], s1  }
0x22a: {  	s0 =	simm.s32 @!p0 $0x3  }
0x22b: {  	_ =	swait.ge @!p0 [sflag:s0], s1  }
0x22c: {  	s1 =	ssub.s32 @!p0 $0x0, s1;
	[sflag:s0] =	ssyncset.done @!p0 $0x0  }
0x22d: {  	[sflag:s0] =	ssyncadd.s32 @!p0 s1  }
0x22e: {  	[bflag:$0x3] =	sbarrier.arrive $0xFFFF  }
0x22f: {  	_ =	shalt  }

</sc_bundles>
